<compile_context>
chip_gen: v7x
topology: tpu7x:2x2x1
jax: 0.10.2.dev20260603
libtpu: 0.0.44.dev20260713+nightly
codegen_flags: <defaults>
</compile_context>

<pallas_src>
import functools

import jax
import jax.numpy as jnp
from jax import lax
from jax.experimental import pallas as pl
from jax.experimental.pallas import tpu as pltpu
from jax.experimental.pallas import tpu_sc as plsc

D = 128
W_AUG = 144
NC, NS, LANES = 2, 16, 16
NW = NC * NS
BATCH = 128
GROUP = 1
FRAC_CORE0 = 0.85


def _agg_body(n_nodes, n_pad, r0pt, r1pt, table, src2d, dst2d, out,
              idx_s, idx_d, r00, r10, s00, s10, acc):
    cid = lax.axis_index("c")
    sid = lax.axis_index("s")
    bufs = ((r00,), (r10,))
    sems = ((s00,), (s10,))
    ngroups = jnp.where(cid == 0, r0pt, r1pt)
    row_base = jnp.where(cid == 0, sid * r0pt, NS * r0pt + sid * r1pt)

    def zr(r, carry):
        for s in range(2):
            for b in range(GROUP):
                for cc in range(W_AUG // LANES):
                    bufs[s][b][r, pl.ds(cc * LANES, LANES)] = jnp.zeros(
                        (LANES,), jnp.float32)
        return carry
    lax.fori_loop(0, BATCH, zr, 0)
    zchunks = n_pad // NS // BATCH
    for k in range(zchunks):
        pltpu.sync_copy(r00, acc.at[pl.ds((sid * zchunks + k) * BATCH, BATCH)])
    for b in range(GROUP):
        for cc in range(BATCH // LANES):
            idx_d[1, b, pl.ds(cc * LANES, LANES)] = jnp.full(
                (LANES,), n_nodes, jnp.int32)
    plsc.subcore_barrier()

    for b in range(GROUP):
        pltpu.async_copy(bufs[1][b], acc.at[idx_d.at[1, b]], sems[1][b],
                         add=True)
    pltpu.sync_copy(src2d.at[pl.ds(row_base, GROUP)], idx_s.at[0])
    pltpu.sync_copy(dst2d.at[pl.ds(row_base, GROUP)], idx_d.at[0])
    for b in range(GROUP):
        pltpu.async_copy(table.at[idx_s.at[0, b]], bufs[0][b], sems[0][b])

    def half(g, p):
        q = 1 - p
        for b in range(GROUP):
            pltpu.make_async_copy(table.at[idx_s.at[p, b]], bufs[p][b],
                                  sems[p][b]).wait()
        for b in range(GROUP):
            pltpu.make_async_copy(bufs[q][b], acc.at[idx_d.at[q, b]],
                                  sems[q][b]).wait()
        roff = row_base + lax.rem(g + 1, ngroups) * GROUP
        pltpu.sync_copy(src2d.at[pl.ds(roff, GROUP)], idx_s.at[q])
        pltpu.sync_copy(dst2d.at[pl.ds(roff, GROUP)], idx_d.at[q])
        for b in range(GROUP):
            pltpu.async_copy(table.at[idx_s.at[q, b]], bufs[q][b], sems[q][b])
        for b in range(GROUP):
            pltpu.async_copy(bufs[p][b], acc.at[idx_d.at[p, b]], sems[p][b],
                             add=True)

    def body(t, carry):
        half(2 * t, 0)
        half(2 * t + 1, 1)
        return carry
    lax.fori_loop(0, ngroups // 2, body, 0)

    for b in range(GROUP):
        pltpu.make_async_copy(table.at[idx_s.at[0, b]], bufs[0][b],
                              sems[0][b]).wait()
    for b in range(GROUP):
        pltpu.make_async_copy(bufs[1][b], acc.at[idx_d.at[1, b]],
                              sems[1][b]).wait()
    plsc.subcore_barrier()

    rpw = n_pad // NS
    pltpu.sync_copy(acc.at[pl.ds(sid * rpw, rpw)],
                    out.at[cid, pl.ds(sid * rpw, rpw)])


def _make_agg(n_nodes, n_pad, r0pt, r1pt):
    mesh = plsc.VectorSubcoreMesh(core_axis_name="c", subcore_axis_name="s")
    return pl.kernel(
        functools.partial(_agg_body, n_nodes, n_pad, r0pt, r1pt),
        out_type=jax.ShapeDtypeStruct((NC, n_pad, W_AUG), jnp.float32),
        mesh=mesh,
        compiler_params=pltpu.CompilerParams(use_tc_tiling_on_sc=False),
        scratch_types=[
            pltpu.VMEM((2, GROUP, BATCH), jnp.int32),
            pltpu.VMEM((2, GROUP, BATCH), jnp.int32),
            pltpu.VMEM((BATCH, W_AUG), jnp.float32),
            pltpu.VMEM((BATCH, W_AUG), jnp.float32),
            pltpu.SemaphoreType.DMA,
            pltpu.SemaphoreType.DMA,
            pltpu.VMEM_SHARED((n_pad, W_AUG), jnp.float32),
        ],
    )


def _tc_layer(p0, p1, root, wl, bl, wr, make_next):
    n = root.shape[0]
    rb = 400
    grid = (n // rb,)
    rw = root.shape[1]

    def body(p0_ref, p1_ref, x_ref, wl_ref, bl_ref, wr_ref, o1_ref, *rest):
        s = p0_ref[...] + p1_ref[...]
        cnt = s[:, D:D + 1]
        mean = s[:, :D] / jnp.maximum(cnt, 1.0)
        xr = x_ref[...][:, :D]
        h1 = (jnp.dot(mean, wl_ref[...], preferred_element_type=jnp.float32)
              + bl_ref[...]
              + jnp.dot(xr, wr_ref[...], preferred_element_type=jnp.float32))
        o1_ref[...] = h1
        if make_next:
            h = jnp.maximum(h1, 0.0)
            aug = jnp.pad(h, ((0, 0), (0, W_AUG - D)))
            col = lax.broadcasted_iota(jnp.int32, (rb, W_AUG), 1)
            rest[0][...] = jnp.where(col == D, 1.0, aug)

    out_shape = [jax.ShapeDtypeStruct((n, D), jnp.float32)]
    if make_next:
        out_shape.append(jax.ShapeDtypeStruct((n, W_AUG), jnp.float32))
    outs = pl.pallas_call(
        body,
        grid=grid,
        in_specs=[
            pl.BlockSpec((rb, W_AUG), lambda i: (i, 0)),
            pl.BlockSpec((rb, W_AUG), lambda i: (i, 0)),
            pl.BlockSpec((rb, rw), lambda i: (i, 0)),
            pl.BlockSpec((D, D), lambda i: (0, 0)),
            pl.BlockSpec((1, D), lambda i: (0, 0)),
            pl.BlockSpec((D, D), lambda i: (0, 0)),
        ],
        out_specs=[pl.BlockSpec((rb, D), lambda i: (i, 0))]
        + ([pl.BlockSpec((rb, W_AUG), lambda i: (i, 0))] if make_next else []),
        out_shape=out_shape,
    )(p0, p1, root, wl, bl.reshape(1, D), wr)
    return outs


def kernel(x, adj_t, Wl0, bl0, Wr0, Wl1, bl1, Wr1):
    n = x.shape[0]
    src = adj_t[0].astype(jnp.int32)
    dst = adj_t[1].astype(jnp.int32)
    e = src.shape[0]

    unit = NW * BATCH * GROUP * 2
    e_pad = ((e + unit - 1) // unit) * unit
    pad = e_pad - e
    src_p = jnp.concatenate([src, jnp.zeros((pad,), jnp.int32)])
    dst_p = jnp.concatenate([dst, jnp.full((pad,), n, jnp.int32)])
    src2d = src_p.reshape(e_pad // BATCH, BATCH)
    dst2d = dst_p.reshape(e_pad // BATCH, BATCH)

    nrows = e_pad // BATCH
    r0pt = max(2, int(round(FRAC_CORE0 * nrows / NS / 2)) * 2)
    r1pt = nrows // NS - r0pt

    zunit = NS * BATCH
    n_pad = ((n + 1 + zunit - 1) // zunit) * zunit

    agg = _make_agg(n, n_pad, r0pt, r1pt)

    x_aug = jnp.concatenate(
        [x, jnp.ones((n, 1), jnp.float32), jnp.zeros((n, W_AUG - D - 1), jnp.float32)],
        axis=1)

    p = agg(x_aug, src2d, dst2d)
    h1, h_aug = _tc_layer(p[0], p[1], x, Wl0, bl0, Wr0, make_next=True)
    p2 = agg(h_aug, src2d, dst2d)
    h2 = _tc_layer(p2[0], p2[1], h_aug, Wl1, bl1, Wr1, make_next=False)[0]
    return (h1, h2)

# --- scband reference (transcript-rebuilt; emitter-appended) ---
"""Pipeline reference for scband-sage-tune-21947282883085 (READ-ONLY COPY).

The authoritative reference and input builder live on the scoring server;
editing this copy changes nothing except your own understanding.
"""

import jax, jax.numpy as jnp
import numpy as np

N = 10000
E = 320000
D = 128
H = 128


def setup_inputs(seed: int = 0) -> dict:
    key = jax.random.key(seed)
    ks = jax.random.split(key, 8)
    x = jax.random.normal(ks[0], (N, D), dtype=jnp.float32)
    adj_t = jax.random.randint(ks[1], (2, E), 0, N, dtype=jnp.int64)
    s_in = 1.0 / np.sqrt(D)
    s_h = 1.0 / np.sqrt(H)
    # conv0: SAGEConv(D, H): lin_l (with bias) applied to aggregated, lin_r (no bias) to root
    Wl0 = jax.random.uniform(ks[2], (D, H), jnp.float32, -s_in, s_in)
    bl0 = jnp.zeros((H,), jnp.float32)
    Wr0 = jax.random.uniform(ks[3], (D, H), jnp.float32, -s_in, s_in)
    # conv1: SAGEConv(H, H)
    Wl1 = jax.random.uniform(ks[4], (H, H), jnp.float32, -s_h, s_h)
    bl1 = jnp.zeros((H,), jnp.float32)
    Wr1 = jax.random.uniform(ks[5], (H, H), jnp.float32, -s_h, s_h)
    return {"x": x, "adj_t": adj_t, "Wl0": Wl0, "bl0": bl0, "Wr0": Wr0,
            "Wl1": Wl1, "bl1": bl1, "Wr1": Wr1}


def _sage_conv(x, src, dst, Wl, bl, Wr, n_nodes):
    # PyG SAGEConv with mean aggregation: out = lin_l(mean_{j in N(i)} x_j) + lin_r(x_i)
    msgs = x[src]
    summed = jax.ops.segment_sum(msgs, dst, num_segments=n_nodes)
    cnt = jax.ops.segment_sum(jnp.ones((dst.shape[0], 1), x.dtype), dst, num_segments=n_nodes)
    mean = summed / jnp.clip(cnt, 1.0, None)
    return mean @ Wl + bl + x @ Wr


def reference(x, adj_t, Wl0, bl0, Wr0, Wl1, bl1, Wr1):
    src = adj_t[0]
    dst = adj_t[1]
    n = x.shape[0]
    # layer 0
    h1 = _sage_conv(x, src, dst, Wl0, bl0, Wr0, n)
    h = jax.nn.relu(h1)
    # dropout is identity in eval mode
    # layer 1 (last conv, no relu)
    h2 = _sage_conv(h, src, dst, Wl1, bl1, Wr1, n)
    # src_layer=1 -> x_hidden[0]; dst_layer=2 -> x_hidden[1]
    return (h1, h2)

if __name__ == "__main__":
    import jax
    _d = setup_inputs()
    print(jax.jit(kernel)(*tuple(_d.values())))

</pallas_src>

<mosaic_0001>
#map = affine_map<(d0, d1) -> (0, 0)>
#map1 = affine_map<(d0, d1) -> (0, 0, 0)>
module attributes {stable_mosaic.version = 14 : i64} {
  func.func @_agg_body(%arg0: i32, %arg1: i32, %arg2: memref<10000x144xf32, #tpu.memory_space<hbm>>, %arg3: memref<2560x128xi32, #tpu.memory_space<hbm>>, %arg4: memref<2560x128xi32, #tpu.memory_space<hbm>>, %arg5: memref<2x10240x144xf32, #tpu.memory_space<hbm>>, %arg6: memref<2x1x128xi32, #tpu.memory_space<vmem>>, %arg7: memref<2x1x128xi32, #tpu.memory_space<vmem>>, %arg8: memref<128x144xf32, #tpu.memory_space<vmem>>, %arg9: memref<128x144xf32, #tpu.memory_space<vmem>>, %arg10: memref<!tpu.dma_semaphore, #tpu.memory_space<semaphore_mem>>, %arg11: memref<!tpu.dma_semaphore, #tpu.memory_space<semaphore_mem>>, %arg12: memref<10240x144xf32, #tpu.memory_space<vmem_shared>>) attributes {dimension_semantics = [#tpu.dimension_semantics<core_parallel>, #tpu.dimension_semantics<subcore_parallel>], iteration_bounds = array<i64: 2, 16>, scalar_prefetch = 0 : i64, scratch_operands = 7 : i64, tpu.core_type = #tpu.core_type<sc_vector_subcore>, window_params = [{transform_indices = #map}, {transform_indices = #map}, {transform_indices = #map}, {transform_indices = #map1}]} {
    %eq3A = arith.constant 0 : i32
    %eq3A_0 = arith.cmpi eq, %arg0, %eq3A : i32
    %jit3A = arith.constant 136 : i32
    %jit3A_1 = arith.constant 24 : i32
    %select_n3A = arith.select %eq3A_0, %jit3A, %jit3A_1 : i32
    %eq3A_2 = arith.constant 0 : i32
    %eq3A_3 = arith.cmpi eq, %arg0, %eq3A_2 : i32
    %mul3A = arith.constant 136 : i32
    %mul3A_4 = arith.muli %arg1, %mul3A : i32
    %mul3A_5 = arith.constant 24 : i32
    %mul3A_6 = arith.muli %arg1, %mul3A_5 : i32
    %add3A = arith.constant 2176 : i32
    %add3A_7 = arith.addi %add3A, %mul3A_6 : i32
    %select_n3A_8 = arith.select %eq3A_3, %mul3A_4, %add3A_7 : i32
    %scan3A = arith.constant 0 : i32
    %scan3A_9 = arith.constant 0 : i32
    %scan3A_10 = arith.constant 128 : i32
    %scan3A_11 = arith.addi %scan3A_9, %scan3A_10 : i32
    %scan3A_12 = arith.constant 1 : i32
    scf.for %scan3A_185 = %scan3A_9 to %scan3A_11 step %scan3A_12  : i32 {
      %broadcast_in_dim3A_186 = arith.constant 0.000000e+00 : f32
      %broadcast_in_dim3A_187 = vector.broadcast %broadcast_in_dim3A_186 : f32 to vector<16xf32>
      %swap3A_188 = arith.index_cast %scan3A_185 : i32 to index
      %swap3A_189 = arith.constant 0 : index
      %swap3A_190 = tpu.vector_load %arg8[%swap3A_188, %swap3A_189] {strides = array<i32>} : memref<128x144xf32, #tpu.memory_space<vmem>>, vector<1x16xf32>,
      %swap3A_191 = vector.shape_cast %swap3A_190 : vector<1x16xf32> to vector<16xf32>
      %swap3A_192 = vector.shape_cast %broadcast_in_dim3A_187 : vector<16xf32> to vector<1x16xf32>
      tpu.vector_store %arg8[%swap3A_188, %swap3A_189], %swap3A_192 {strides = array<i32>} : memref<128x144xf32, #tpu.memory_space<vmem>>, vector<1x16xf32>,
      %broadcast_in_dim3A_193 = arith.constant 0.000000e+00 : f32
      %broadcast_in_dim3A_194 = vector.broadcast %broadcast_in_dim3A_193 : f32 to vector<16xf32>
      %swap3A_195 = arith.index_cast %scan3A_185 : i32 to index
      %swap3A_196 = arith.constant 16 : index
      %swap3A_197 = tpu.vector_load %arg8[%swap3A_195, %swap3A_196] {strides = array<i32>} : memref<128x144xf32, #tpu.memory_space<vmem>>, vector<1x16xf32>,
      %swap3A_198 = vector.shape_cast %swap3A_197 : vector<1x16xf32> to vector<16xf32>
      %swap3A_199 = vector.shape_cast %broadcast_in_dim3A_194 : vector<16xf32> to vector<1x16xf32>
      tpu.vector_store %arg8[%swap3A_195, %swap3A_196], %swap3A_199 {strides = array<i32>} : memref<128x144xf32, #tpu.memory_space<vmem>>, vector<1x16xf32>,
      %broadcast_in_dim3A_200 = arith.constant 0.000000e+00 : f32
      %broadcast_in_dim3A_201 = vector.broadcast %broadcast_in_dim3A_200 : f32 to vector<16xf32>
      %swap3A_202 = arith.index_cast %scan3A_185 : i32 to index
      %swap3A_203 = arith.constant 32 : index
      %swap3A_204 = tpu.vector_load %arg8[%swap3A_202, %swap3A_203] {strides = array<i32>} : memref<128x144xf32, #tpu.memory_space<vmem>>, vector<1x16xf32>,
      %swap3A_205 = vector.shape_cast %swap3A_204 : vector<1x16xf32> to vector<16xf32>
      %swap3A_206 = vector.shape_cast %broadcast_in_dim3A_201 : vector<16xf32> to vector<1x16xf32>
      tpu.vector_store %arg8[%swap3A_202, %swap3A_203], %swap3A_206 {strides = array<i32>} : memref<128x144xf32, #tpu.memory_space<vmem>>, vector<1x16xf32>,
      %broadcast_in_dim3A_207 = arith.constant 0.000000e+00 : f32
      %broadcast_in_dim3A_208 = vector.broadcast %broadcast_in_dim3A_207 : f32 to vector<16xf32>
      %swap3A_209 = arith.index_cast %scan3A_185 : i32 to index
      %swap3A_210 = arith.constant 48 : index
      %swap3A_211 = tpu.vector_load %arg8[%swap3A_209, %swap3A_210] {strides = array<i32>} : memref<128x144xf32, #tpu.memory_space<vmem>>, vector<1x16xf32>,
      %swap3A_212 = vector.shape_cast %swap3A_211 : vector<1x16xf32> to vector<16xf32>
      %swap3A_213 = vector.shape_cast %broadcast_in_dim3A_208 : vector<16xf32> to vector<1x16xf32>
      tpu.vector_store %arg8[%swap3A_209, %swap3A_210], %swap3A_213 {strides = array<i32>} : memref<128x144xf32, #tpu.memory_space<vmem>>, vector<1x16xf32>,
      %broadcast_in_dim3A_214 = arith.constant 0.000000e+00 : f32
      %broadcast_in_dim3A_215 = vector.broadcast %broadcast_in_dim3A_214 : f32 to vector<16xf32>
      %swap3A_216 = arith.index_cast %scan3A_185 : i32 to index
      %swap3A_217 = arith.constant 64 : index
      %swap3A_218 = tpu.vector_load %arg8[%swap3A_216, %swap3A_217] {strides = array<i32>} : memref<128x144xf32, #tpu.memory_space<vmem>>, vector<1x16xf32>,
      %swap3A_219 = vector.shape_cast %swap3A_218 : vector<1x16xf32> to vector<16xf32>
      %swap3A_220 = vector.shape_cast %broadcast_in_dim3A_215 : vector<16xf32> to vector<1x16xf32>
      tpu.vector_store %arg8[%swap3A_216, %swap3A_217], %swap3A_220 {strides = array<i32>} : memref<128x144xf32, #tpu.memory_space<vmem>>, vector<1x16xf32>,
      %broadcast_in_dim3A_221 = arith.constant 0.000000e+00 : f32
      %broadcast_in_dim3A_222 = vector.broadcast %broadcast_in_dim3A_221 : f32 to vector<16xf32>
      %swap3A_223 = arith.index_cast %scan3A_185 : i32 to index
      %swap3A_224 = arith.constant 80 : index
      %swap3A_225 = tpu.vector_load %arg8[%swap3A_223, %swap3A_224] {strides = array<i32>} : memref<128x144xf32, #tpu.memory_space<vmem>>, vector<1x16xf32>,
      %swap3A_226 = vector.shape_cast %swap3A_225 : vector<1x16xf32> to vector<16xf32>
      %swap3A_227 = vector.shape_cast %broadcast_in_dim3A_222 : vector<16xf32> to vector<1x16xf32>
      tpu.vector_store %arg8[%swap3A_223, %swap3A_224], %swap3A_227 {strides = array<i32>} : memref<128x144xf32, #tpu.memory_space<vmem>>, vector<1x16xf32>,
      %broadcast_in_dim3A_228 = arith.constant 0.000000e+00 : f32
      %broadcast_in_dim3A_229 = vector.broadcast %broadcast_in_dim3A_228 : f32 to vector<16xf32>
      %swap3A_230 = arith.index_cast %scan3A_185 : i32 to index
      %swap3A_231 = arith.constant 96 : index
      %swap3A_232 = tpu.vector_load %arg8[%swap3A_230, %swap3A_231] {strides = array<i32>} : memref<128x144xf32, #tpu.memory_space<vmem>>, vector<1x16xf32>,
      %swap3A_233 = vector.shape_cast %swap3A_232 : vector<1x16xf32> to vector<16xf32>
      %swap3A_234 = vector.shape_cast %broadcast_in_dim3A_229 : vector<16xf32> to vector<1x16xf32>
      tpu.vector_store %arg8[%swap3A_230, %swap3A_231], %swap3A_234 {strides = array<i32>} : memref<128x144xf32, #tpu.memory_space<vmem>>, vector<1x16xf32>,
      %broadcast_in_dim3A_235 = arith.constant 0.000000e+00 : f32
      %broadcast_in_dim3A_236 = vector.broadcast %broadcast_in_dim3A_235 : f32 to vector<16xf32>
      %swap3A_237 = arith.index_cast %scan3A_185 : i32 to index
      %swap3A_238 = arith.constant 112 : index
      %swap3A_239 = tpu.vector_load %arg8[%swap3A_237, %swap3A_238] {strides = array<i32>} : memref<128x144xf32, #tpu.memory_space<vmem>>, vector<1x16xf32>,
      %swap3A_240 = vector.shape_cast %swap3A_239 : vector<1x16xf32> to vector<16xf32>
      %swap3A_241 = vector.shape_cast %broadcast_in_dim3A_236 : vector<16xf32> to vector<1x16xf32>
      tpu.vector_store %arg8[%swap3A_237, %swap3A_238], %swap3A_241 {strides = array<i32>} : memref<128x144xf32, #tpu.memory_space<vmem>>, vector<1x16xf32>,
      %broadcast_in_dim3A_242 = arith.constant 0.000000e+00 : f32
      %broadcast_in_dim3A_243 = vector.broadcast %broadcast_in_dim3A_242 : f32 to vector<16xf32>
      %swap3A_244 = arith.index_cast %scan3A_185 : i32 to index
      %swap3A_245 = arith.constant 128 : index
      %swap3A_246 = tpu.vector_load %arg8[%swap3A_244, %swap3A_245] {strides = array<i32>} : memref<128x144xf32, #tpu.memory_space<vmem>>, vector<1x16xf32>,
      %swap3A_247 = vector.shape_cast %swap3A_246 : vector<1x16xf32> to vector<16xf32>
      %swap3A_248 = vector.shape_cast %broadcast_in_dim3A_243 : vector<16xf32> to vector<1x16xf32>
      tpu.vector_store %arg8[%swap3A_244, %swap3A_245], %swap3A_248 {strides = array<i32>} : memref<128x144xf32, #tpu.memory_space<vmem>>, vector<1x16xf32>,
      %broadcast_in_dim3A_249 = arith.constant 0.000000e+00 : f32
      %broadcast_in_dim3A_250 = vector.broadcast %broadcast_in_dim3A_249 : f32 to vector<16xf32>
      %swap3A_251 = arith.index_cast %scan3A_185 : i32 to index
      %swap3A_252 = arith.constant 0 : index
      %swap3A_253 = tpu.vector_load %arg9[%swap3A_251, %swap3A_252] {strides = array<i32>} : memref<128x144xf32, #tpu.memory_space<vmem>>, vector<1x16xf32>,
      %swap3A_254 = vector.shape_cast %swap3A_253 : vector<1x16xf32> to vector<16xf32>
      %swap3A_255 = vector.shape_cast %broadcast_in_dim3A_250 : vector<16xf32> to vector<1x16xf32>
      tpu.vector_store %arg9[%swap3A_251, %swap3A_252], %swap3A_255 {strides = array<i32>} : memref<128x144xf32, #tpu.memory_space<vmem>>, vector<1x16xf32>,
      %broadcast_in_dim3A_256 = arith.constant 0.000000e+00 : f32
      %broadcast_in_dim3A_257 = vector.broadcast %broadcast_in_dim3A_256 : f32 to vector<16xf32>
      %swap3A_258 = arith.index_cast %scan3A_185 : i32 to index
      %swap3A_259 = arith.constant 16 : index
      %swap3A_260 = tpu.vector_load %arg9[%swap3A_258, %swap3A_259] {strides = array<i32>} : memref<128x144xf32, #tpu.memory_space<vmem>>, vector<1x16xf32>,
      %swap3A_261 = vector.shape_cast %swap3A_260 : vector<1x16xf32> to vector<16xf32>
      %swap3A_262 = vector.shape_cast %broadcast_in_dim3A_257 : vector<16xf32> to vector<1x16xf32>
      tpu.vector_store %arg9[%swap3A_258, %swap3A_259], %swap3A_262 {strides = array<i32>} : memref<128x144xf32, #tpu.memory_space<vmem>>, vector<1x16xf32>,
      %broadcast_in_dim3A_263 = arith.constant 0.000000e+00 : f32
      %broadcast_in_dim3A_264 = vector.broadcast %broadcast_in_dim3A_263 : f32 to vector<16xf32>
      %swap3A_265 = arith.index_cast %scan3A_185 : i32 to index
      %swap3A_266 = arith.constant 32 : index
      %swap3A_267 = tpu.vector_load %arg9[%swap3A_265, %swap3A_266] {strides = array<i32>} : memref<128x144xf32, #tpu.memory_space<vmem>>, vector<1x16xf32>,
      %swap3A_268 = vector.shape_cast %swap3A_267 : vector<1x16xf32> to vector<16xf32>
      %swap3A_269 = vector.shape_cast %broadcast_in_dim3A_264 : vector<16xf32> to vector<1x16xf32>
      tpu.vector_store %arg9[%swap3A_265, %swap3A_266], %swap3A_269 {strides = array<i32>} : memref<128x144xf32, #tpu.memory_space<vmem>>, vector<1x16xf32>,
      %broadcast_in_dim3A_270 = arith.constant 0.000000e+00 : f32
      %broadcast_in_dim3A_271 = vector.broadcast %broadcast_in_dim3A_270 : f32 to vector<16xf32>
      %swap3A_272 = arith.index_cast %scan3A_185 : i32 to index
      %swap3A_273 = arith.constant 48 : index
      %swap3A_274 = tpu.vector_load %arg9[%swap3A_272, %swap3A_273] {strides = array<i32>} : memref<128x144xf32, #tpu.memory_space<vmem>>, vector<1x16xf32>,
      %swap3A_275 = vector.shape_cast %swap3A_274 : vector<1x16xf32> to vector<16xf32>
      %swap3A_276 = vector.shape_cast %broadcast_in_dim3A_271 : vector<16xf32> to vector<1x16xf32>
      tpu.vector_store %arg9[%swap3A_272, %swap3A_273], %swap3A_276 {strides = array<i32>} : memref<128x144xf32, #tpu.memory_space<vmem>>, vector<1x16xf32>,
      %broadcast_in_dim3A_277 = arith.constant 0.000000e+00 : f32
      %broadcast_in_dim3A_278 = vector.broadcast %broadcast_in_dim3A_277 : f32 to vector<16xf32>
      %swap3A_279 = arith.index_cast %scan3A_185 : i32 to index
      %swap3A_280 = arith.constant 64 : index
      %swap3A_281 = tpu.vector_load %arg9[%swap3A_279, %swap3A_280] {strides = array<i32>} : memref<128x144xf32, #tpu.memory_space<vmem>>, vector<1x16xf32>,
      %swap3A_282 = vector.shape_cast %swap3A_281 : vector<1x16xf32> to vector<16xf32>
      %swap3A_283 = vector.shape_cast %broadcast_in_dim3A_278 : vector<16xf32> to vector<1x16xf32>
      tpu.vector_store %arg9[%swap3A_279, %swap3A_280], %swap3A_283 {strides = array<i32>} : memref<128x144xf32, #tpu.memory_space<vmem>>, vector<1x16xf32>,
      %broadcast_in_dim3A_284 = arith.constant 0.000000e+00 : f32
      %broadcast_in_dim3A_285 = vector.broadcast %broadcast_in_dim3A_284 : f32 to vector<16xf32>
      %swap3A_286 = arith.index_cast %scan3A_185 : i32 to index
      %swap3A_287 = arith.constant 80 : index
      %swap3A_288 = tpu.vector_load %arg9[%swap3A_286, %swap3A_287] {strides = array<i32>} : memref<128x144xf32, #tpu.memory_space<vmem>>, vector<1x16xf32>,
      %swap3A_289 = vector.shape_cast %swap3A_288 : vector<1x16xf32> to vector<16xf32>
      %swap3A_290 = vector.shape_cast %broadcast_in_dim3A_285 : vector<16xf32> to vector<1x16xf32>
      tpu.vector_store %arg9[%swap3A_286, %swap3A_287], %swap3A_290 {strides = array<i32>} : memref<128x144xf32, #tpu.memory_space<vmem>>, vector<1x16xf32>,
      %broadcast_in_dim3A_291 = arith.constant 0.000000e+00 : f32
      %broadcast_in_dim3A_292 = vector.broadcast %broadcast_in_dim3A_291 : f32 to vector<16xf32>
      %swap3A_293 = arith.index_cast %scan3A_185 : i32 to index
      %swap3A_294 = arith.constant 96 : index
      %swap3A_295 = tpu.vector_load %arg9[%swap3A_293, %swap3A_294] {strides = array<i32>} : memref<128x144xf32, #tpu.memory_space<vmem>>, vector<1x16xf32>,
      %swap3A_296 = vector.shape_cast %swap3A_295 : vector<1x16xf32> to vector<16xf32>
      %swap3A_297 = vector.shape_cast %broadcast_in_dim3A_292 : vector<16xf32> to vector<1x16xf32>
      tpu.vector_store %arg9[%swap3A_293, %swap3A_294], %swap3A_297 {strides = array<i32>} : memref<128x144xf32, #tpu.memory_space<vmem>>, vector<1x16xf32>,
      %broadcast_in_dim3A_298 = arith.constant 0.000000e+00 : f32
      %broadcast_in_dim3A_299 = vector.broadcast %broadcast_in_dim3A_298 : f32 to vector<16xf32>
      %swap3A_300 = arith.index_cast %scan3A_185 : i32 to index
      %swap3A_301 = arith.constant 112 : index
      %swap3A_302 = tpu.vector_load %arg9[%swap3A_300, %swap3A_301] {strides = array<i32>} : memref<128x144xf32, #tpu.memory_space<vmem>>, vector<1x16xf32>,
      %swap3A_303 = vector.shape_cast %swap3A_302 : vector<1x16xf32> to vector<16xf32>
      %swap3A_304 = vector.shape_cast %broadcast_in_dim3A_299 : vector<16xf32> to vector<1x16xf32>
      tpu.vector_store %arg9[%swap3A_300, %swap3A_301], %swap3A_304 {strides = array<i32>} : memref<128x144xf32, #tpu.memory_space<vmem>>, vector<1x16xf32>,
      %broadcast_in_dim3A_305 = arith.constant 0.000000e+00 : f32
      %broadcast_in_dim3A_306 = vector.broadcast %broadcast_in_dim3A_305 : f32 to vector<16xf32>
      %swap3A_307 = arith.index_cast %scan3A_185 : i32 to index
      %swap3A_308 = arith.constant 128 : index
      %swap3A_309 = tpu.vector_load %arg9[%swap3A_307, %swap3A_308] {strides = array<i32>} : memref<128x144xf32, #tpu.memory_space<vmem>>, vector<1x16xf32>,
      %swap3A_310 = vector.shape_cast %swap3A_309 : vector<1x16xf32> to vector<16xf32>
      %swap3A_311 = vector.shape_cast %broadcast_in_dim3A_306 : vector<16xf32> to vector<1x16xf32>
      tpu.vector_store %arg9[%swap3A_307, %swap3A_308], %swap3A_311 {strides = array<i32>} : memref<128x144xf32, #tpu.memory_space<vmem>>, vector<1x16xf32>,
    }
    %scan3A_13 = arith.constant 128 : i32
    %mul3A_14 = arith.constant 5 : i32
    %mul3A_15 = arith.muli %arg1, %mul3A_14 : i32
    %add3A_16 = arith.constant 0 : i32
    %add3A_17 = arith.addi %mul3A_15, %add3A_16 : i32
    %mul3A_18 = arith.constant 128 : i32
    %mul3A_19 = arith.muli %add3A_17, %mul3A_18 : i32
    "tpu.region"() ({
      %run_scoped3A_185 = tpu.sem_alloc : memref<!tpu.dma_semaphore, #tpu.memory_space<semaphore_mem>>
      %dma_start3A_186 = arith.constant 0 : i32
      %dma_start3A_187 = tpu.memref_slice %arg12[%mul3A_19, %dma_start3A_186] : memref<10240x144xf32, #tpu.memory_space<vmem_shared>> -> memref<128x144xf32, #tpu.memory_space<vmem_shared>>
      %dma_start3A_188 = arith.constant 0 : i32
      %dma_start3A_189 = tpu.memref_slice %arg12[%mul3A_19, %dma_start3A_188] : memref<10240x144xf32, #tpu.memory_space<vmem_shared>> -> memref<128x144xf32, #tpu.memory_space<vmem_shared>>
      tpu.enqueue_dma source(%arg8 : memref<128x144xf32, #tpu.memory_space<vmem>>) target(%dma_start3A_189 : memref<128x144xf32, #tpu.memory_space<vmem_shared>>) target_semaphore(%run_scoped3A_185 : memref<!tpu.dma_semaphore, #tpu.memory_space<semaphore_mem>>)
      %dma_wait3A_190 = arith.constant 0 : i32
      %dma_wait3A_191 = tpu.memref_slice %arg12[%mul3A_19, %dma_wait3A_190] : memref<10240x144xf32, #tpu.memory_space<vmem_shared>> -> memref<128x144xf32, #tpu.memory_space<vmem_shared>>
      %dma_wait3A_192 = arith.constant 0 : i32
      %dma_wait3A_193 = tpu.memref_slice %arg12[%mul3A_19, %dma_wait3A_192] : memref<10240x144xf32, #tpu.memory_space<vmem_shared>> -> memref<128x144xf32, #tpu.memory_space<vmem_shared>>
      tpu.wait_dma2 semaphore(%run_scoped3A_185 : memref<!tpu.dma_semaphore, #tpu.memory_space<semaphore_mem>>) src(%arg8 : memref<128x144xf32, #tpu.memory_space<vmem>>) dst(%dma_wait3A_193 : memref<128x144xf32, #tpu.memory_space<vmem_shared>>)
      tpu.yield
    }) : () -> ()
    %mul3A_20 = arith.constant 5 : i32
    %mul3A_21 = arith.muli %arg1, %mul3A_20 : i32
    %add3A_22 = arith.constant 1 : i32
    %add3A_23 = arith.addi %mul3A_21, %add3A_22 : i32
    %mul3A_24 = arith.constant 128 : i32
    %mul3A_25 = arith.muli %add3A_23, %mul3A_24 : i32
    "tpu.region"() ({
      %run_scoped3A_185 = tpu.sem_alloc : memref<!tpu.dma_semaphore, #tpu.memory_space<semaphore_mem>>
      %dma_start3A_186 = arith.constant 0 : i32
      %dma_start3A_187 = tpu.memref_slice %arg12[%mul3A_25, %dma_start3A_186] : memref<10240x144xf32, #tpu.memory_space<vmem_shared>> -> memref<128x144xf32, #tpu.memory_space<vmem_shared>>
      %dma_start3A_188 = arith.constant 0 : i32
      %dma_start3A_189 = tpu.memref_slice %arg12[%mul3A_25, %dma_start3A_188] : memref<10240x144xf32, #tpu.memory_space<vmem_shared>> -> memref<128x144xf32, #tpu.memory_space<vmem_shared>>
      tpu.enqueue_dma source(%arg8 : memref<128x144xf32, #tpu.memory_space<vmem>>) target(%dma_start3A_189 : memref<128x144xf32, #tpu.memory_space<vmem_shared>>) target_semaphore(%run_scoped3A_185 : memref<!tpu.dma_semaphore, #tpu.memory_space<semaphore_mem>>)
      %dma_wait3A_190 = arith.constant 0 : i32
      %dma_wait3A_191 = tpu.memref_slice %arg12[%mul3A_25, %dma_wait3A_190] : memref<10240x144xf32, #tpu.memory_space<vmem_shared>> -> memref<128x144xf32, #tpu.memory_space<vmem_shared>>
      %dma_wait3A_192 = arith.constant 0 : i32
      %dma_wait3A_193 = tpu.memref_slice %arg12[%mul3A_25, %dma_wait3A_192] : memref<10240x144xf32, #tpu.memory_space<vmem_shared>> -> memref<128x144xf32, #tpu.memory_space<vmem_shared>>
      tpu.wait_dma2 semaphore(%run_scoped3A_185 : memref<!tpu.dma_semaphore, #tpu.memory_space<semaphore_mem>>) src(%arg8 : memref<128x144xf32, #tpu.memory_space<vmem>>) dst(%dma_wait3A_193 : memref<128x144xf32, #tpu.memory_space<vmem_shared>>)
      tpu.yield
    }) : () -> ()
    %mul3A_26 = arith.constant 5 : i32
    %mul3A_27 = arith.muli %arg1, %mul3A_26 : i32
    %add3A_28 = arith.constant 2 : i32
    %add3A_29 = arith.addi %mul3A_27, %add3A_28 : i32
    %mul3A_30 = arith.constant 128 : i32
    %mul3A_31 = arith.muli %add3A_29, %mul3A_30 : i32
    "tpu.region"() ({
      %run_scoped3A_185 = tpu.sem_alloc : memref<!tpu.dma_semaphore, #tpu.memory_space<semaphore_mem>>
      %dma_start3A_186 = arith.constant 0 : i32
      %dma_start3A_187 = tpu.memref_slice %arg12[%mul3A_31, %dma_start3A_186] : memref<10240x144xf32, #tpu.memory_space<vmem_shared>> -> memref<128x144xf32, #tpu.memory_space<vmem_shared>>
      %dma_start3A_188 = arith.constant 0 : i32
      %dma_start3A_189 = tpu.memref_slice %arg12[%mul3A_31, %dma_start3A_188] : memref<10240x144xf32, #tpu.memory_space<vmem_shared>> -> memref<128x144xf32, #tpu.memory_space<vmem_shared>>
      tpu.enqueue_dma source(%arg8 : memref<128x144xf32, #tpu.memory_space<vmem>>) target(%dma_start3A_189 : memref<128x144xf32, #tpu.memory_space<vmem_shared>>) target_semaphore(%run_scoped3A_185 : memref<!tpu.dma_semaphore, #tpu.memory_space<semaphore_mem>>)
      %dma_wait3A_190 = arith.constant 0 : i32
      %dma_wait3A_191 = tpu.memref_slice %arg12[%mul3A_31, %dma_wait3A_190] : memref<10240x144xf32, #tpu.memory_space<vmem_shared>> -> memref<128x144xf32, #tpu.memory_space<vmem_shared>>
      %dma_wait3A_192 = arith.constant 0 : i32
      %dma_wait3A_193 = tpu.memref_slice %arg12[%mul3A_31, %dma_wait3A_192] : memref<10240x144xf32, #tpu.memory_space<vmem_shared>> -> memref<128x144xf32, #tpu.memory_space<vmem_shared>>
      tpu.wait_dma2 semaphore(%run_scoped3A_185 : memref<!tpu.dma_semaphore, #tpu.memory_space<semaphore_mem>>) src(%arg8 : memref<128x144xf32, #tpu.memory_space<vmem>>) dst(%dma_wait3A_193 : memref<128x144xf32, #tpu.memory_space<vmem_shared>>)
      tpu.yield
    }) : () -> ()
    %mul3A_32 = arith.constant 5 : i32
    %mul3A_33 = arith.muli %arg1, %mul3A_32 : i32
    %add3A_34 = arith.constant 3 : i32
    %add3A_35 = arith.addi %mul3A_33, %add3A_34 : i32
    %mul3A_36 = arith.constant 128 : i32
    %mul3A_37 = arith.muli %add3A_35, %mul3A_36 : i32
    "tpu.region"() ({
      %run_scoped3A_185 = tpu.sem_alloc : memref<!tpu.dma_semaphore, #tpu.memory_space<semaphore_mem>>
      %dma_start3A_186 = arith.constant 0 : i32
      %dma_start3A_187 = tpu.memref_slice %arg12[%mul3A_37, %dma_start3A_186] : memref<10240x144xf32, #tpu.memory_space<vmem_shared>> -> memref<128x144xf32, #tpu.memory_space<vmem_shared>>
      %dma_start3A_188 = arith.constant 0 : i32
      %dma_start3A_189 = tpu.memref_slice %arg12[%mul3A_37, %dma_start3A_188] : memref<10240x144xf32, #tpu.memory_space<vmem_shared>> -> memref<128x144xf32, #tpu.memory_space<vmem_shared>>
      tpu.enqueue_dma source(%arg8 : memref<128x144xf32, #tpu.memory_space<vmem>>) target(%dma_start3A_189 : memref<128x144xf32, #tpu.memory_space<vmem_shared>>) target_semaphore(%run_scoped3A_185 : memref<!tpu.dma_semaphore, #tpu.memory_space<semaphore_mem>>)
      %dma_wait3A_190 = arith.constant 0 : i32
      %dma_wait3A_191 = tpu.memref_slice %arg12[%mul3A_37, %dma_wait3A_190] : memref<10240x144xf32, #tpu.memory_space<vmem_shared>> -> memref<128x144xf32, #tpu.memory_space<vmem_shared>>
      %dma_wait3A_192 = arith.constant 0 : i32
      %dma_wait3A_193 = tpu.memref_slice %arg12[%mul3A_37, %dma_wait3A_192] : memref<10240x144xf32, #tpu.memory_space<vmem_shared>> -> memref<128x144xf32, #tpu.memory_space<vmem_shared>>
      tpu.wait_dma2 semaphore(%run_scoped3A_185 : memref<!tpu.dma_semaphore, #tpu.memory_space<semaphore_mem>>) src(%arg8 : memref<128x144xf32, #tpu.memory_space<vmem>>) dst(%dma_wait3A_193 : memref<128x144xf32, #tpu.memory_space<vmem_shared>>)
      tpu.yield
    }) : () -> ()
    %mul3A_38 = arith.constant 5 : i32
    %mul3A_39 = arith.muli %arg1, %mul3A_38 : i32
    %add3A_40 = arith.constant 4 : i32
    %add3A_41 = arith.addi %mul3A_39, %add3A_40 : i32
    %mul3A_42 = arith.constant 128 : i32
    %mul3A_43 = arith.muli %add3A_41, %mul3A_42 : i32
    "tpu.region"() ({
      %run_scoped3A_185 = tpu.sem_alloc : memref<!tpu.dma_semaphore, #tpu.memory_space<semaphore_mem>>
      %dma_start3A_186 = arith.constant 0 : i32
      %dma_start3A_187 = tpu.memref_slice %arg12[%mul3A_43, %dma_start3A_186] : memref<10240x144xf32, #tpu.memory_space<vmem_shared>> -> memref<128x144xf32, #tpu.memory_space<vmem_shared>>
      %dma_start3A_188 = arith.constant 0 : i32
      %dma_start3A_189 = tpu.memref_slice %arg12[%mul3A_43, %dma_start3A_188] : memref<10240x144xf32, #tpu.memory_space<vmem_shared>> -> memref<128x144xf32, #tpu.memory_space<vmem_shared>>
      tpu.enqueue_dma source(%arg8 : memref<128x144xf32, #tpu.memory_space<vmem>>) target(%dma_start3A_189 : memref<128x144xf32, #tpu.memory_space<vmem_shared>>) target_semaphore(%run_scoped3A_185 : memref<!tpu.dma_semaphore, #tpu.memory_space<semaphore_mem>>)
      %dma_wait3A_190 = arith.constant 0 : i32
      %dma_wait3A_191 = tpu.memref_slice %arg12[%mul3A_43, %dma_wait3A_190] : memref<10240x144xf32, #tpu.memory_space<vmem_shared>> -> memref<128x144xf32, #tpu.memory_space<vmem_shared>>
      %dma_wait3A_192 = arith.constant 0 : i32
      %dma_wait3A_193 = tpu.memref_slice %arg12[%mul3A_43, %dma_wait3A_192] : memref<10240x144xf32, #tpu.memory_space<vmem_shared>> -> memref<128x144xf32, #tpu.memory_space<vmem_shared>>
      tpu.wait_dma2 semaphore(%run_scoped3A_185 : memref<!tpu.dma_semaphore, #tpu.memory_space<semaphore_mem>>) src(%arg8 : memref<128x144xf32, #tpu.memory_space<vmem>>) dst(%dma_wait3A_193 : memref<128x144xf32, #tpu.memory_space<vmem_shared>>)
      tpu.yield
    }) : () -> ()
    %broadcast_in_dim3A = arith.constant 10000 : i32
    %broadcast_in_dim3A_44 = vector.broadcast %broadcast_in_dim3A : i32 to vector<16xi32>
    %swap3A = arith.constant 1 : i32
    %swap3A_45 = arith.constant 0 : i32
    %swap3A_46 = arith.index_cast %swap3A : i32 to index
    %swap3A_47 = arith.index_cast %swap3A_45 : i32 to index
    %swap3A_48 = arith.constant 0 : index
    %swap3A_49 = tpu.vector_load %arg7[%swap3A_46, %swap3A_47, %swap3A_48] {strides = array<i32>} : memref<2x1x128xi32, #tpu.memory_space<vmem>>, vector<1x1x16xi32>,
    %swap3A_50 = vector.shape_cast %swap3A_49 : vector<1x1x16xi32> to vector<16xi32>
    %swap3A_51 = vector.shape_cast %broadcast_in_dim3A_44 : vector<16xi32> to vector<1x1x16xi32>
    tpu.vector_store %arg7[%swap3A_46, %swap3A_47, %swap3A_48], %swap3A_51 {strides = array<i32>} : memref<2x1x128xi32, #tpu.memory_space<vmem>>, vector<1x1x16xi32>,
    %broadcast_in_dim3A_52 = arith.constant 10000 : i32
    %broadcast_in_dim3A_53 = vector.broadcast %broadcast_in_dim3A_52 : i32 to vector<16xi32>
    %swap3A_54 = arith.constant 1 : i32
    %swap3A_55 = arith.constant 0 : i32
    %swap3A_56 = arith.index_cast %swap3A_54 : i32 to index
    %swap3A_57 = arith.index_cast %swap3A_55 : i32 to index
    %swap3A_58 = arith.constant 16 : index
    %swap3A_59 = tpu.vector_load %arg7[%swap3A_56, %swap3A_57, %swap3A_58] {strides = array<i32>} : memref<2x1x128xi32, #tpu.memory_space<vmem>>, vector<1x1x16xi32>,
    %swap3A_60 = vector.shape_cast %swap3A_59 : vector<1x1x16xi32> to vector<16xi32>
    %swap3A_61 = vector.shape_cast %broadcast_in_dim3A_53 : vector<16xi32> to vector<1x1x16xi32>
    tpu.vector_store %arg7[%swap3A_56, %swap3A_57, %swap3A_58], %swap3A_61 {strides = array<i32>} : memref<2x1x128xi32, #tpu.memory_space<vmem>>, vector<1x1x16xi32>,
    %broadcast_in_dim3A_62 = arith.constant 10000 : i32
    %broadcast_in_dim3A_63 = vector.broadcast %broadcast_in_dim3A_62 : i32 to vector<16xi32>
    %swap3A_64 = arith.constant 1 : i32
    %swap3A_65 = arith.constant 0 : i32
    %swap3A_66 = arith.index_cast %swap3A_64 : i32 to index
    %swap3A_67 = arith.index_cast %swap3A_65 : i32 to index
    %swap3A_68 = arith.constant 32 : index
    %swap3A_69 = tpu.vector_load %arg7[%swap3A_66, %swap3A_67, %swap3A_68] {strides = array<i32>} : memref<2x1x128xi32, #tpu.memory_space<vmem>>, vector<1x1x16xi32>,
    %swap3A_70 = vector.shape_cast %swap3A_69 : vector<1x1x16xi32> to vector<16xi32>
    %swap3A_71 = vector.shape_cast %broadcast_in_dim3A_63 : vector<16xi32> to vector<1x1x16xi32>
    tpu.vector_store %arg7[%swap3A_66, %swap3A_67, %swap3A_68], %swap3A_71 {strides = array<i32>} : memref<2x1x128xi32, #tpu.memory_space<vmem>>, vector<1x1x16xi32>,
    %broadcast_in_dim3A_72 = arith.constant 10000 : i32
    %broadcast_in_dim3A_73 = vector.broadcast %broadcast_in_dim3A_72 : i32 to vector<16xi32>
    %swap3A_74 = arith.constant 1 : i32
    %swap3A_75 = arith.constant 0 : i32
    %swap3A_76 = arith.index_cast %swap3A_74 : i32 to index
    %swap3A_77 = arith.index_cast %swap3A_75 : i32 to index
    %swap3A_78 = arith.constant 48 : index
    %swap3A_79 = tpu.vector_load %arg7[%swap3A_76, %swap3A_77, %swap3A_78] {strides = array<i32>} : memref<2x1x128xi32, #tpu.memory_space<vmem>>, vector<1x1x16xi32>,
    %swap3A_80 = vector.shape_cast %swap3A_79 : vector<1x1x16xi32> to vector<16xi32>
    %swap3A_81 = vector.shape_cast %broadcast_in_dim3A_73 : vector<16xi32> to vector<1x1x16xi32>
    tpu.vector_store %arg7[%swap3A_76, %swap3A_77, %swap3A_78], %swap3A_81 {strides = array<i32>} : memref<2x1x128xi32, #tpu.memory_space<vmem>>, vector<1x1x16xi32>,
    %broadcast_in_dim3A_82 = arith.constant 10000 : i32
    %broadcast_in_dim3A_83 = vector.broadcast %broadcast_in_dim3A_82 : i32 to vector<16xi32>
    %swap3A_84 = arith.constant 1 : i32
    %swap3A_85 = arith.constant 0 : i32
    %swap3A_86 = arith.index_cast %swap3A_84 : i32 to index
    %swap3A_87 = arith.index_cast %swap3A_85 : i32 to index
    %swap3A_88 = arith.constant 64 : index
    %swap3A_89 = tpu.vector_load %arg7[%swap3A_86, %swap3A_87, %swap3A_88] {strides = array<i32>} : memref<2x1x128xi32, #tpu.memory_space<vmem>>, vector<1x1x16xi32>,
    %swap3A_90 = vector.shape_cast %swap3A_89 : vector<1x1x16xi32> to vector<16xi32>
    %swap3A_91 = vector.shape_cast %broadcast_in_dim3A_83 : vector<16xi32> to vector<1x1x16xi32>
    tpu.vector_store %arg7[%swap3A_86, %swap3A_87, %swap3A_88], %swap3A_91 {strides = array<i32>} : memref<2x1x128xi32, #tpu.memory_space<vmem>>, vector<1x1x16xi32>,
    %broadcast_in_dim3A_92 = arith.constant 10000 : i32
    %broadcast_in_dim3A_93 = vector.broadcast %broadcast_in_dim3A_92 : i32 to vector<16xi32>
    %swap3A_94 = arith.constant 1 : i32
    %swap3A_95 = arith.constant 0 : i32
    %swap3A_96 = arith.index_cast %swap3A_94 : i32 to index
    %swap3A_97 = arith.index_cast %swap3A_95 : i32 to index
    %swap3A_98 = arith.constant 80 : index
    %swap3A_99 = tpu.vector_load %arg7[%swap3A_96, %swap3A_97, %swap3A_98] {strides = array<i32>} : memref<2x1x128xi32, #tpu.memory_space<vmem>>, vector<1x1x16xi32>,
    %swap3A_100 = vector.shape_cast %swap3A_99 : vector<1x1x16xi32> to vector<16xi32>
    %swap3A_101 = vector.shape_cast %broadcast_in_dim3A_93 : vector<16xi32> to vector<1x1x16xi32>
    tpu.vector_store %arg7[%swap3A_96, %swap3A_97, %swap3A_98], %swap3A_101 {strides = array<i32>} : memref<2x1x128xi32, #tpu.memory_space<vmem>>, vector<1x1x16xi32>,
    %broadcast_in_dim3A_102 = arith.constant 10000 : i32
    %broadcast_in_dim3A_103 = vector.broadcast %broadcast_in_dim3A_102 : i32 to vector<16xi32>
    %swap3A_104 = arith.constant 1 : i32
    %swap3A_105 = arith.constant 0 : i32
    %swap3A_106 = arith.index_cast %swap3A_104 : i32 to index
    %swap3A_107 = arith.index_cast %swap3A_105 : i32 to index
    %swap3A_108 = arith.constant 96 : index
    %swap3A_109 = tpu.vector_load %arg7[%swap3A_106, %swap3A_107, %swap3A_108] {strides = array<i32>} : memref<2x1x128xi32, #tpu.memory_space<vmem>>, vector<1x1x16xi32>,
    %swap3A_110 = vector.shape_cast %swap3A_109 : vector<1x1x16xi32> to vector<16xi32>
    %swap3A_111 = vector.shape_cast %broadcast_in_dim3A_103 : vector<16xi32> to vector<1x1x16xi32>
    tpu.vector_store %arg7[%swap3A_106, %swap3A_107, %swap3A_108], %swap3A_111 {strides = array<i32>} : memref<2x1x128xi32, #tpu.memory_space<vmem>>, vector<1x1x16xi32>,
    %broadcast_in_dim3A_112 = arith.constant 10000 : i32
    %broadcast_in_dim3A_113 = vector.broadcast %broadcast_in_dim3A_112 : i32 to vector<16xi32>
    %swap3A_114 = arith.constant 1 : i32
    %swap3A_115 = arith.constant 0 : i32
    %swap3A_116 = arith.index_cast %swap3A_114 : i32 to index
    %swap3A_117 = arith.index_cast %swap3A_115 : i32 to index
    %swap3A_118 = arith.constant 112 : index
    %swap3A_119 = tpu.vector_load %arg7[%swap3A_116, %swap3A_117, %swap3A_118] {strides = array<i32>} : memref<2x1x128xi32, #tpu.memory_space<vmem>>, vector<1x1x16xi32>,
    %swap3A_120 = vector.shape_cast %swap3A_119 : vector<1x1x16xi32> to vector<16xi32>
    %swap3A_121 = vector.shape_cast %broadcast_in_dim3A_113 : vector<16xi32> to vector<1x1x16xi32>
    tpu.vector_store %arg7[%swap3A_116, %swap3A_117, %swap3A_118], %swap3A_121 {strides = array<i32>} : memref<2x1x128xi32, #tpu.memory_space<vmem>>, vector<1x1x16xi32>,
    %barrier3A = arith.constant 0 : index
    tpu.barrier barrier_id(%barrier3A)
    %dma_start3A = arith.constant 1 : i32
    %dma_start3A_122 = arith.constant 0 : i32
    %dma_start3A_123 = arith.constant 0 : i32
    %dma_start3A_124 = tpu.memref_slice %arg7[%dma_start3A, %dma_start3A_122, %dma_start3A_123] : memref<2x1x128xi32, #tpu.memory_space<vmem>> -> memref<1x1x128xi32, #tpu.memory_space<vmem>>
    %dma_start3A_125 = tpu.memref_squeeze %dma_start3A_124 : memref<1x1x128xi32, #tpu.memory_space<vmem>> -> memref<128xi32, #tpu.memory_space<vmem>>
    %dma_start3A_126 = arith.constant 0 : i32
    %dma_start3A_127 = arith.constant 0 : i32
    %dma_start3A_128 = tpu.memref_slice %arg12[%dma_start3A_126, %dma_start3A_127] : memref<10240x144xf32, #tpu.memory_space<vmem_shared>> -> memref<10240x144xf32, #tpu.memory_space<vmem_shared>>
    tpu.enqueue_indirect_dma source(%arg9 : memref<128x144xf32, #tpu.memory_space<vmem>>) target(%dma_start3A_128 : memref<10240x144xf32, #tpu.memory_space<vmem_shared>>) offsets(%dma_start3A_125 : memref<128xi32, #tpu.memory_space<vmem>>) semaphore(%arg11 : memref<!tpu.dma_semaphore, #tpu.memory_space<semaphore_mem>>) {add = true}
    %run_scoped3A = arith.constant 0 : i32
    "tpu.region"() ({
      %run_scoped3A_185 = tpu.sem_alloc : memref<!tpu.dma_semaphore, #tpu.memory_space<semaphore_mem>>
      %dma_start3A_186 = arith.constant 0 : i32
      %dma_start3A_187 = arith.constant 0 : i32
      %dma_start3A_188 = tpu.memref_slice %arg6[%run_scoped3A, %dma_start3A_186, %dma_start3A_187] : memref<2x1x128xi32, #tpu.memory_space<vmem>> -> memref<1x1x128xi32, #tpu.memory_space<vmem>>
      %dma_start3A_189 = tpu.memref_squeeze %dma_start3A_188 : memref<1x1x128xi32, #tpu.memory_space<vmem>> -> memref<1x128xi32, #tpu.memory_space<vmem>>
      %dma_start3A_190 = arith.constant 0 : i32
      %dma_start3A_191 = tpu.memref_slice %arg3[%select_n3A_8, %dma_start3A_190] : memref<2560x128xi32, #tpu.memory_space<hbm>> -> memref<1x128xi32, #tpu.memory_space<hbm>>
      %dma_start3A_192 = arith.constant 0 : i32
      %dma_start3A_193 = arith.constant 0 : i32
      %dma_start3A_194 = tpu.memref_slice %arg6[%run_scoped3A, %dma_start3A_192, %dma_start3A_193] : memref<2x1x128xi32, #tpu.memory_space<vmem>> -> memref<1x1x128xi32, #tpu.memory_space<vmem>>
      %dma_start3A_195 = tpu.memref_squeeze %dma_start3A_194 : memref<1x1x128xi32, #tpu.memory_space<vmem>> -> memref<1x128xi32, #tpu.memory_space<vmem>>
      %dma_start3A_196 = arith.constant 0 : i32
      %dma_start3A_197 = tpu.memref_slice %arg3[%select_n3A_8, %dma_start3A_196] : memref<2560x128xi32, #tpu.memory_space<hbm>> -> memref<1x128xi32, #tpu.memory_space<hbm>>
      tpu.enqueue_dma source(%dma_start3A_197 : memref<1x128xi32, #tpu.memory_space<hbm>>) target(%dma_start3A_195 : memref<1x128xi32, #tpu.memory_space<vmem>>) target_semaphore(%run_scoped3A_185 : memref<!tpu.dma_semaphore, #tpu.memory_space<semaphore_mem>>)
      %dma_wait3A_198 = arith.constant 0 : i32
      %dma_wait3A_199 = arith.constant 0 : i32
      %dma_wait3A_200 = tpu.memref_slice %arg6[%run_scoped3A, %dma_wait3A_198, %dma_wait3A_199] : memref<2x1x128xi32, #tpu.memory_space<vmem>> -> memref<1x1x128xi32, #tpu.memory_space<vmem>>
      %dma_wait3A_201 = tpu.memref_squeeze %dma_wait3A_200 : memref<1x1x128xi32, #tpu.memory_space<vmem>> -> memref<1x128xi32, #tpu.memory_space<vmem>>
      %dma_wait3A_202 = arith.constant 0 : i32
      %dma_wait3A_203 = tpu.memref_slice %arg3[%select_n3A_8, %dma_wait3A_202] : memref<2560x128xi32, #tpu.memory_space<hbm>> -> memref<1x128xi32, #tpu.memory_space<hbm>>
      %dma_wait3A_204 = arith.constant 0 : i32
      %dma_wait3A_205 = arith.constant 0 : i32
      %dma_wait3A_206 = tpu.memref_slice %arg6[%run_scoped3A, %dma_wait3A_204, %dma_wait3A_205] : memref<2x1x128xi32, #tpu.memory_space<vmem>> -> memref<1x1x128xi32, #tpu.memory_space<vmem>>
      %dma_wait3A_207 = tpu.memref_squeeze %dma_wait3A_206 : memref<1x1x128xi32, #tpu.memory_space<vmem>> -> memref<1x128xi32, #tpu.memory_space<vmem>>
      %dma_wait3A_208 = arith.constant 0 : i32
      %dma_wait3A_209 = tpu.memref_slice %arg3[%select_n3A_8, %dma_wait3A_208] : memref<2560x128xi32, #tpu.memory_space<hbm>> -> memref<1x128xi32, #tpu.memory_space<hbm>>
      tpu.wait_dma2 semaphore(%run_scoped3A_185 : memref<!tpu.dma_semaphore, #tpu.memory_space<semaphore_mem>>) src(%dma_wait3A_209 : memref<1x128xi32, #tpu.memory_space<hbm>>) dst(%dma_wait3A_207 : memref<1x128xi32, #tpu.memory_space<vmem>>)
      tpu.yield
    }) : () -> ()
    %run_scoped3A_129 = arith.constant 0 : i32
    "tpu.region"() ({
      %run_scoped3A_185 = tpu.sem_alloc : memref<!tpu.dma_semaphore, #tpu.memory_space<semaphore_mem>>
      %dma_start3A_186 = arith.constant 0 : i32
      %dma_start3A_187 = arith.constant 0 : i32
      %dma_start3A_188 = tpu.memref_slice %arg7[%run_scoped3A_129, %dma_start3A_186, %dma_start3A_187] : memref<2x1x128xi32, #tpu.memory_space<vmem>> -> memref<1x1x128xi32, #tpu.memory_space<vmem>>
      %dma_start3A_189 = tpu.memref_squeeze %dma_start3A_188 : memref<1x1x128xi32, #tpu.memory_space<vmem>> -> memref<1x128xi32, #tpu.memory_space<vmem>>
      %dma_start3A_190 = arith.constant 0 : i32
      %dma_start3A_191 = tpu.memref_slice %arg4[%select_n3A_8, %dma_start3A_190] : memref<2560x128xi32, #tpu.memory_space<hbm>> -> memref<1x128xi32, #tpu.memory_space<hbm>>
      %dma_start3A_192 = arith.constant 0 : i32
      %dma_start3A_193 = arith.constant 0 : i32
      %dma_start3A_194 = tpu.memref_slice %arg7[%run_scoped3A_129, %dma_start3A_192, %dma_start3A_193] : memref<2x1x128xi32, #tpu.memory_space<vmem>> -> memref<1x1x128xi32, #tpu.memory_space<vmem>>
      %dma_start3A_195 = tpu.memref_squeeze %dma_start3A_194 : memref<1x1x128xi32, #tpu.memory_space<vmem>> -> memref<1x128xi32, #tpu.memory_space<vmem>>
      %dma_start3A_196 = arith.constant 0 : i32
      %dma_start3A_197 = tpu.memref_slice %arg4[%select_n3A_8, %dma_start3A_196] : memref<2560x128xi32, #tpu.memory_space<hbm>> -> memref<1x128xi32, #tpu.memory_space<hbm>>
      tpu.enqueue_dma source(%dma_start3A_197 : memref<1x128xi32, #tpu.memory_space<hbm>>) target(%dma_start3A_195 : memref<1x128xi32, #tpu.memory_space<vmem>>) target_semaphore(%run_scoped3A_185 : memref<!tpu.dma_semaphore, #tpu.memory_space<semaphore_mem>>)
      %dma_wait3A_198 = arith.constant 0 : i32
      %dma_wait3A_199 = arith.constant 0 : i32
      %dma_wait3A_200 = tpu.memref_slice %arg7[%run_scoped3A_129, %dma_wait3A_198, %dma_wait3A_199] : memref<2x1x128xi32, #tpu.memory_space<vmem>> -> memref<1x1x128xi32, #tpu.memory_space<vmem>>
      %dma_wait3A_201 = tpu.memref_squeeze %dma_wait3A_200 : memref<1x1x128xi32, #tpu.memory_space<vmem>> -> memref<1x128xi32, #tpu.memory_space<vmem>>
      %dma_wait3A_202 = arith.constant 0 : i32
      %dma_wait3A_203 = tpu.memref_slice %arg4[%select_n3A_8, %dma_wait3A_202] : memref<2560x128xi32, #tpu.memory_space<hbm>> -> memref<1x128xi32, #tpu.memory_space<hbm>>
      %dma_wait3A_204 = arith.constant 0 : i32
      %dma_wait3A_205 = arith.constant 0 : i32
      %dma_wait3A_206 = tpu.memref_slice %arg7[%run_scoped3A_129, %dma_wait3A_204, %dma_wait3A_205] : memref<2x1x128xi32, #tpu.memory_space<vmem>> -> memref<1x1x128xi32, #tpu.memory_space<vmem>>
      %dma_wait3A_207 = tpu.memref_squeeze %dma_wait3A_206 : memref<1x1x128xi32, #tpu.memory_space<vmem>> -> memref<1x128xi32, #tpu.memory_space<vmem>>
      %dma_wait3A_208 = arith.constant 0 : i32
      %dma_wait3A_209 = tpu.memref_slice %arg4[%select_n3A_8, %dma_wait3A_208] : memref<2560x128xi32, #tpu.memory_space<hbm>> -> memref<1x128xi32, #tpu.memory_space<hbm>>
      tpu.wait_dma2 semaphore(%run_scoped3A_185 : memref<!tpu.dma_semaphore, #tpu.memory_space<semaphore_mem>>) src(%dma_wait3A_209 : memref<1x128xi32, #tpu.memory_space<hbm>>) dst(%dma_wait3A_207 : memref<1x128xi32, #tpu.memory_space<vmem>>)
      tpu.yield
    }) : () -> ()
    %dma_start3A_130 = arith.constant 0 : i32
    %dma_start3A_131 = arith.constant 0 : i32
    %dma_start3A_132 = arith.constant 0 : i32
    %dma_start3A_133 = tpu.memref_slice %arg6[%dma_start3A_130, %dma_start3A_131, %dma_start3A_132] : memref<2x1x128xi32, #tpu.memory_space<vmem>> -> memref<1x1x128xi32, #tpu.memory_space<vmem>>
    %dma_start3A_134 = tpu.memref_squeeze %dma_start3A_133 : memref<1x1x128xi32, #tpu.memory_space<vmem>> -> memref<128xi32, #tpu.memory_space<vmem>>
    %dma_start3A_135 = arith.constant 0 : i32
    %dma_start3A_136 = arith.constant 0 : i32
    %dma_start3A_137 = tpu.memref_slice %arg2[%dma_start3A_135, %dma_start3A_136] : memref<10000x144xf32, #tpu.memory_space<hbm>> -> memref<10000x144xf32, #tpu.memory_space<hbm>>
    tpu.enqueue_indirect_dma source(%dma_start3A_137 : memref<10000x144xf32, #tpu.memory_space<hbm>>) target(%arg8 : memref<128x144xf32, #tpu.memory_space<vmem>>) offsets(%dma_start3A_134 : memref<128xi32, #tpu.memory_space<vmem>>) semaphore(%arg10 : memref<!tpu.dma_semaphore, #tpu.memory_space<semaphore_mem>>)
    %jit3A_138 = arith.constant 2 : i32
    %div3A = arith.divsi %select_n3A, %jit3A_138 : i32
    %sign3A = arith.constant 0 : i32
    %sign3A_139 = arith.cmpi sgt, %select_n3A, %sign3A : i32
    %sign3A_140 = arith.extui %sign3A_139 : i1 to i32
    %sign3A_141 = arith.constant 0 : i32
    %sign3A_142 = arith.cmpi slt, %select_n3A, %sign3A_141 : i32
    %sign3A_143 = arith.extui %sign3A_142 : i1 to i32
    %sign3A_144 = arith.subi %sign3A_140, %sign3A_143 : i32
    %sign3A_145 = arith.constant 0 : i32
    %sign3A_146 = arith.cmpi sgt, %jit3A_138, %sign3A_145 : i32
    %sign3A_147 = arith.extui %sign3A_146 : i1 to i32
    %sign3A_148 = arith.constant 0 : i32
    %sign3A_149 = arith.cmpi slt, %jit3A_138, %sign3A_148 : i32
    %sign3A_150 = arith.extui %sign3A_149 : i1 to i32
    %sign3A_151 = arith.subi %sign3A_147, %sign3A_150 : i32
    %ne3A = arith.cmpi ne, %sign3A_144, %sign3A_151 : i32
    %rem3A = arith.remsi %select_n3A, %jit3A_138 : i32
    %ne3A_152 = arith.constant 0 : i32
    %ne3A_153 = arith.cmpi ne, %rem3A, %ne3A_152 : i32
    %and3A = arith.andi %ne3A, %ne3A_153 : i1
    %sub3A = arith.constant 1 : i32
    %sub3A_154 = arith.subi %div3A, %sub3A : i32
    %select_n3A_155 = arith.select %and3A, %sub3A_154, %div3A : i32
    %while3A = arith.constant 0 : i32
    %while3A_156 = arith.constant 0 : i32
    %while3A_157 = arith.subi %select_n3A_155, %while3A_156 : i32
    %while3A_158 = arith.addi %while3A_156, %while3A_157 : i32
    %while3A_159 = arith.constant 1 : i32
    %while3A_160 = arith.divsi %while3A_157, %while3A_159 : i32
    %while3A_161 = arith.muli %while3A_160, %while3A_159 : i32
    %while3A_162 = arith.addi %while3A_156, %while3A_161 : i32
    %while3A_163 = arith.constant 1 : i32
    scf.for %while3A_185 = %while3A_156 to %while3A_162 step %while3A_163  : i32 {
      %mul3A_186 = arith.constant 2 : i32
      %mul3A_187 = arith.muli %mul3A_186, %while3A_185 : i32
      %dma_wait3A_188 = arith.constant 0 : i32
      %dma_wait3A_189 = arith.constant 0 : i32
      %dma_wait3A_190 = arith.constant 0 : i32
      %dma_wait3A_191 = tpu.memref_slice %arg6[%dma_wait3A_188, %dma_wait3A_189, %dma_wait3A_190] : memref<2x1x128xi32, #tpu.memory_space<vmem>> -> memref<1x1x128xi32, #tpu.memory_space<vmem>>
      %dma_wait3A_192 = tpu.memref_squeeze %dma_wait3A_191 : memref<1x1x128xi32, #tpu.memory_space<vmem>> -> memref<128xi32, #tpu.memory_space<vmem>>
      %dma_wait3A_193 = arith.constant 0 : i32
      %dma_wait3A_194 = arith.constant 0 : i32
      %dma_wait3A_195 = tpu.memref_slice %arg2[%dma_wait3A_193, %dma_wait3A_194] : memref<10000x144xf32, #tpu.memory_space<hbm>> -> memref<10000x144xf32, #tpu.memory_space<hbm>>
      tpu.wait_indirect_dma semaphore(%arg10 : memref<!tpu.dma_semaphore, #tpu.memory_space<semaphore_mem>>) src(%dma_wait3A_195 : memref<10000x144xf32, #tpu.memory_space<hbm>>) dst(%arg8 : memref<128x144xf32, #tpu.memory_space<vmem>>)
      %dma_wait3A_196 = arith.constant 1 : i32
      %dma_wait3A_197 = arith.constant 0 : i32
      %dma_wait3A_198 = arith.constant 0 : i32
      %dma_wait3A_199 = tpu.memref_slice %arg7[%dma_wait3A_196, %dma_wait3A_197, %dma_wait3A_198] : memref<2x1x128xi32, #tpu.memory_space<vmem>> -> memref<1x1x128xi32, #tpu.memory_space<vmem>>
      %dma_wait3A_200 = tpu.memref_squeeze %dma_wait3A_199 : memref<1x1x128xi32, #tpu.memory_space<vmem>> -> memref<128xi32, #tpu.memory_space<vmem>>
      %dma_wait3A_201 = arith.constant 0 : i32
      %dma_wait3A_202 = arith.constant 0 : i32
      %dma_wait3A_203 = tpu.memref_slice %arg12[%dma_wait3A_201, %dma_wait3A_202] : memref<10240x144xf32, #tpu.memory_space<vmem_shared>> -> memref<10240x144xf32, #tpu.memory_space<vmem_shared>>
      tpu.wait_indirect_dma semaphore(%arg11 : memref<!tpu.dma_semaphore, #tpu.memory_space<semaphore_mem>>) src(%arg9 : memref<128x144xf32, #tpu.memory_space<vmem>>) dst(%dma_wait3A_203 : memref<10240x144xf32, #tpu.memory_space<vmem_shared>>)
      %add3A_204 = arith.constant 1 : i32
      %add3A_205 = arith.addi %mul3A_187, %add3A_204 : i32
      %rem3A_206 = arith.remsi %add3A_205, %select_n3A : i32
      %mul3A_207 = arith.constant 1 : i32
      %mul3A_208 = arith.muli %rem3A_206, %mul3A_207 : i32
      %add3A_209 = arith.addi %select_n3A_8, %mul3A_208 : i32
      %run_scoped3A_210 = arith.constant 1 : i32
      "tpu.region"() ({
        %run_scoped3A_272 = tpu.sem_alloc : memref<!tpu.dma_semaphore, #tpu.memory_space<semaphore_mem>>
        %dma_start3A_273 = arith.constant 0 : i32
        %dma_start3A_274 = arith.constant 0 : i32
        %dma_start3A_275 = tpu.memref_slice %arg6[%run_scoped3A_210, %dma_start3A_273, %dma_start3A_274] : memref<2x1x128xi32, #tpu.memory_space<vmem>> -> memref<1x1x128xi32, #tpu.memory_space<vmem>>
        %dma_start3A_276 = tpu.memref_squeeze %dma_start3A_275 : memref<1x1x128xi32, #tpu.memory_space<vmem>> -> memref<1x128xi32, #tpu.memory_space<vmem>>
        %dma_start3A_277 = arith.constant 0 : i32
        %dma_start3A_278 = tpu.memref_slice %arg3[%add3A_209, %dma_start3A_277] : memref<2560x128xi32, #tpu.memory_space<hbm>> -> memref<1x128xi32, #tpu.memory_space<hbm>>
        %dma_start3A_279 = arith.constant 0 : i32
        %dma_start3A_280 = arith.constant 0 : i32
        %dma_start3A_281 = tpu.memref_slice %arg6[%run_scoped3A_210, %dma_start3A_279, %dma_start3A_280] : memref<2x1x128xi32, #tpu.memory_space<vmem>> -> memref<1x1x128xi32, #tpu.memory_space<vmem>>
        %dma_start3A_282 = tpu.memref_squeeze %dma_start3A_281 : memref<1x1x128xi32, #tpu.memory_space<vmem>> -> memref<1x128xi32, #tpu.memory_space<vmem>>
        %dma_start3A_283 = arith.constant 0 : i32
        %dma_start3A_284 = tpu.memref_slice %arg3[%add3A_209, %dma_start3A_283] : memref<2560x128xi32, #tpu.memory_space<hbm>> -> memref<1x128xi32, #tpu.memory_space<hbm>>
        tpu.enqueue_dma source(%dma_start3A_284 : memref<1x128xi32, #tpu.memory_space<hbm>>) target(%dma_start3A_282 : memref<1x128xi32, #tpu.memory_space<vmem>>) target_semaphore(%run_scoped3A_272 : memref<!tpu.dma_semaphore, #tpu.memory_space<semaphore_mem>>)
        %dma_wait3A_285 = arith.constant 0 : i32
        %dma_wait3A_286 = arith.constant 0 : i32
        %dma_wait3A_287 = tpu.memref_slice %arg6[%run_scoped3A_210, %dma_wait3A_285, %dma_wait3A_286] : memref<2x1x128xi32, #tpu.memory_space<vmem>> -> memref<1x1x128xi32, #tpu.memory_space<vmem>>
        %dma_wait3A_288 = tpu.memref_squeeze %dma_wait3A_287 : memref<1x1x128xi32, #tpu.memory_space<vmem>> -> memref<1x128xi32, #tpu.memory_space<vmem>>
        %dma_wait3A_289 = arith.constant 0 : i32
        %dma_wait3A_290 = tpu.memref_slice %arg3[%add3A_209, %dma_wait3A_289] : memref<2560x128xi32, #tpu.memory_space<hbm>> -> memref<1x128xi32, #tpu.memory_space<hbm>>
        %dma_wait3A_291 = arith.constant 0 : i32
        %dma_wait3A_292 = arith.constant 0 : i32
        %dma_wait3A_293 = tpu.memref_slice %arg6[%run_scoped3A_210, %dma_wait3A_291, %dma_wait3A_292] : memref<2x1x128xi32, #tpu.memory_space<vmem>> -> memref<1x1x128xi32, #tpu.memory_space<vmem>>
        %dma_wait3A_294 = tpu.memref_squeeze %dma_wait3A_293 : memref<1x1x128xi32, #tpu.memory_space<vmem>> -> memref<1x128xi32, #tpu.memory_space<vmem>>
        %dma_wait3A_295 = arith.constant 0 : i32
        %dma_wait3A_296 = tpu.memref_slice %arg3[%add3A_209, %dma_wait3A_295] : memref<2560x128xi32, #tpu.memory_space<hbm>> -> memref<1x128xi32, #tpu.memory_space<hbm>>
        tpu.wait_dma2 semaphore(%run_scoped3A_272 : memref<!tpu.dma_semaphore, #tpu.memory_space<semaphore_mem>>) src(%dma_wait3A_296 : memref<1x128xi32, #tpu.memory_space<hbm>>) dst(%dma_wait3A_294 : memref<1x128xi32, #tpu.memory_space<vmem>>)
        tpu.yield
      }) : () -> ()
      %run_scoped3A_211 = arith.constant 1 : i32
      "tpu.region"() ({
        %run_scoped3A_272 = tpu.sem_alloc : memref<!tpu.dma_semaphore, #tpu.memory_space<semaphore_mem>>
        %dma_start3A_273 = arith.constant 0 : i32
        %dma_start3A_274 = arith.constant 0 : i32
        %dma_start3A_275 = tpu.memref_slice %arg7[%run_scoped3A_211, %dma_start3A_273, %dma_start3A_274] : memref<2x1x128xi32, #tpu.memory_space<vmem>> -> memref<1x1x128xi32, #tpu.memory_space<vmem>>
        %dma_start3A_276 = tpu.memref_squeeze %dma_start3A_275 : memref<1x1x128xi32, #tpu.memory_space<vmem>> -> memref<1x128xi32, #tpu.memory_space<vmem>>
        %dma_start3A_277 = arith.constant 0 : i32
        %dma_start3A_278 = tpu.memref_slice %arg4[%add3A_209, %dma_start3A_277] : memref<2560x128xi32, #tpu.memory_space<hbm>> -> memref<1x128xi32, #tpu.memory_space<hbm>>
        %dma_start3A_279 = arith.constant 0 : i32
        %dma_start3A_280 = arith.constant 0 : i32
        %dma_start3A_281 = tpu.memref_slice %arg7[%run_scoped3A_211, %dma_start3A_279, %dma_start3A_280] : memref<2x1x128xi32, #tpu.memory_space<vmem>> -> memref<1x1x128xi32, #tpu.memory_space<vmem>>
        %dma_start3A_282 = tpu.memref_squeeze %dma_start3A_281 : memref<1x1x128xi32, #tpu.memory_space<vmem>> -> memref<1x128xi32, #tpu.memory_space<vmem>>
        %dma_start3A_283 = arith.constant 0 : i32
        %dma_start3A_284 = tpu.memref_slice %arg4[%add3A_209, %dma_start3A_283] : memref<2560x128xi32, #tpu.memory_space<hbm>> -> memref<1x128xi32, #tpu.memory_space<hbm>>
        tpu.enqueue_dma source(%dma_start3A_284 : memref<1x128xi32, #tpu.memory_space<hbm>>) target(%dma_start3A_282 : memref<1x128xi32, #tpu.memory_space<vmem>>) target_semaphore(%run_scoped3A_272 : memref<!tpu.dma_semaphore, #tpu.memory_space<semaphore_mem>>)
        %dma_wait3A_285 = arith.constant 0 : i32
        %dma_wait3A_286 = arith.constant 0 : i32
        %dma_wait3A_287 = tpu.memref_slice %arg7[%run_scoped3A_211, %dma_wait3A_285, %dma_wait3A_286] : memref<2x1x128xi32, #tpu.memory_space<vmem>> -> memref<1x1x128xi32, #tpu.memory_space<vmem>>
        %dma_wait3A_288 = tpu.memref_squeeze %dma_wait3A_287 : memref<1x1x128xi32, #tpu.memory_space<vmem>> -> memref<1x128xi32, #tpu.memory_space<vmem>>
        %dma_wait3A_289 = arith.constant 0 : i32
        %dma_wait3A_290 = tpu.memref_slice %arg4[%add3A_209, %dma_wait3A_289] : memref<2560x128xi32, #tpu.memory_space<hbm>> -> memref<1x128xi32, #tpu.memory_space<hbm>>
        %dma_wait3A_291 = arith.constant 0 : i32
        %dma_wait3A_292 = arith.constant 0 : i32
        %dma_wait3A_293 = tpu.memref_slice %arg7[%run_scoped3A_211, %dma_wait3A_291, %dma_wait3A_292] : memref<2x1x128xi32, #tpu.memory_space<vmem>> -> memref<1x1x128xi32, #tpu.memory_space<vmem>>
        %dma_wait3A_294 = tpu.memref_squeeze %dma_wait3A_293 : memref<1x1x128xi32, #tpu.memory_space<vmem>> -> memref<1x128xi32, #tpu.memory_space<vmem>>
        %dma_wait3A_295 = arith.constant 0 : i32
        %dma_wait3A_296 = tpu.memref_slice %arg4[%add3A_209, %dma_wait3A_295] : memref<2560x128xi32, #tpu.memory_space<hbm>> -> memref<1x128xi32, #tpu.memory_space<hbm>>
        tpu.wait_dma2 semaphore(%run_scoped3A_272 : memref<!tpu.dma_semaphore, #tpu.memory_space<semaphore_mem>>) src(%dma_wait3A_296 : memref<1x128xi32, #tpu.memory_space<hbm>>) dst(%dma_wait3A_294 : memref<1x128xi32, #tpu.memory_space<vmem>>)
        tpu.yield
      }) : () -> ()
      %dma_start3A_212 = arith.constant 1 : i32
      %dma_start3A_213 = arith.constant 0 : i32
      %dma_start3A_214 = arith.constant 0 : i32
      %dma_start3A_215 = tpu.memref_slice %arg6[%dma_start3A_212, %dma_start3A_213, %dma_start3A_214] : memref<2x1x128xi32, #tpu.memory_space<vmem>> -> memref<1x1x128xi32, #tpu.memory_space<vmem>>
      %dma_start3A_216 = tpu.memref_squeeze %dma_start3A_215 : memref<1x1x128xi32, #tpu.memory_space<vmem>> -> memref<128xi32, #tpu.memory_space<vmem>>
      %dma_start3A_217 = arith.constant 0 : i32
      %dma_start3A_218 = arith.constant 0 : i32
      %dma_start3A_219 = tpu.memref_slice %arg2[%dma_start3A_217, %dma_start3A_218] : memref<10000x144xf32, #tpu.memory_space<hbm>> -> memref<10000x144xf32, #tpu.memory_space<hbm>>
      tpu.enqueue_indirect_dma source(%dma_start3A_219 : memref<10000x144xf32, #tpu.memory_space<hbm>>) target(%arg9 : memref<128x144xf32, #tpu.memory_space<vmem>>) offsets(%dma_start3A_216 : memref<128xi32, #tpu.memory_space<vmem>>) semaphore(%arg11 : memref<!tpu.dma_semaphore, #tpu.memory_space<semaphore_mem>>)
      %dma_start3A_220 = arith.constant 0 : i32
      %dma_start3A_221 = arith.constant 0 : i32
      %dma_start3A_222 = arith.constant 0 : i32
      %dma_start3A_223 = tpu.memref_slice %arg7[%dma_start3A_220, %dma_start3A_221, %dma_start3A_222] : memref<2x1x128xi32, #tpu.memory_space<vmem>> -> memref<1x1x128xi32, #tpu.memory_space<vmem>>
      %dma_start3A_224 = tpu.memref_squeeze %dma_start3A_223 : memref<1x1x128xi32, #tpu.memory_space<vmem>> -> memref<128xi32, #tpu.memory_space<vmem>>
      %dma_start3A_225 = arith.constant 0 : i32
      %dma_start3A_226 = arith.constant 0 : i32
      %dma_start3A_227 = tpu.memref_slice %arg12[%dma_start3A_225, %dma_start3A_226] : memref<10240x144xf32, #tpu.memory_space<vmem_shared>> -> memref<10240x144xf32, #tpu.memory_space<vmem_shared>>
      tpu.enqueue_indirect_dma source(%arg8 : memref<128x144xf32, #tpu.memory_space<vmem>>) target(%dma_start3A_227 : memref<10240x144xf32, #tpu.memory_space<vmem_shared>>) offsets(%dma_start3A_224 : memref<128xi32, #tpu.memory_space<vmem>>) semaphore(%arg10 : memref<!tpu.dma_semaphore, #tpu.memory_space<semaphore_mem>>) {add = true}
      %mul3A_228 = arith.constant 2 : i32
      %mul3A_229 = arith.muli %mul3A_228, %while3A_185 : i32
      %add3A_230 = arith.constant 1 : i32
      %add3A_231 = arith.addi %mul3A_229, %add3A_230 : i32
      %dma_wait3A_232 = arith.constant 1 : i32
      %dma_wait3A_233 = arith.constant 0 : i32
      %dma_wait3A_234 = arith.constant 0 : i32
      %dma_wait3A_235 = tpu.memref_slice %arg6[%dma_wait3A_232, %dma_wait3A_233, %dma_wait3A_234] : memref<2x1x128xi32, #tpu.memory_space<vmem>> -> memref<1x1x128xi32, #tpu.memory_space<vmem>>
      %dma_wait3A_236 = tpu.memref_squeeze %dma_wait3A_235 : memref<1x1x128xi32, #tpu.memory_space<vmem>> -> memref<128xi32, #tpu.memory_space<vmem>>
      %dma_wait3A_237 = arith.constant 0 : i32
      %dma_wait3A_238 = arith.constant 0 : i32
      %dma_wait3A_239 = tpu.memref_slice %arg2[%dma_wait3A_237, %dma_wait3A_238] : memref<10000x144xf32, #tpu.memory_space<hbm>> -> memref<10000x144xf32, #tpu.memory_space<hbm>>
      tpu.wait_indirect_dma semaphore(%arg11 : memref<!tpu.dma_semaphore, #tpu.memory_space<semaphore_mem>>) src(%dma_wait3A_239 : memref<10000x144xf32, #tpu.memory_space<hbm>>) dst(%arg9 : memref<128x144xf32, #tpu.memory_space<vmem>>)
      %dma_wait3A_240 = arith.constant 0 : i32
      %dma_wait3A_241 = arith.constant 0 : i32
      %dma_wait3A_242 = arith.constant 0 : i32
      %dma_wait3A_243 = tpu.memref_slice %arg7[%dma_wait3A_240, %dma_wait3A_241, %dma_wait3A_242] : memref<2x1x128xi32, #tpu.memory_space<vmem>> -> memref<1x1x128xi32, #tpu.memory_space<vmem>>
      %dma_wait3A_244 = tpu.memref_squeeze %dma_wait3A_243 : memref<1x1x128xi32, #tpu.memory_space<vmem>> -> memref<128xi32, #tpu.memory_space<vmem>>
      %dma_wait3A_245 = arith.constant 0 : i32
      %dma_wait3A_246 = arith.constant 0 : i32
      %dma_wait3A_247 = tpu.memref_slice %arg12[%dma_wait3A_245, %dma_wait3A_246] : memref<10240x144xf32, #tpu.memory_space<vmem_shared>> -> memref<10240x144xf32, #tpu.memory_space<vmem_shared>>
      tpu.wait_indirect_dma semaphore(%arg10 : memref<!tpu.dma_semaphore, #tpu.memory_space<semaphore_mem>>) src(%arg8 : memref<128x144xf32, #tpu.memory_space<vmem>>) dst(%dma_wait3A_247 : memref<10240x144xf32, #tpu.memory_space<vmem_shared>>)
      %add3A_248 = arith.constant 1 : i32
      %add3A_249 = arith.addi %add3A_231, %add3A_248 : i32
      %rem3A_250 = arith.remsi %add3A_249, %select_n3A : i32
      %mul3A_251 = arith.constant 1 : i32
      %mul3A_252 = arith.muli %rem3A_250, %mul3A_251 : i32
      %add3A_253 = arith.addi %select_n3A_8, %mul3A_252 : i32
      %run_scoped3A_254 = arith.constant 0 : i32
      "tpu.region"() ({
        %run_scoped3A_272 = tpu.sem_alloc : memref<!tpu.dma_semaphore, #tpu.memory_space<semaphore_mem>>
        %dma_start3A_273 = arith.constant 0 : i32
        %dma_start3A_274 = arith.constant 0 : i32
        %dma_start3A_275 = tpu.memref_slice %arg6[%run_scoped3A_254, %dma_start3A_273, %dma_start3A_274] : memref<2x1x128xi32, #tpu.memory_space<vmem>> -> memref<1x1x128xi32, #tpu.memory_space<vmem>>
        %dma_start3A_276 = tpu.memref_squeeze %dma_start3A_275 : memref<1x1x128xi32, #tpu.memory_space<vmem>> -> memref<1x128xi32, #tpu.memory_space<vmem>>
        %dma_start3A_277 = arith.constant 0 : i32
        %dma_start3A_278 = tpu.memref_slice %arg3[%add3A_253, %dma_start3A_277] : memref<2560x128xi32, #tpu.memory_space<hbm>> -> memref<1x128xi32, #tpu.memory_space<hbm>>
        %dma_start3A_279 = arith.constant 0 : i32
        %dma_start3A_280 = arith.constant 0 : i32
        %dma_start3A_281 = tpu.memref_slice %arg6[%run_scoped3A_254, %dma_start3A_279, %dma_start3A_280] : memref<2x1x128xi32, #tpu.memory_space<vmem>> -> memref<1x1x128xi32, #tpu.memory_space<vmem>>
        %dma_start3A_282 = tpu.memref_squeeze %dma_start3A_281 : memref<1x1x128xi32, #tpu.memory_space<vmem>> -> memref<1x128xi32, #tpu.memory_space<vmem>>
        %dma_start3A_283 = arith.constant 0 : i32
        %dma_start3A_284 = tpu.memref_slice %arg3[%add3A_253, %dma_start3A_283] : memref<2560x128xi32, #tpu.memory_space<hbm>> -> memref<1x128xi32, #tpu.memory_space<hbm>>
        tpu.enqueue_dma source(%dma_start3A_284 : memref<1x128xi32, #tpu.memory_space<hbm>>) target(%dma_start3A_282 : memref<1x128xi32, #tpu.memory_space<vmem>>) target_semaphore(%run_scoped3A_272 : memref<!tpu.dma_semaphore, #tpu.memory_space<semaphore_mem>>)
        %dma_wait3A_285 = arith.constant 0 : i32
        %dma_wait3A_286 = arith.constant 0 : i32
        %dma_wait3A_287 = tpu.memref_slice %arg6[%run_scoped3A_254, %dma_wait3A_285, %dma_wait3A_286] : memref<2x1x128xi32, #tpu.memory_space<vmem>> -> memref<1x1x128xi32, #tpu.memory_space<vmem>>
        %dma_wait3A_288 = tpu.memref_squeeze %dma_wait3A_287 : memref<1x1x128xi32, #tpu.memory_space<vmem>> -> memref<1x128xi32, #tpu.memory_space<vmem>>
        %dma_wait3A_289 = arith.constant 0 : i32
        %dma_wait3A_290 = tpu.memref_slice %arg3[%add3A_253, %dma_wait3A_289] : memref<2560x128xi32, #tpu.memory_space<hbm>> -> memref<1x128xi32, #tpu.memory_space<hbm>>
        %dma_wait3A_291 = arith.constant 0 : i32
        %dma_wait3A_292 = arith.constant 0 : i32
        %dma_wait3A_293 = tpu.memref_slice %arg6[%run_scoped3A_254, %dma_wait3A_291, %dma_wait3A_292] : memref<2x1x128xi32, #tpu.memory_space<vmem>> -> memref<1x1x128xi32, #tpu.memory_space<vmem>>
        %dma_wait3A_294 = tpu.memref_squeeze %dma_wait3A_293 : memref<1x1x128xi32, #tpu.memory_space<vmem>> -> memref<1x128xi32, #tpu.memory_space<vmem>>
        %dma_wait3A_295 = arith.constant 0 : i32
        %dma_wait3A_296 = tpu.memref_slice %arg3[%add3A_253, %dma_wait3A_295] : memref<2560x128xi32, #tpu.memory_space<hbm>> -> memref<1x128xi32, #tpu.memory_space<hbm>>
        tpu.wait_dma2 semaphore(%run_scoped3A_272 : memref<!tpu.dma_semaphore, #tpu.memory_space<semaphore_mem>>) src(%dma_wait3A_296 : memref<1x128xi32, #tpu.memory_space<hbm>>) dst(%dma_wait3A_294 : memref<1x128xi32, #tpu.memory_space<vmem>>)
        tpu.yield
      }) : () -> ()
      %run_scoped3A_255 = arith.constant 0 : i32
      "tpu.region"() ({
        %run_scoped3A_272 = tpu.sem_alloc : memref<!tpu.dma_semaphore, #tpu.memory_space<semaphore_mem>>
        %dma_start3A_273 = arith.constant 0 : i32
        %dma_start3A_274 = arith.constant 0 : i32
        %dma_start3A_275 = tpu.memref_slice %arg7[%run_scoped3A_255, %dma_start3A_273, %dma_start3A_274] : memref<2x1x128xi32, #tpu.memory_space<vmem>> -> memref<1x1x128xi32, #tpu.memory_space<vmem>>
        %dma_start3A_276 = tpu.memref_squeeze %dma_start3A_275 : memref<1x1x128xi32, #tpu.memory_space<vmem>> -> memref<1x128xi32, #tpu.memory_space<vmem>>
        %dma_start3A_277 = arith.constant 0 : i32
        %dma_start3A_278 = tpu.memref_slice %arg4[%add3A_253, %dma_start3A_277] : memref<2560x128xi32, #tpu.memory_space<hbm>> -> memref<1x128xi32, #tpu.memory_space<hbm>>
        %dma_start3A_279 = arith.constant 0 : i32
        %dma_start3A_280 = arith.constant 0 : i32
        %dma_start3A_281 = tpu.memref_slice %arg7[%run_scoped3A_255, %dma_start3A_279, %dma_start3A_280] : memref<2x1x128xi32, #tpu.memory_space<vmem>> -> memref<1x1x128xi32, #tpu.memory_space<vmem>>
        %dma_start3A_282 = tpu.memref_squeeze %dma_start3A_281 : memref<1x1x128xi32, #tpu.memory_space<vmem>> -> memref<1x128xi32, #tpu.memory_space<vmem>>
        %dma_start3A_283 = arith.constant 0 : i32
        %dma_start3A_284 = tpu.memref_slice %arg4[%add3A_253, %dma_start3A_283] : memref<2560x128xi32, #tpu.memory_space<hbm>> -> memref<1x128xi32, #tpu.memory_space<hbm>>
        tpu.enqueue_dma source(%dma_start3A_284 : memref<1x128xi32, #tpu.memory_space<hbm>>) target(%dma_start3A_282 : memref<1x128xi32, #tpu.memory_space<vmem>>) target_semaphore(%run_scoped3A_272 : memref<!tpu.dma_semaphore, #tpu.memory_space<semaphore_mem>>)
        %dma_wait3A_285 = arith.constant 0 : i32
        %dma_wait3A_286 = arith.constant 0 : i32
        %dma_wait3A_287 = tpu.memref_slice %arg7[%run_scoped3A_255, %dma_wait3A_285, %dma_wait3A_286] : memref<2x1x128xi32, #tpu.memory_space<vmem>> -> memref<1x1x128xi32, #tpu.memory_space<vmem>>
        %dma_wait3A_288 = tpu.memref_squeeze %dma_wait3A_287 : memref<1x1x128xi32, #tpu.memory_space<vmem>> -> memref<1x128xi32, #tpu.memory_space<vmem>>
        %dma_wait3A_289 = arith.constant 0 : i32
        %dma_wait3A_290 = tpu.memref_slice %arg4[%add3A_253, %dma_wait3A_289] : memref<2560x128xi32, #tpu.memory_space<hbm>> -> memref<1x128xi32, #tpu.memory_space<hbm>>
        %dma_wait3A_291 = arith.constant 0 : i32
        %dma_wait3A_292 = arith.constant 0 : i32
        %dma_wait3A_293 = tpu.memref_slice %arg7[%run_scoped3A_255, %dma_wait3A_291, %dma_wait3A_292] : memref<2x1x128xi32, #tpu.memory_space<vmem>> -> memref<1x1x128xi32, #tpu.memory_space<vmem>>
        %dma_wait3A_294 = tpu.memref_squeeze %dma_wait3A_293 : memref<1x1x128xi32, #tpu.memory_space<vmem>> -> memref<1x128xi32, #tpu.memory_space<vmem>>
        %dma_wait3A_295 = arith.constant 0 : i32
        %dma_wait3A_296 = tpu.memref_slice %arg4[%add3A_253, %dma_wait3A_295] : memref<2560x128xi32, #tpu.memory_space<hbm>> -> memref<1x128xi32, #tpu.memory_space<hbm>>
        tpu.wait_dma2 semaphore(%run_scoped3A_272 : memref<!tpu.dma_semaphore, #tpu.memory_space<semaphore_mem>>) src(%dma_wait3A_296 : memref<1x128xi32, #tpu.memory_space<hbm>>) dst(%dma_wait3A_294 : memref<1x128xi32, #tpu.memory_space<vmem>>)
        tpu.yield
      }) : () -> ()
      %dma_start3A_256 = arith.constant 0 : i32
      %dma_start3A_257 = arith.constant 0 : i32
      %dma_start3A_258 = arith.constant 0 : i32
      %dma_start3A_259 = tpu.memref_slice %arg6[%dma_start3A_256, %dma_start3A_257, %dma_start3A_258] : memref<2x1x128xi32, #tpu.memory_space<vmem>> -> memref<1x1x128xi32, #tpu.memory_space<vmem>>
      %dma_start3A_260 = tpu.memref_squeeze %dma_start3A_259 : memref<1x1x128xi32, #tpu.memory_space<vmem>> -> memref<128xi32, #tpu.memory_space<vmem>>
      %dma_start3A_261 = arith.constant 0 : i32
      %dma_start3A_262 = arith.constant 0 : i32
      %dma_start3A_263 = tpu.memref_slice %arg2[%dma_start3A_261, %dma_start3A_262] : memref<10000x144xf32, #tpu.memory_space<hbm>> -> memref<10000x144xf32, #tpu.memory_space<hbm>>
      tpu.enqueue_indirect_dma source(%dma_start3A_263 : memref<10000x144xf32, #tpu.memory_space<hbm>>) target(%arg8 : memref<128x144xf32, #tpu.memory_space<vmem>>) offsets(%dma_start3A_260 : memref<128xi32, #tpu.memory_space<vmem>>) semaphore(%arg10 : memref<!tpu.dma_semaphore, #tpu.memory_space<semaphore_mem>>)
      %dma_start3A_264 = arith.constant 1 : i32
      %dma_start3A_265 = arith.constant 0 : i32
      %dma_start3A_266 = arith.constant 0 : i32
      %dma_start3A_267 = tpu.memref_slice %arg7[%dma_start3A_264, %dma_start3A_265, %dma_start3A_266] : memref<2x1x128xi32, #tpu.memory_space<vmem>> -> memref<1x1x128xi32, #tpu.memory_space<vmem>>
      %dma_start3A_268 = tpu.memref_squeeze %dma_start3A_267 : memref<1x1x128xi32, #tpu.memory_space<vmem>> -> memref<128xi32, #tpu.memory_space<vmem>>
      %dma_start3A_269 = arith.constant 0 : i32
      %dma_start3A_270 = arith.constant 0 : i32
      %dma_start3A_271 = tpu.memref_slice %arg12[%dma_start3A_269, %dma_start3A_270] : memref<10240x144xf32, #tpu.memory_space<vmem_shared>> -> memref<10240x144xf32, #tpu.memory_space<vmem_shared>>
      tpu.enqueue_indirect_dma source(%arg9 : memref<128x144xf32, #tpu.memory_space<vmem>>) target(%dma_start3A_271 : memref<10240x144xf32, #tpu.memory_space<vmem_shared>>) offsets(%dma_start3A_268 : memref<128xi32, #tpu.memory_space<vmem>>) semaphore(%arg11 : memref<!tpu.dma_semaphore, #tpu.memory_space<semaphore_mem>>) {add = true}
    }
    %while3A_164 = arith.constant 1 : i32
    scf.for %while3A_185 = %while3A_162 to %while3A_158 step %while3A_164  : i32 {
      %mul3A_186 = arith.constant 2 : i32
      %mul3A_187 = arith.muli %mul3A_186, %while3A_185 : i32
      %dma_wait3A_188 = arith.constant 0 : i32
      %dma_wait3A_189 = arith.constant 0 : i32
      %dma_wait3A_190 = arith.constant 0 : i32
      %dma_wait3A_191 = tpu.memref_slice %arg6[%dma_wait3A_188, %dma_wait3A_189, %dma_wait3A_190] : memref<2x1x128xi32, #tpu.memory_space<vmem>> -> memref<1x1x128xi32, #tpu.memory_space<vmem>>
      %dma_wait3A_192 = tpu.memref_squeeze %dma_wait3A_191 : memref<1x1x128xi32, #tpu.memory_space<vmem>> -> memref<128xi32, #tpu.memory_space<vmem>>
      %dma_wait3A_193 = arith.constant 0 : i32
      %dma_wait3A_194 = arith.constant 0 : i32
      %dma_wait3A_195 = tpu.memref_slice %arg2[%dma_wait3A_193, %dma_wait3A_194] : memref<10000x144xf32, #tpu.memory_space<hbm>> -> memref<10000x144xf32, #tpu.memory_space<hbm>>
      tpu.wait_indirect_dma semaphore(%arg10 : memref<!tpu.dma_semaphore, #tpu.memory_space<semaphore_mem>>) src(%dma_wait3A_195 : memref<10000x144xf32, #tpu.memory_space<hbm>>) dst(%arg8 : memref<128x144xf32, #tpu.memory_space<vmem>>)
      %dma_wait3A_196 = arith.constant 1 : i32
      %dma_wait3A_197 = arith.constant 0 : i32
      %dma_wait3A_198 = arith.constant 0 : i32
      %dma_wait3A_199 = tpu.memref_slice %arg7[%dma_wait3A_196, %dma_wait3A_197, %dma_wait3A_198] : memref<2x1x128xi32, #tpu.memory_space<vmem>> -> memref<1x1x128xi32, #tpu.memory_space<vmem>>
      %dma_wait3A_200 = tpu.memref_squeeze %dma_wait3A_199 : memref<1x1x128xi32, #tpu.memory_space<vmem>> -> memref<128xi32, #tpu.memory_space<vmem>>
      %dma_wait3A_201 = arith.constant 0 : i32
      %dma_wait3A_202 = arith.constant 0 : i32
      %dma_wait3A_203 = tpu.memref_slice %arg12[%dma_wait3A_201, %dma_wait3A_202] : memref<10240x144xf32, #tpu.memory_space<vmem_shared>> -> memref<10240x144xf32, #tpu.memory_space<vmem_shared>>
      tpu.wait_indirect_dma semaphore(%arg11 : memref<!tpu.dma_semaphore, #tpu.memory_space<semaphore_mem>>) src(%arg9 : memref<128x144xf32, #tpu.memory_space<vmem>>) dst(%dma_wait3A_203 : memref<10240x144xf32, #tpu.memory_space<vmem_shared>>)
      %add3A_204 = arith.constant 1 : i32
      %add3A_205 = arith.addi %mul3A_187, %add3A_204 : i32
      %rem3A_206 = arith.remsi %add3A_205, %select_n3A : i32
      %mul3A_207 = arith.constant 1 : i32
      %mul3A_208 = arith.muli %rem3A_206, %mul3A_207 : i32
      %add3A_209 = arith.addi %select_n3A_8, %mul3A_208 : i32
      %run_scoped3A_210 = arith.constant 1 : i32
      "tpu.region"() ({
        %run_scoped3A_272 = tpu.sem_alloc : memref<!tpu.dma_semaphore, #tpu.memory_space<semaphore_mem>>
        %dma_start3A_273 = arith.constant 0 : i32
        %dma_start3A_274 = arith.constant 0 : i32
        %dma_start3A_275 = tpu.memref_slice %arg6[%run_scoped3A_210, %dma_start3A_273, %dma_start3A_274] : memref<2x1x128xi32, #tpu.memory_space<vmem>> -> memref<1x1x128xi32, #tpu.memory_space<vmem>>
        %dma_start3A_276 = tpu.memref_squeeze %dma_start3A_275 : memref<1x1x128xi32, #tpu.memory_space<vmem>> -> memref<1x128xi32, #tpu.memory_space<vmem>>
        %dma_start3A_277 = arith.constant 0 : i32
        %dma_start3A_278 = tpu.memref_slice %arg3[%add3A_209, %dma_start3A_277] : memref<2560x128xi32, #tpu.memory_space<hbm>> -> memref<1x128xi32, #tpu.memory_space<hbm>>
        %dma_start3A_279 = arith.constant 0 : i32
        %dma_start3A_280 = arith.constant 0 : i32
        %dma_start3A_281 = tpu.memref_slice %arg6[%run_scoped3A_210, %dma_start3A_279, %dma_start3A_280] : memref<2x1x128xi32, #tpu.memory_space<vmem>> -> memref<1x1x128xi32, #tpu.memory_space<vmem>>
        %dma_start3A_282 = tpu.memref_squeeze %dma_start3A_281 : memref<1x1x128xi32, #tpu.memory_space<vmem>> -> memref<1x128xi32, #tpu.memory_space<vmem>>
        %dma_start3A_283 = arith.constant 0 : i32
        %dma_start3A_284 = tpu.memref_slice %arg3[%add3A_209, %dma_start3A_283] : memref<2560x128xi32, #tpu.memory_space<hbm>> -> memref<1x128xi32, #tpu.memory_space<hbm>>
        tpu.enqueue_dma source(%dma_start3A_284 : memref<1x128xi32, #tpu.memory_space<hbm>>) target(%dma_start3A_282 : memref<1x128xi32, #tpu.memory_space<vmem>>) target_semaphore(%run_scoped3A_272 : memref<!tpu.dma_semaphore, #tpu.memory_space<semaphore_mem>>)
        %dma_wait3A_285 = arith.constant 0 : i32
        %dma_wait3A_286 = arith.constant 0 : i32
        %dma_wait3A_287 = tpu.memref_slice %arg6[%run_scoped3A_210, %dma_wait3A_285, %dma_wait3A_286] : memref<2x1x128xi32, #tpu.memory_space<vmem>> -> memref<1x1x128xi32, #tpu.memory_space<vmem>>
        %dma_wait3A_288 = tpu.memref_squeeze %dma_wait3A_287 : memref<1x1x128xi32, #tpu.memory_space<vmem>> -> memref<1x128xi32, #tpu.memory_space<vmem>>
        %dma_wait3A_289 = arith.constant 0 : i32
        %dma_wait3A_290 = tpu.memref_slice %arg3[%add3A_209, %dma_wait3A_289] : memref<2560x128xi32, #tpu.memory_space<hbm>> -> memref<1x128xi32, #tpu.memory_space<hbm>>
        %dma_wait3A_291 = arith.constant 0 : i32
        %dma_wait3A_292 = arith.constant 0 : i32
        %dma_wait3A_293 = tpu.memref_slice %arg6[%run_scoped3A_210, %dma_wait3A_291, %dma_wait3A_292] : memref<2x1x128xi32, #tpu.memory_space<vmem>> -> memref<1x1x128xi32, #tpu.memory_space<vmem>>
        %dma_wait3A_294 = tpu.memref_squeeze %dma_wait3A_293 : memref<1x1x128xi32, #tpu.memory_space<vmem>> -> memref<1x128xi32, #tpu.memory_space<vmem>>
        %dma_wait3A_295 = arith.constant 0 : i32
        %dma_wait3A_296 = tpu.memref_slice %arg3[%add3A_209, %dma_wait3A_295] : memref<2560x128xi32, #tpu.memory_space<hbm>> -> memref<1x128xi32, #tpu.memory_space<hbm>>
        tpu.wait_dma2 semaphore(%run_scoped3A_272 : memref<!tpu.dma_semaphore, #tpu.memory_space<semaphore_mem>>) src(%dma_wait3A_296 : memref<1x128xi32, #tpu.memory_space<hbm>>) dst(%dma_wait3A_294 : memref<1x128xi32, #tpu.memory_space<vmem>>)
        tpu.yield
      }) : () -> ()
      %run_scoped3A_211 = arith.constant 1 : i32
      "tpu.region"() ({
        %run_scoped3A_272 = tpu.sem_alloc : memref<!tpu.dma_semaphore, #tpu.memory_space<semaphore_mem>>
        %dma_start3A_273 = arith.constant 0 : i32
        %dma_start3A_274 = arith.constant 0 : i32
        %dma_start3A_275 = tpu.memref_slice %arg7[%run_scoped3A_211, %dma_start3A_273, %dma_start3A_274] : memref<2x1x128xi32, #tpu.memory_space<vmem>> -> memref<1x1x128xi32, #tpu.memory_space<vmem>>
        %dma_start3A_276 = tpu.memref_squeeze %dma_start3A_275 : memref<1x1x128xi32, #tpu.memory_space<vmem>> -> memref<1x128xi32, #tpu.memory_space<vmem>>
        %dma_start3A_277 = arith.constant 0 : i32
        %dma_start3A_278 = tpu.memref_slice %arg4[%add3A_209, %dma_start3A_277] : memref<2560x128xi32, #tpu.memory_space<hbm>> -> memref<1x128xi32, #tpu.memory_space<hbm>>
        %dma_start3A_279 = arith.constant 0 : i32
        %dma_start3A_280 = arith.constant 0 : i32
        %dma_start3A_281 = tpu.memref_slice %arg7[%run_scoped3A_211, %dma_start3A_279, %dma_start3A_280] : memref<2x1x128xi32, #tpu.memory_space<vmem>> -> memref<1x1x128xi32, #tpu.memory_space<vmem>>
        %dma_start3A_282 = tpu.memref_squeeze %dma_start3A_281 : memref<1x1x128xi32, #tpu.memory_space<vmem>> -> memref<1x128xi32, #tpu.memory_space<vmem>>
        %dma_start3A_283 = arith.constant 0 : i32
        %dma_start3A_284 = tpu.memref_slice %arg4[%add3A_209, %dma_start3A_283] : memref<2560x128xi32, #tpu.memory_space<hbm>> -> memref<1x128xi32, #tpu.memory_space<hbm>>
        tpu.enqueue_dma source(%dma_start3A_284 : memref<1x128xi32, #tpu.memory_space<hbm>>) target(%dma_start3A_282 : memref<1x128xi32, #tpu.memory_space<vmem>>) target_semaphore(%run_scoped3A_272 : memref<!tpu.dma_semaphore, #tpu.memory_space<semaphore_mem>>)
        %dma_wait3A_285 = arith.constant 0 : i32
        %dma_wait3A_286 = arith.constant 0 : i32
        %dma_wait3A_287 = tpu.memref_slice %arg7[%run_scoped3A_211, %dma_wait3A_285, %dma_wait3A_286] : memref<2x1x128xi32, #tpu.memory_space<vmem>> -> memref<1x1x128xi32, #tpu.memory_space<vmem>>
        %dma_wait3A_288 = tpu.memref_squeeze %dma_wait3A_287 : memref<1x1x128xi32, #tpu.memory_space<vmem>> -> memref<1x128xi32, #tpu.memory_space<vmem>>
        %dma_wait3A_289 = arith.constant 0 : i32
        %dma_wait3A_290 = tpu.memref_slice %arg4[%add3A_209, %dma_wait3A_289] : memref<2560x128xi32, #tpu.memory_space<hbm>> -> memref<1x128xi32, #tpu.memory_space<hbm>>
        %dma_wait3A_291 = arith.constant 0 : i32
        %dma_wait3A_292 = arith.constant 0 : i32
        %dma_wait3A_293 = tpu.memref_slice %arg7[%run_scoped3A_211, %dma_wait3A_291, %dma_wait3A_292] : memref<2x1x128xi32, #tpu.memory_space<vmem>> -> memref<1x1x128xi32, #tpu.memory_space<vmem>>
        %dma_wait3A_294 = tpu.memref_squeeze %dma_wait3A_293 : memref<1x1x128xi32, #tpu.memory_space<vmem>> -> memref<1x128xi32, #tpu.memory_space<vmem>>
        %dma_wait3A_295 = arith.constant 0 : i32
        %dma_wait3A_296 = tpu.memref_slice %arg4[%add3A_209, %dma_wait3A_295] : memref<2560x128xi32, #tpu.memory_space<hbm>> -> memref<1x128xi32, #tpu.memory_space<hbm>>
        tpu.wait_dma2 semaphore(%run_scoped3A_272 : memref<!tpu.dma_semaphore, #tpu.memory_space<semaphore_mem>>) src(%dma_wait3A_296 : memref<1x128xi32, #tpu.memory_space<hbm>>) dst(%dma_wait3A_294 : memref<1x128xi32, #tpu.memory_space<vmem>>)
        tpu.yield
      }) : () -> ()
      %dma_start3A_212 = arith.constant 1 : i32
      %dma_start3A_213 = arith.constant 0 : i32
      %dma_start3A_214 = arith.constant 0 : i32
      %dma_start3A_215 = tpu.memref_slice %arg6[%dma_start3A_212, %dma_start3A_213, %dma_start3A_214] : memref<2x1x128xi32, #tpu.memory_space<vmem>> -> memref<1x1x128xi32, #tpu.memory_space<vmem>>
      %dma_start3A_216 = tpu.memref_squeeze %dma_start3A_215 : memref<1x1x128xi32, #tpu.memory_space<vmem>> -> memref<128xi32, #tpu.memory_space<vmem>>
      %dma_start3A_217 = arith.constant 0 : i32
      %dma_start3A_218 = arith.constant 0 : i32
      %dma_start3A_219 = tpu.memref_slice %arg2[%dma_start3A_217, %dma_start3A_218] : memref<10000x144xf32, #tpu.memory_space<hbm>> -> memref<10000x144xf32, #tpu.memory_space<hbm>>
      tpu.enqueue_indirect_dma source(%dma_start3A_219 : memref<10000x144xf32, #tpu.memory_space<hbm>>) target(%arg9 : memref<128x144xf32, #tpu.memory_space<vmem>>) offsets(%dma_start3A_216 : memref<128xi32, #tpu.memory_space<vmem>>) semaphore(%arg11 : memref<!tpu.dma_semaphore, #tpu.memory_space<semaphore_mem>>)
      %dma_start3A_220 = arith.constant 0 : i32
      %dma_start3A_221 = arith.constant 0 : i32
      %dma_start3A_222 = arith.constant 0 : i32
      %dma_start3A_223 = tpu.memref_slice %arg7[%dma_start3A_220, %dma_start3A_221, %dma_start3A_222] : memref<2x1x128xi32, #tpu.memory_space<vmem>> -> memref<1x1x128xi32, #tpu.memory_space<vmem>>
      %dma_start3A_224 = tpu.memref_squeeze %dma_start3A_223 : memref<1x1x128xi32, #tpu.memory_space<vmem>> -> memref<128xi32, #tpu.memory_space<vmem>>
      %dma_start3A_225 = arith.constant 0 : i32
      %dma_start3A_226 = arith.constant 0 : i32
      %dma_start3A_227 = tpu.memref_slice %arg12[%dma_start3A_225, %dma_start3A_226] : memref<10240x144xf32, #tpu.memory_space<vmem_shared>> -> memref<10240x144xf32, #tpu.memory_space<vmem_shared>>
      tpu.enqueue_indirect_dma source(%arg8 : memref<128x144xf32, #tpu.memory_space<vmem>>) target(%dma_start3A_227 : memref<10240x144xf32, #tpu.memory_space<vmem_shared>>) offsets(%dma_start3A_224 : memref<128xi32, #tpu.memory_space<vmem>>) semaphore(%arg10 : memref<!tpu.dma_semaphore, #tpu.memory_space<semaphore_mem>>) {add = true}
      %mul3A_228 = arith.constant 2 : i32
      %mul3A_229 = arith.muli %mul3A_228, %while3A_185 : i32
      %add3A_230 = arith.constant 1 : i32
      %add3A_231 = arith.addi %mul3A_229, %add3A_230 : i32
      %dma_wait3A_232 = arith.constant 1 : i32
      %dma_wait3A_233 = arith.constant 0 : i32
      %dma_wait3A_234 = arith.constant 0 : i32
      %dma_wait3A_235 = tpu.memref_slice %arg6[%dma_wait3A_232, %dma_wait3A_233, %dma_wait3A_234] : memref<2x1x128xi32, #tpu.memory_space<vmem>> -> memref<1x1x128xi32, #tpu.memory_space<vmem>>
      %dma_wait3A_236 = tpu.memref_squeeze %dma_wait3A_235 : memref<1x1x128xi32, #tpu.memory_space<vmem>> -> memref<128xi32, #tpu.memory_space<vmem>>
      %dma_wait3A_237 = arith.constant 0 : i32
      %dma_wait3A_238 = arith.constant 0 : i32
      %dma_wait3A_239 = tpu.memref_slice %arg2[%dma_wait3A_237, %dma_wait3A_238] : memref<10000x144xf32, #tpu.memory_space<hbm>> -> memref<10000x144xf32, #tpu.memory_space<hbm>>
      tpu.wait_indirect_dma semaphore(%arg11 : memref<!tpu.dma_semaphore, #tpu.memory_space<semaphore_mem>>) src(%dma_wait3A_239 : memref<10000x144xf32, #tpu.memory_space<hbm>>) dst(%arg9 : memref<128x144xf32, #tpu.memory_space<vmem>>)
      %dma_wait3A_240 = arith.constant 0 : i32
      %dma_wait3A_241 = arith.constant 0 : i32
      %dma_wait3A_242 = arith.constant 0 : i32
      %dma_wait3A_243 = tpu.memref_slice %arg7[%dma_wait3A_240, %dma_wait3A_241, %dma_wait3A_242] : memref<2x1x128xi32, #tpu.memory_space<vmem>> -> memref<1x1x128xi32, #tpu.memory_space<vmem>>
      %dma_wait3A_244 = tpu.memref_squeeze %dma_wait3A_243 : memref<1x1x128xi32, #tpu.memory_space<vmem>> -> memref<128xi32, #tpu.memory_space<vmem>>
      %dma_wait3A_245 = arith.constant 0 : i32
      %dma_wait3A_246 = arith.constant 0 : i32
      %dma_wait3A_247 = tpu.memref_slice %arg12[%dma_wait3A_245, %dma_wait3A_246] : memref<10240x144xf32, #tpu.memory_space<vmem_shared>> -> memref<10240x144xf32, #tpu.memory_space<vmem_shared>>
      tpu.wait_indirect_dma semaphore(%arg10 : memref<!tpu.dma_semaphore, #tpu.memory_space<semaphore_mem>>) src(%arg8 : memref<128x144xf32, #tpu.memory_space<vmem>>) dst(%dma_wait3A_247 : memref<10240x144xf32, #tpu.memory_space<vmem_shared>>)
      %add3A_248 = arith.constant 1 : i32
      %add3A_249 = arith.addi %add3A_231, %add3A_248 : i32
      %rem3A_250 = arith.remsi %add3A_249, %select_n3A : i32
      %mul3A_251 = arith.constant 1 : i32
      %mul3A_252 = arith.muli %rem3A_250, %mul3A_251 : i32
      %add3A_253 = arith.addi %select_n3A_8, %mul3A_252 : i32
      %run_scoped3A_254 = arith.constant 0 : i32
      "tpu.region"() ({
        %run_scoped3A_272 = tpu.sem_alloc : memref<!tpu.dma_semaphore, #tpu.memory_space<semaphore_mem>>
        %dma_start3A_273 = arith.constant 0 : i32
        %dma_start3A_274 = arith.constant 0 : i32
        %dma_start3A_275 = tpu.memref_slice %arg6[%run_scoped3A_254, %dma_start3A_273, %dma_start3A_274] : memref<2x1x128xi32, #tpu.memory_space<vmem>> -> memref<1x1x128xi32, #tpu.memory_space<vmem>>
        %dma_start3A_276 = tpu.memref_squeeze %dma_start3A_275 : memref<1x1x128xi32, #tpu.memory_space<vmem>> -> memref<1x128xi32, #tpu.memory_space<vmem>>
        %dma_start3A_277 = arith.constant 0 : i32
        %dma_start3A_278 = tpu.memref_slice %arg3[%add3A_253, %dma_start3A_277] : memref<2560x128xi32, #tpu.memory_space<hbm>> -> memref<1x128xi32, #tpu.memory_space<hbm>>
        %dma_start3A_279 = arith.constant 0 : i32
        %dma_start3A_280 = arith.constant 0 : i32
        %dma_start3A_281 = tpu.memref_slice %arg6[%run_scoped3A_254, %dma_start3A_279, %dma_start3A_280] : memref<2x1x128xi32, #tpu.memory_space<vmem>> -> memref<1x1x128xi32, #tpu.memory_space<vmem>>
        %dma_start3A_282 = tpu.memref_squeeze %dma_start3A_281 : memref<1x1x128xi32, #tpu.memory_space<vmem>> -> memref<1x128xi32, #tpu.memory_space<vmem>>
        %dma_start3A_283 = arith.constant 0 : i32
        %dma_start3A_284 = tpu.memref_slice %arg3[%add3A_253, %dma_start3A_283] : memref<2560x128xi32, #tpu.memory_space<hbm>> -> memref<1x128xi32, #tpu.memory_space<hbm>>
        tpu.enqueue_dma source(%dma_start3A_284 : memref<1x128xi32, #tpu.memory_space<hbm>>) target(%dma_start3A_282 : memref<1x128xi32, #tpu.memory_space<vmem>>) target_semaphore(%run_scoped3A_272 : memref<!tpu.dma_semaphore, #tpu.memory_space<semaphore_mem>>)
        %dma_wait3A_285 = arith.constant 0 : i32
        %dma_wait3A_286 = arith.constant 0 : i32
        %dma_wait3A_287 = tpu.memref_slice %arg6[%run_scoped3A_254, %dma_wait3A_285, %dma_wait3A_286] : memref<2x1x128xi32, #tpu.memory_space<vmem>> -> memref<1x1x128xi32, #tpu.memory_space<vmem>>
        %dma_wait3A_288 = tpu.memref_squeeze %dma_wait3A_287 : memref<1x1x128xi32, #tpu.memory_space<vmem>> -> memref<1x128xi32, #tpu.memory_space<vmem>>
        %dma_wait3A_289 = arith.constant 0 : i32
        %dma_wait3A_290 = tpu.memref_slice %arg3[%add3A_253, %dma_wait3A_289] : memref<2560x128xi32, #tpu.memory_space<hbm>> -> memref<1x128xi32, #tpu.memory_space<hbm>>
        %dma_wait3A_291 = arith.constant 0 : i32
        %dma_wait3A_292 = arith.constant 0 : i32
        %dma_wait3A_293 = tpu.memref_slice %arg6[%run_scoped3A_254, %dma_wait3A_291, %dma_wait3A_292] : memref<2x1x128xi32, #tpu.memory_space<vmem>> -> memref<1x1x128xi32, #tpu.memory_space<vmem>>
        %dma_wait3A_294 = tpu.memref_squeeze %dma_wait3A_293 : memref<1x1x128xi32, #tpu.memory_space<vmem>> -> memref<1x128xi32, #tpu.memory_space<vmem>>
        %dma_wait3A_295 = arith.constant 0 : i32
        %dma_wait3A_296 = tpu.memref_slice %arg3[%add3A_253, %dma_wait3A_295] : memref<2560x128xi32, #tpu.memory_space<hbm>> -> memref<1x128xi32, #tpu.memory_space<hbm>>
        tpu.wait_dma2 semaphore(%run_scoped3A_272 : memref<!tpu.dma_semaphore, #tpu.memory_space<semaphore_mem>>) src(%dma_wait3A_296 : memref<1x128xi32, #tpu.memory_space<hbm>>) dst(%dma_wait3A_294 : memref<1x128xi32, #tpu.memory_space<vmem>>)
        tpu.yield
      }) : () -> ()
      %run_scoped3A_255 = arith.constant 0 : i32
      "tpu.region"() ({
        %run_scoped3A_272 = tpu.sem_alloc : memref<!tpu.dma_semaphore, #tpu.memory_space<semaphore_mem>>
        %dma_start3A_273 = arith.constant 0 : i32
        %dma_start3A_274 = arith.constant 0 : i32
        %dma_start3A_275 = tpu.memref_slice %arg7[%run_scoped3A_255, %dma_start3A_273, %dma_start3A_274] : memref<2x1x128xi32, #tpu.memory_space<vmem>> -> memref<1x1x128xi32, #tpu.memory_space<vmem>>
        %dma_start3A_276 = tpu.memref_squeeze %dma_start3A_275 : memref<1x1x128xi32, #tpu.memory_space<vmem>> -> memref<1x128xi32, #tpu.memory_space<vmem>>
        %dma_start3A_277 = arith.constant 0 : i32
        %dma_start3A_278 = tpu.memref_slice %arg4[%add3A_253, %dma_start3A_277] : memref<2560x128xi32, #tpu.memory_space<hbm>> -> memref<1x128xi32, #tpu.memory_space<hbm>>
        %dma_start3A_279 = arith.constant 0 : i32
        %dma_start3A_280 = arith.constant 0 : i32
        %dma_start3A_281 = tpu.memref_slice %arg7[%run_scoped3A_255, %dma_start3A_279, %dma_start3A_280] : memref<2x1x128xi32, #tpu.memory_space<vmem>> -> memref<1x1x128xi32, #tpu.memory_space<vmem>>
        %dma_start3A_282 = tpu.memref_squeeze %dma_start3A_281 : memref<1x1x128xi32, #tpu.memory_space<vmem>> -> memref<1x128xi32, #tpu.memory_space<vmem>>
        %dma_start3A_283 = arith.constant 0 : i32
        %dma_start3A_284 = tpu.memref_slice %arg4[%add3A_253, %dma_start3A_283] : memref<2560x128xi32, #tpu.memory_space<hbm>> -> memref<1x128xi32, #tpu.memory_space<hbm>>
        tpu.enqueue_dma source(%dma_start3A_284 : memref<1x128xi32, #tpu.memory_space<hbm>>) target(%dma_start3A_282 : memref<1x128xi32, #tpu.memory_space<vmem>>) target_semaphore(%run_scoped3A_272 : memref<!tpu.dma_semaphore, #tpu.memory_space<semaphore_mem>>)
        %dma_wait3A_285 = arith.constant 0 : i32
        %dma_wait3A_286 = arith.constant 0 : i32
        %dma_wait3A_287 = tpu.memref_slice %arg7[%run_scoped3A_255, %dma_wait3A_285, %dma_wait3A_286] : memref<2x1x128xi32, #tpu.memory_space<vmem>> -> memref<1x1x128xi32, #tpu.memory_space<vmem>>
        %dma_wait3A_288 = tpu.memref_squeeze %dma_wait3A_287 : memref<1x1x128xi32, #tpu.memory_space<vmem>> -> memref<1x128xi32, #tpu.memory_space<vmem>>
        %dma_wait3A_289 = arith.constant 0 : i32
        %dma_wait3A_290 = tpu.memref_slice %arg4[%add3A_253, %dma_wait3A_289] : memref<2560x128xi32, #tpu.memory_space<hbm>> -> memref<1x128xi32, #tpu.memory_space<hbm>>
        %dma_wait3A_291 = arith.constant 0 : i32
        %dma_wait3A_292 = arith.constant 0 : i32
        %dma_wait3A_293 = tpu.memref_slice %arg7[%run_scoped3A_255, %dma_wait3A_291, %dma_wait3A_292] : memref<2x1x128xi32, #tpu.memory_space<vmem>> -> memref<1x1x128xi32, #tpu.memory_space<vmem>>
        %dma_wait3A_294 = tpu.memref_squeeze %dma_wait3A_293 : memref<1x1x128xi32, #tpu.memory_space<vmem>> -> memref<1x128xi32, #tpu.memory_space<vmem>>
        %dma_wait3A_295 = arith.constant 0 : i32
        %dma_wait3A_296 = tpu.memref_slice %arg4[%add3A_253, %dma_wait3A_295] : memref<2560x128xi32, #tpu.memory_space<hbm>> -> memref<1x128xi32, #tpu.memory_space<hbm>>
        tpu.wait_dma2 semaphore(%run_scoped3A_272 : memref<!tpu.dma_semaphore, #tpu.memory_space<semaphore_mem>>) src(%dma_wait3A_296 : memref<1x128xi32, #tpu.memory_space<hbm>>) dst(%dma_wait3A_294 : memref<1x128xi32, #tpu.memory_space<vmem>>)
        tpu.yield
      }) : () -> ()
      %dma_start3A_256 = arith.constant 0 : i32
      %dma_start3A_257 = arith.constant 0 : i32
      %dma_start3A_258 = arith.constant 0 : i32
      %dma_start3A_259 = tpu.memref_slice %arg6[%dma_start3A_256, %dma_start3A_257, %dma_start3A_258] : memref<2x1x128xi32, #tpu.memory_space<vmem>> -> memref<1x1x128xi32, #tpu.memory_space<vmem>>
      %dma_start3A_260 = tpu.memref_squeeze %dma_start3A_259 : memref<1x1x128xi32, #tpu.memory_space<vmem>> -> memref<128xi32, #tpu.memory_space<vmem>>
      %dma_start3A_261 = arith.constant 0 : i32
      %dma_start3A_262 = arith.constant 0 : i32
      %dma_start3A_263 = tpu.memref_slice %arg2[%dma_start3A_261, %dma_start3A_262] : memref<10000x144xf32, #tpu.memory_space<hbm>> -> memref<10000x144xf32, #tpu.memory_space<hbm>>
      tpu.enqueue_indirect_dma source(%dma_start3A_263 : memref<10000x144xf32, #tpu.memory_space<hbm>>) target(%arg8 : memref<128x144xf32, #tpu.memory_space<vmem>>) offsets(%dma_start3A_260 : memref<128xi32, #tpu.memory_space<vmem>>) semaphore(%arg10 : memref<!tpu.dma_semaphore, #tpu.memory_space<semaphore_mem>>)
      %dma_start3A_264 = arith.constant 1 : i32
      %dma_start3A_265 = arith.constant 0 : i32
      %dma_start3A_266 = arith.constant 0 : i32
      %dma_start3A_267 = tpu.memref_slice %arg7[%dma_start3A_264, %dma_start3A_265, %dma_start3A_266] : memref<2x1x128xi32, #tpu.memory_space<vmem>> -> memref<1x1x128xi32, #tpu.memory_space<vmem>>
      %dma_start3A_268 = tpu.memref_squeeze %dma_start3A_267 : memref<1x1x128xi32, #tpu.memory_space<vmem>> -> memref<128xi32, #tpu.memory_space<vmem>>
      %dma_start3A_269 = arith.constant 0 : i32
      %dma_start3A_270 = arith.constant 0 : i32
      %dma_start3A_271 = tpu.memref_slice %arg12[%dma_start3A_269, %dma_start3A_270] : memref<10240x144xf32, #tpu.memory_space<vmem_shared>> -> memref<10240x144xf32, #tpu.memory_space<vmem_shared>>
      tpu.enqueue_indirect_dma source(%arg9 : memref<128x144xf32, #tpu.memory_space<vmem>>) target(%dma_start3A_271 : memref<10240x144xf32, #tpu.memory_space<vmem_shared>>) offsets(%dma_start3A_268 : memref<128xi32, #tpu.memory_space<vmem>>) semaphore(%arg11 : memref<!tpu.dma_semaphore, #tpu.memory_space<semaphore_mem>>) {add = true}
    }
    %dma_wait3A = arith.constant 0 : i32
    %dma_wait3A_165 = arith.constant 0 : i32
    %dma_wait3A_166 = arith.constant 0 : i32
    %dma_wait3A_167 = tpu.memref_slice %arg6[%dma_wait3A, %dma_wait3A_165, %dma_wait3A_166] : memref<2x1x128xi32, #tpu.memory_space<vmem>> -> memref<1x1x128xi32, #tpu.memory_space<vmem>>
    %dma_wait3A_168 = tpu.memref_squeeze %dma_wait3A_167 : memref<1x1x128xi32, #tpu.memory_space<vmem>> -> memref<128xi32, #tpu.memory_space<vmem>>
    %dma_wait3A_169 = arith.constant 0 : i32
    %dma_wait3A_170 = arith.constant 0 : i32
    %dma_wait3A_171 = tpu.memref_slice %arg2[%dma_wait3A_169, %dma_wait3A_170] : memref<10000x144xf32, #tpu.memory_space<hbm>> -> memref<10000x144xf32, #tpu.memory_space<hbm>>
    tpu.wait_indirect_dma semaphore(%arg10 : memref<!tpu.dma_semaphore, #tpu.memory_space<semaphore_mem>>) src(%dma_wait3A_171 : memref<10000x144xf32, #tpu.memory_space<hbm>>) dst(%arg8 : memref<128x144xf32, #tpu.memory_space<vmem>>)
    %dma_wait3A_172 = arith.constant 1 : i32
    %dma_wait3A_173 = arith.constant 0 : i32
    %dma_wait3A_174 = arith.constant 0 : i32
    %dma_wait3A_175 = tpu.memref_slice %arg7[%dma_wait3A_172, %dma_wait3A_173, %dma_wait3A_174] : memref<2x1x128xi32, #tpu.memory_space<vmem>> -> memref<1x1x128xi32, #tpu.memory_space<vmem>>
    %dma_wait3A_176 = tpu.memref_squeeze %dma_wait3A_175 : memref<1x1x128xi32, #tpu.memory_space<vmem>> -> memref<128xi32, #tpu.memory_space<vmem>>
    %dma_wait3A_177 = arith.constant 0 : i32
    %dma_wait3A_178 = arith.constant 0 : i32
    %dma_wait3A_179 = tpu.memref_slice %arg12[%dma_wait3A_177, %dma_wait3A_178] : memref<10240x144xf32, #tpu.memory_space<vmem_shared>> -> memref<10240x144xf32, #tpu.memory_space<vmem_shared>>
    tpu.wait_indirect_dma semaphore(%arg11 : memref<!tpu.dma_semaphore, #tpu.memory_space<semaphore_mem>>) src(%arg9 : memref<128x144xf32, #tpu.memory_space<vmem>>) dst(%dma_wait3A_179 : memref<10240x144xf32, #tpu.memory_space<vmem_shared>>)
    %barrier3A_180 = arith.constant 0 : index
    tpu.barrier barrier_id(%barrier3A_180)
    %mul3A_181 = arith.constant 640 : i32
    %mul3A_182 = arith.muli %arg1, %mul3A_181 : i32
    %mul3A_183 = arith.constant 640 : i32
    %mul3A_184 = arith.muli %arg1, %mul3A_183 : i32
    "tpu.region"() ({
      %run_scoped3A_185 = tpu.sem_alloc : memref<!tpu.dma_semaphore, #tpu.memory_space<semaphore_mem>>
      %dma_start3A_186 = arith.constant 0 : i32
      %dma_start3A_187 = tpu.memref_slice %arg5[%arg0, %mul3A_184, %dma_start3A_186] : memref<2x10240x144xf32, #tpu.memory_space<hbm>> -> memref<1x640x144xf32, #tpu.memory_space<hbm>>
      %dma_start3A_188 = tpu.memref_squeeze %dma_start3A_187 : memref<1x640x144xf32, #tpu.memory_space<hbm>> -> memref<640x144xf32, #tpu.memory_space<hbm>>
      %dma_start3A_189 = arith.constant 0 : i32
      %dma_start3A_190 = tpu.memref_slice %arg12[%mul3A_182, %dma_start3A_189] : memref<10240x144xf32, #tpu.memory_space<vmem_shared>> -> memref<640x144xf32, #tpu.memory_space<vmem_shared>>
      tpu.enqueue_dma source(%dma_start3A_190 : memref<640x144xf32, #tpu.memory_space<vmem_shared>>) target(%dma_start3A_188 : memref<640x144xf32, #tpu.memory_space<hbm>>) target_semaphore(%run_scoped3A_185 : memref<!tpu.dma_semaphore, #tpu.memory_space<semaphore_mem>>)
      %dma_wait3A_191 = arith.constant 0 : i32
      %dma_wait3A_192 = tpu.memref_slice %arg5[%arg0, %mul3A_184, %dma_wait3A_191] : memref<2x10240x144xf32, #tpu.memory_space<hbm>> -> memref<1x640x144xf32, #tpu.memory_space<hbm>>
      %dma_wait3A_193 = tpu.memref_squeeze %dma_wait3A_192 : memref<1x640x144xf32, #tpu.memory_space<hbm>> -> memref<640x144xf32, #tpu.memory_space<hbm>>
      %dma_wait3A_194 = arith.constant 0 : i32
      %dma_wait3A_195 = tpu.memref_slice %arg12[%mul3A_182, %dma_wait3A_194] : memref<10240x144xf32, #tpu.memory_space<vmem_shared>> -> memref<640x144xf32, #tpu.memory_space<vmem_shared>>
      tpu.wait_dma2 semaphore(%run_scoped3A_185 : memref<!tpu.dma_semaphore, #tpu.memory_space<semaphore_mem>>) src(%dma_wait3A_195 : memref<640x144xf32, #tpu.memory_space<vmem_shared>>) dst(%dma_wait3A_193 : memref<640x144xf32, #tpu.memory_space<hbm>>)
      tpu.yield
    }) : () -> ()
    return
  }
}

#map = affine_map<(d0, d1) -> (0, 0)>
#map1 = affine_map<(d0, d1) -> (0, 0, 0)>
module attributes {stable_mosaic.version = 14 : i64} {
  func.func @_agg_body(%arg0: i32, %arg1: i32, %arg2: memref<10000x144xf32, #tpu.memory_space<hbm>>, %arg3: memref<2560x128xi32, #tpu.memory_space<hbm>>, %arg4: memref<2560x128xi32, #tpu.memory_space<hbm>>, %arg5: memref<2x10240x144xf32, #tpu.memory_space<hbm>>, %arg6: memref<2x1x128xi32, #tpu.memory_space<vmem>>, %arg7: memref<2x1x128xi32, #tpu.memory_space<vmem>>, %arg8: memref<128x144xf32, #tpu.memory_space<vmem>>, %arg9: memref<128x144xf32, #tpu.memory_space<vmem>>, %arg10: memref<!tpu.dma_semaphore, #tpu.memory_space<semaphore_mem>>, %arg11: memref<!tpu.dma_semaphore, #tpu.memory_space<semaphore_mem>>, %arg12: memref<10240x144xf32, #tpu.memory_space<vmem_shared>>) attributes {dimension_semantics = [#tpu.dimension_semantics<core_parallel>, #tpu.dimension_semantics<subcore_parallel>], iteration_bounds = array<i64: 2, 16>, scalar_prefetch = 0 : i64, scratch_operands = 7 : i64, tpu.core_type = #tpu.core_type<sc_vector_subcore>, window_params = [{transform_indices = #map}, {transform_indices = #map}, {transform_indices = #map}, {transform_indices = #map1}]} {
    %eq3A = arith.constant 0 : i32
    %eq3A_0 = arith.cmpi eq, %arg0, %eq3A : i32
    %jit3A = arith.constant 136 : i32
    %jit3A_1 = arith.constant 24 : i32
    %select_n3A = arith.select %eq3A_0, %jit3A, %jit3A_1 : i32
    %eq3A_2 = arith.constant 0 : i32
    %eq3A_3 = arith.cmpi eq, %arg0, %eq3A_2 : i32
    %mul3A = arith.constant 136 : i32
    %mul3A_4 = arith.muli %arg1, %mul3A : i32
    %mul3A_5 = arith.constant 24 : i32
    %mul3A_6 = arith.muli %arg1, %mul3A_5 : i32
    %add3A = arith.constant 2176 : i32
    %add3A_7 = arith.addi %add3A, %mul3A_6 : i32
    %select_n3A_8 = arith.select %eq3A_3, %mul3A_4, %add3A_7 : i32
    %scan3A = arith.constant 0 : i32
    %scan3A_9 = arith.constant 0 : i32
    %scan3A_10 = arith.constant 128 : i32
    %scan3A_11 = arith.addi %scan3A_9, %scan3A_10 : i32
    %scan3A_12 = arith.constant 1 : i32
    scf.for %scan3A_185 = %scan3A_9 to %scan3A_11 step %scan3A_12  : i32 {
      %broadcast_in_dim3A_186 = arith.constant 0.000000e+00 : f32
      %broadcast_in_dim3A_187 = vector.broadcast %broadcast_in_dim3A_186 : f32 to vector<16xf32>
      %swap3A_188 = arith.index_cast %scan3A_185 : i32 to index
      %swap3A_189 = arith.constant 0 : index
      %swap3A_190 = tpu.vector_load %arg8[%swap3A_188, %swap3A_189] {strides = array<i32>} : memref<128x144xf32, #tpu.memory_space<vmem>>, vector<1x16xf32>,
      %swap3A_191 = vector.shape_cast %swap3A_190 : vector<1x16xf32> to vector<16xf32>
      %swap3A_192 = vector.shape_cast %broadcast_in_dim3A_187 : vector<16xf32> to vector<1x16xf32>
      tpu.vector_store %arg8[%swap3A_188, %swap3A_189], %swap3A_192 {strides = array<i32>} : memref<128x144xf32, #tpu.memory_space<vmem>>, vector<1x16xf32>,
      %broadcast_in_dim3A_193 = arith.constant 0.000000e+00 : f32
      %broadcast_in_dim3A_194 = vector.broadcast %broadcast_in_dim3A_193 : f32 to vector<16xf32>
      %swap3A_195 = arith.index_cast %scan3A_185 : i32 to index
      %swap3A_196 = arith.constant 16 : index
      %swap3A_197 = tpu.vector_load %arg8[%swap3A_195, %swap3A_196] {strides = array<i32>} : memref<128x144xf32, #tpu.memory_space<vmem>>, vector<1x16xf32>,
      %swap3A_198 = vector.shape_cast %swap3A_197 : vector<1x16xf32> to vector<16xf32>
      %swap3A_199 = vector.shape_cast %broadcast_in_dim3A_194 : vector<16xf32> to vector<1x16xf32>
      tpu.vector_store %arg8[%swap3A_195, %swap3A_196], %swap3A_199 {strides = array<i32>} : memref<128x144xf32, #tpu.memory_space<vmem>>, vector<1x16xf32>,
      %broadcast_in_dim3A_200 = arith.constant 0.000000e+00 : f32
      %broadcast_in_dim3A_201 = vector.broadcast %broadcast_in_dim3A_200 : f32 to vector<16xf32>
      %swap3A_202 = arith.index_cast %scan3A_185 : i32 to index
      %swap3A_203 = arith.constant 32 : index
      %swap3A_204 = tpu.vector_load %arg8[%swap3A_202, %swap3A_203] {strides = array<i32>} : memref<128x144xf32, #tpu.memory_space<vmem>>, vector<1x16xf32>,
      %swap3A_205 = vector.shape_cast %swap3A_204 : vector<1x16xf32> to vector<16xf32>
      %swap3A_206 = vector.shape_cast %broadcast_in_dim3A_201 : vector<16xf32> to vector<1x16xf32>
      tpu.vector_store %arg8[%swap3A_202, %swap3A_203], %swap3A_206 {strides = array<i32>} : memref<128x144xf32, #tpu.memory_space<vmem>>, vector<1x16xf32>,
      %broadcast_in_dim3A_207 = arith.constant 0.000000e+00 : f32
      %broadcast_in_dim3A_208 = vector.broadcast %broadcast_in_dim3A_207 : f32 to vector<16xf32>
      %swap3A_209 = arith.index_cast %scan3A_185 : i32 to index
      %swap3A_210 = arith.constant 48 : index
      %swap3A_211 = tpu.vector_load %arg8[%swap3A_209, %swap3A_210] {strides = array<i32>} : memref<128x144xf32, #tpu.memory_space<vmem>>, vector<1x16xf32>,
      %swap3A_212 = vector.shape_cast %swap3A_211 : vector<1x16xf32> to vector<16xf32>
      %swap3A_213 = vector.shape_cast %broadcast_in_dim3A_208 : vector<16xf32> to vector<1x16xf32>
      tpu.vector_store %arg8[%swap3A_209, %swap3A_210], %swap3A_213 {strides = array<i32>} : memref<128x144xf32, #tpu.memory_space<vmem>>, vector<1x16xf32>,
      %broadcast_in_dim3A_214 = arith.constant 0.000000e+00 : f32
      %broadcast_in_dim3A_215 = vector.broadcast %broadcast_in_dim3A_214 : f32 to vector<16xf32>
      %swap3A_216 = arith.index_cast %scan3A_185 : i32 to index
      %swap3A_217 = arith.constant 64 : index
      %swap3A_218 = tpu.vector_load %arg8[%swap3A_216, %swap3A_217] {strides = array<i32>} : memref<128x144xf32, #tpu.memory_space<vmem>>, vector<1x16xf32>,
      %swap3A_219 = vector.shape_cast %swap3A_218 : vector<1x16xf32> to vector<16xf32>
      %swap3A_220 = vector.shape_cast %broadcast_in_dim3A_215 : vector<16xf32> to vector<1x16xf32>
      tpu.vector_store %arg8[%swap3A_216, %swap3A_217], %swap3A_220 {strides = array<i32>} : memref<128x144xf32, #tpu.memory_space<vmem>>, vector<1x16xf32>,
      %broadcast_in_dim3A_221 = arith.constant 0.000000e+00 : f32
      %broadcast_in_dim3A_222 = vector.broadcast %broadcast_in_dim3A_221 : f32 to vector<16xf32>
      %swap3A_223 = arith.index_cast %scan3A_185 : i32 to index
      %swap3A_224 = arith.constant 80 : index
      %swap3A_225 = tpu.vector_load %arg8[%swap3A_223, %swap3A_224] {strides = array<i32>} : memref<128x144xf32, #tpu.memory_space<vmem>>, vector<1x16xf32>,
      %swap3A_226 = vector.shape_cast %swap3A_225 : vector<1x16xf32> to vector<16xf32>
      %swap3A_227 = vector.shape_cast %broadcast_in_dim3A_222 : vector<16xf32> to vector<1x16xf32>
      tpu.vector_store %arg8[%swap3A_223, %swap3A_224], %swap3A_227 {strides = array<i32>} : memref<128x144xf32, #tpu.memory_space<vmem>>, vector<1x16xf32>,
      %broadcast_in_dim3A_228 = arith.constant 0.000000e+00 : f32
      %broadcast_in_dim3A_229 = vector.broadcast %broadcast_in_dim3A_228 : f32 to vector<16xf32>
      %swap3A_230 = arith.index_cast %scan3A_185 : i32 to index
      %swap3A_231 = arith.constant 96 : index
      %swap3A_232 = tpu.vector_load %arg8[%swap3A_230, %swap3A_231] {strides = array<i32>} : memref<128x144xf32, #tpu.memory_space<vmem>>, vector<1x16xf32>,
      %swap3A_233 = vector.shape_cast %swap3A_232 : vector<1x16xf32> to vector<16xf32>
      %swap3A_234 = vector.shape_cast %broadcast_in_dim3A_229 : vector<16xf32> to vector<1x16xf32>
      tpu.vector_store %arg8[%swap3A_230, %swap3A_231], %swap3A_234 {strides = array<i32>} : memref<128x144xf32, #tpu.memory_space<vmem>>, vector<1x16xf32>,
      %broadcast_in_dim3A_235 = arith.constant 0.000000e+00 : f32
      %broadcast_in_dim3A_236 = vector.broadcast %broadcast_in_dim3A_235 : f32 to vector<16xf32>
      %swap3A_237 = arith.index_cast %scan3A_185 : i32 to index
      %swap3A_238 = arith.constant 112 : index
      %swap3A_239 = tpu.vector_load %arg8[%swap3A_237, %swap3A_238] {strides = array<i32>} : memref<128x144xf32, #tpu.memory_space<vmem>>, vector<1x16xf32>,
      %swap3A_240 = vector.shape_cast %swap3A_239 : vector<1x16xf32> to vector<16xf32>
      %swap3A_241 = vector.shape_cast %broadcast_in_dim3A_236 : vector<16xf32> to vector<1x16xf32>
      tpu.vector_store %arg8[%swap3A_237, %swap3A_238], %swap3A_241 {strides = array<i32>} : memref<128x144xf32, #tpu.memory_space<vmem>>, vector<1x16xf32>,
      %broadcast_in_dim3A_242 = arith.constant 0.000000e+00 : f32
      %broadcast_in_dim3A_243 = vector.broadcast %broadcast_in_dim3A_242 : f32 to vector<16xf32>
      %swap3A_244 = arith.index_cast %scan3A_185 : i32 to index
      %swap3A_245 = arith.constant 128 : index
      %swap3A_246 = tpu.vector_load %arg8[%swap3A_244, %swap3A_245] {strides = array<i32>} : memref<128x144xf32, #tpu.memory_space<vmem>>, vector<1x16xf32>,
      %swap3A_247 = vector.shape_cast %swap3A_246 : vector<1x16xf32> to vector<16xf32>
      %swap3A_248 = vector.shape_cast %broadcast_in_dim3A_243 : vector<16xf32> to vector<1x16xf32>
      tpu.vector_store %arg8[%swap3A_244, %swap3A_245], %swap3A_248 {strides = array<i32>} : memref<128x144xf32, #tpu.memory_space<vmem>>, vector<1x16xf32>,
      %broadcast_in_dim3A_249 = arith.constant 0.000000e+00 : f32
      %broadcast_in_dim3A_250 = vector.broadcast %broadcast_in_dim3A_249 : f32 to vector<16xf32>
      %swap3A_251 = arith.index_cast %scan3A_185 : i32 to index
      %swap3A_252 = arith.constant 0 : index
      %swap3A_253 = tpu.vector_load %arg9[%swap3A_251, %swap3A_252] {strides = array<i32>} : memref<128x144xf32, #tpu.memory_space<vmem>>, vector<1x16xf32>,
      %swap3A_254 = vector.shape_cast %swap3A_253 : vector<1x16xf32> to vector<16xf32>
      %swap3A_255 = vector.shape_cast %broadcast_in_dim3A_250 : vector<16xf32> to vector<1x16xf32>
      tpu.vector_store %arg9[%swap3A_251, %swap3A_252], %swap3A_255 {strides = array<i32>} : memref<128x144xf32, #tpu.memory_space<vmem>>, vector<1x16xf32>,
      %broadcast_in_dim3A_256 = arith.constant 0.000000e+00 : f32
      %broadcast_in_dim3A_257 = vector.broadcast %broadcast_in_dim3A_256 : f32 to vector<16xf32>
      %swap3A_258 = arith.index_cast %scan3A_185 : i32 to index
      %swap3A_259 = arith.constant 16 : index
      %swap3A_260 = tpu.vector_load %arg9[%swap3A_258, %swap3A_259] {strides = array<i32>} : memref<128x144xf32, #tpu.memory_space<vmem>>, vector<1x16xf32>,
      %swap3A_261 = vector.shape_cast %swap3A_260 : vector<1x16xf32> to vector<16xf32>
      %swap3A_262 = vector.shape_cast %broadcast_in_dim3A_257 : vector<16xf32> to vector<1x16xf32>
      tpu.vector_store %arg9[%swap3A_258, %swap3A_259], %swap3A_262 {strides = array<i32>} : memref<128x144xf32, #tpu.memory_space<vmem>>, vector<1x16xf32>,
      %broadcast_in_dim3A_263 = arith.constant 0.000000e+00 : f32
      %broadcast_in_dim3A_264 = vector.broadcast %broadcast_in_dim3A_263 : f32 to vector<16xf32>
      %swap3A_265 = arith.index_cast %scan3A_185 : i32 to index
      %swap3A_266 = arith.constant 32 : index
      %swap3A_267 = tpu.vector_load %arg9[%swap3A_265, %swap3A_266] {strides = array<i32>} : memref<128x144xf32, #tpu.memory_space<vmem>>, vector<1x16xf32>,
      %swap3A_268 = vector.shape_cast %swap3A_267 : vector<1x16xf32> to vector<16xf32>
      %swap3A_269 = vector.shape_cast %broadcast_in_dim3A_264 : vector<16xf32> to vector<1x16xf32>
      tpu.vector_store %arg9[%swap3A_265, %swap3A_266], %swap3A_269 {strides = array<i32>} : memref<128x144xf32, #tpu.memory_space<vmem>>, vector<1x16xf32>,
      %broadcast_in_dim3A_270 = arith.constant 0.000000e+00 : f32
      %broadcast_in_dim3A_271 = vector.broadcast %broadcast_in_dim3A_270 : f32 to vector<16xf32>
      %swap3A_272 = arith.index_cast %scan3A_185 : i32 to index
      %swap3A_273 = arith.constant 48 : index
      %swap3A_274 = tpu.vector_load %arg9[%swap3A_272, %swap3A_273] {strides = array<i32>} : memref<128x144xf32, #tpu.memory_space<vmem>>, vector<1x16xf32>,
      %swap3A_275 = vector.shape_cast %swap3A_274 : vector<1x16xf32> to vector<16xf32>
      %swap3A_276 = vector.shape_cast %broadcast_in_dim3A_271 : vector<16xf32> to vector<1x16xf32>
      tpu.vector_store %arg9[%swap3A_272, %swap3A_273], %swap3A_276 {strides = array<i32>} : memref<128x144xf32, #tpu.memory_space<vmem>>, vector<1x16xf32>,
      %broadcast_in_dim3A_277 = arith.constant 0.000000e+00 : f32
      %broadcast_in_dim3A_278 = vector.broadcast %broadcast_in_dim3A_277 : f32 to vector<16xf32>
      %swap3A_279 = arith.index_cast %scan3A_185 : i32 to index
      %swap3A_280 = arith.constant 64 : index
      %swap3A_281 = tpu.vector_load %arg9[%swap3A_279, %swap3A_280] {strides = array<i32>} : memref<128x144xf32, #tpu.memory_space<vmem>>, vector<1x16xf32>,
      %swap3A_282 = vector.shape_cast %swap3A_281 : vector<1x16xf32> to vector<16xf32>
      %swap3A_283 = vector.shape_cast %broadcast_in_dim3A_278 : vector<16xf32> to vector<1x16xf32>
      tpu.vector_store %arg9[%swap3A_279, %swap3A_280], %swap3A_283 {strides = array<i32>} : memref<128x144xf32, #tpu.memory_space<vmem>>, vector<1x16xf32>,
      %broadcast_in_dim3A_284 = arith.constant 0.000000e+00 : f32
      %broadcast_in_dim3A_285 = vector.broadcast %broadcast_in_dim3A_284 : f32 to vector<16xf32>
      %swap3A_286 = arith.index_cast %scan3A_185 : i32 to index
      %swap3A_287 = arith.constant 80 : index
      %swap3A_288 = tpu.vector_load %arg9[%swap3A_286, %swap3A_287] {strides = array<i32>} : memref<128x144xf32, #tpu.memory_space<vmem>>, vector<1x16xf32>,
      %swap3A_289 = vector.shape_cast %swap3A_288 : vector<1x16xf32> to vector<16xf32>
      %swap3A_290 = vector.shape_cast %broadcast_in_dim3A_285 : vector<16xf32> to vector<1x16xf32>
      tpu.vector_store %arg9[%swap3A_286, %swap3A_287], %swap3A_290 {strides = array<i32>} : memref<128x144xf32, #tpu.memory_space<vmem>>, vector<1x16xf32>,
      %broadcast_in_dim3A_291 = arith.constant 0.000000e+00 : f32
      %broadcast_in_dim3A_292 = vector.broadcast %broadcast_in_dim3A_291 : f32 to vector<16xf32>
      %swap3A_293 = arith.index_cast %scan3A_185 : i32 to index
      %swap3A_294 = arith.constant 96 : index
      %swap3A_295 = tpu.vector_load %arg9[%swap3A_293, %swap3A_294] {strides = array<i32>} : memref<128x144xf32, #tpu.memory_space<vmem>>, vector<1x16xf32>,
      %swap3A_296 = vector.shape_cast %swap3A_295 : vector<1x16xf32> to vector<16xf32>
      %swap3A_297 = vector.shape_cast %broadcast_in_dim3A_292 : vector<16xf32> to vector<1x16xf32>
      tpu.vector_store %arg9[%swap3A_293, %swap3A_294], %swap3A_297 {strides = array<i32>} : memref<128x144xf32, #tpu.memory_space<vmem>>, vector<1x16xf32>,
      %broadcast_in_dim3A_298 = arith.constant 0.000000e+00 : f32
      %broadcast_in_dim3A_299 = vector.broadcast %broadcast_in_dim3A_298 : f32 to vector<16xf32>
      %swap3A_300 = arith.index_cast %scan3A_185 : i32 to index
      %swap3A_301 = arith.constant 112 : index
      %swap3A_302 = tpu.vector_load %arg9[%swap3A_300, %swap3A_301] {strides = array<i32>} : memref<128x144xf32, #tpu.memory_space<vmem>>, vector<1x16xf32>,
      %swap3A_303 = vector.shape_cast %swap3A_302 : vector<1x16xf32> to vector<16xf32>
      %swap3A_304 = vector.shape_cast %broadcast_in_dim3A_299 : vector<16xf32> to vector<1x16xf32>
      tpu.vector_store %arg9[%swap3A_300, %swap3A_301], %swap3A_304 {strides = array<i32>} : memref<128x144xf32, #tpu.memory_space<vmem>>, vector<1x16xf32>,
      %broadcast_in_dim3A_305 = arith.constant 0.000000e+00 : f32
      %broadcast_in_dim3A_306 = vector.broadcast %broadcast_in_dim3A_305 : f32 to vector<16xf32>
      %swap3A_307 = arith.index_cast %scan3A_185 : i32 to index
      %swap3A_308 = arith.constant 128 : index
      %swap3A_309 = tpu.vector_load %arg9[%swap3A_307, %swap3A_308] {strides = array<i32>} : memref<128x144xf32, #tpu.memory_space<vmem>>, vector<1x16xf32>,
      %swap3A_310 = vector.shape_cast %swap3A_309 : vector<1x16xf32> to vector<16xf32>
      %swap3A_311 = vector.shape_cast %broadcast_in_dim3A_306 : vector<16xf32> to vector<1x16xf32>
      tpu.vector_store %arg9[%swap3A_307, %swap3A_308], %swap3A_311 {strides = array<i32>} : memref<128x144xf32, #tpu.memory_space<vmem>>, vector<1x16xf32>,
    }
    %scan3A_13 = arith.constant 128 : i32
    %mul3A_14 = arith.constant 5 : i32
    %mul3A_15 = arith.muli %arg1, %mul3A_14 : i32
    %add3A_16 = arith.constant 0 : i32
    %add3A_17 = arith.addi %mul3A_15, %add3A_16 : i32
    %mul3A_18 = arith.constant 128 : i32
    %mul3A_19 = arith.muli %add3A_17, %mul3A_18 : i32
    "tpu.region"() ({
      %run_scoped3A_185 = tpu.sem_alloc : memref<!tpu.dma_semaphore, #tpu.memory_space<semaphore_mem>>
      %dma_start3A_186 = arith.constant 0 : i32
      %dma_start3A_187 = tpu.memref_slice %arg12[%mul3A_19, %dma_start3A_186] : memref<10240x144xf32, #tpu.memory_space<vmem_shared>> -> memref<128x144xf32, #tpu.memory_space<vmem_shared>>
      %dma_start3A_188 = arith.constant 0 : i32
      %dma_start3A_189 = tpu.memref_slice %arg12[%mul3A_19, %dma_start3A_188] : memref<10240x144xf32, #tpu.memory_space<vmem_shared>> -> memref<128x144xf32, #tpu.memory_space<vmem_shared>>
      tpu.enqueue_dma source(%arg8 : memref<128x144xf32, #tpu.memory_space<vmem>>) target(%dma_start3A_189 : memref<128x144xf32, #tpu.memory_space<vmem_shared>>) target_semaphore(%run_scoped3A_185 : memref<!tpu.dma_semaphore, #tpu.memory_space<semaphore_mem>>)
      %dma_wait3A_190 = arith.constant 0 : i32
      %dma_wait3A_191 = tpu.memref_slice %arg12[%mul3A_19, %dma_wait3A_190] : memref<10240x144xf32, #tpu.memory_space<vmem_shared>> -> memref<128x144xf32, #tpu.memory_space<vmem_shared>>
      %dma_wait3A_192 = arith.constant 0 : i32
      %dma_wait3A_193 = tpu.memref_slice %arg12[%mul3A_19, %dma_wait3A_192] : memref<10240x144xf32, #tpu.memory_space<vmem_shared>> -> memref<128x144xf32, #tpu.memory_space<vmem_shared>>
      tpu.wait_dma2 semaphore(%run_scoped3A_185 : memref<!tpu.dma_semaphore, #tpu.memory_space<semaphore_mem>>) src(%arg8 : memref<128x144xf32, #tpu.memory_space<vmem>>) dst(%dma_wait3A_193 : memref<128x144xf32, #tpu.memory_space<vmem_shared>>)
      tpu.yield
    }) : () -> ()
    %mul3A_20 = arith.constant 5 : i32
    %mul3A_21 = arith.muli %arg1, %mul3A_20 : i32
    %add3A_22 = arith.constant 1 : i32
    %add3A_23 = arith.addi %mul3A_21, %add3A_22 : i32
    %mul3A_24 = arith.constant 128 : i32
    %mul3A_25 = arith.muli %add3A_23, %mul3A_24 : i32
    "tpu.region"() ({
      %run_scoped3A_185 = tpu.sem_alloc : memref<!tpu.dma_semaphore, #tpu.memory_space<semaphore_mem>>
      %dma_start3A_186 = arith.constant 0 : i32
      %dma_start3A_187 = tpu.memref_slice %arg12[%mul3A_25, %dma_start3A_186] : memref<10240x144xf32, #tpu.memory_space<vmem_shared>> -> memref<128x144xf32, #tpu.memory_space<vmem_shared>>
      %dma_start3A_188 = arith.constant 0 : i32
      %dma_start3A_189 = tpu.memref_slice %arg12[%mul3A_25, %dma_start3A_188] : memref<10240x144xf32, #tpu.memory_space<vmem_shared>> -> memref<128x144xf32, #tpu.memory_space<vmem_shared>>
      tpu.enqueue_dma source(%arg8 : memref<128x144xf32, #tpu.memory_space<vmem>>) target(%dma_start3A_189 : memref<128x144xf32, #tpu.memory_space<vmem_shared>>) target_semaphore(%run_scoped3A_185 : memref<!tpu.dma_semaphore, #tpu.memory_space<semaphore_mem>>)
      %dma_wait3A_190 = arith.constant 0 : i32
      %dma_wait3A_191 = tpu.memref_slice %arg12[%mul3A_25, %dma_wait3A_190] : memref<10240x144xf32, #tpu.memory_space<vmem_shared>> -> memref<128x144xf32, #tpu.memory_space<vmem_shared>>
      %dma_wait3A_192 = arith.constant 0 : i32
      %dma_wait3A_193 = tpu.memref_slice %arg12[%mul3A_25, %dma_wait3A_192] : memref<10240x144xf32, #tpu.memory_space<vmem_shared>> -> memref<128x144xf32, #tpu.memory_space<vmem_shared>>
      tpu.wait_dma2 semaphore(%run_scoped3A_185 : memref<!tpu.dma_semaphore, #tpu.memory_space<semaphore_mem>>) src(%arg8 : memref<128x144xf32, #tpu.memory_space<vmem>>) dst(%dma_wait3A_193 : memref<128x144xf32, #tpu.memory_space<vmem_shared>>)
      tpu.yield
    }) : () -> ()
    %mul3A_26 = arith.constant 5 : i32
    %mul3A_27 = arith.muli %arg1, %mul3A_26 : i32
    %add3A_28 = arith.constant 2 : i32
    %add3A_29 = arith.addi %mul3A_27, %add3A_28 : i32
    %mul3A_30 = arith.constant 128 : i32
    %mul3A_31 = arith.muli %add3A_29, %mul3A_30 : i32
    "tpu.region"() ({
      %run_scoped3A_185 = tpu.sem_alloc : memref<!tpu.dma_semaphore, #tpu.memory_space<semaphore_mem>>
      %dma_start3A_186 = arith.constant 0 : i32
      %dma_start3A_187 = tpu.memref_slice %arg12[%mul3A_31, %dma_start3A_186] : memref<10240x144xf32, #tpu.memory_space<vmem_shared>> -> memref<128x144xf32, #tpu.memory_space<vmem_shared>>
      %dma_start3A_188 = arith.constant 0 : i32
      %dma_start3A_189 = tpu.memref_slice %arg12[%mul3A_31, %dma_start3A_188] : memref<10240x144xf32, #tpu.memory_space<vmem_shared>> -> memref<128x144xf32, #tpu.memory_space<vmem_shared>>
      tpu.enqueue_dma source(%arg8 : memref<128x144xf32, #tpu.memory_space<vmem>>) target(%dma_start3A_189 : memref<128x144xf32, #tpu.memory_space<vmem_shared>>) target_semaphore(%run_scoped3A_185 : memref<!tpu.dma_semaphore, #tpu.memory_space<semaphore_mem>>)
      %dma_wait3A_190 = arith.constant 0 : i32
      %dma_wait3A_191 = tpu.memref_slice %arg12[%mul3A_31, %dma_wait3A_190] : memref<10240x144xf32, #tpu.memory_space<vmem_shared>> -> memref<128x144xf32, #tpu.memory_space<vmem_shared>>
      %dma_wait3A_192 = arith.constant 0 : i32
      %dma_wait3A_193 = tpu.memref_slice %arg12[%mul3A_31, %dma_wait3A_192] : memref<10240x144xf32, #tpu.memory_space<vmem_shared>> -> memref<128x144xf32, #tpu.memory_space<vmem_shared>>
      tpu.wait_dma2 semaphore(%run_scoped3A_185 : memref<!tpu.dma_semaphore, #tpu.memory_space<semaphore_mem>>) src(%arg8 : memref<128x144xf32, #tpu.memory_space<vmem>>) dst(%dma_wait3A_193 : memref<128x144xf32, #tpu.memory_space<vmem_shared>>)
      tpu.yield
    }) : () -> ()
    %mul3A_32 = arith.constant 5 : i32
    %mul3A_33 = arith.muli %arg1, %mul3A_32 : i32
    %add3A_34 = arith.constant 3 : i32
    %add3A_35 = arith.addi %mul3A_33, %add3A_34 : i32
    %mul3A_36 = arith.constant 128 : i32
    %mul3A_37 = arith.muli %add3A_35, %mul3A_36 : i32
    "tpu.region"() ({
      %run_scoped3A_185 = tpu.sem_alloc : memref<!tpu.dma_semaphore, #tpu.memory_space<semaphore_mem>>
      %dma_start3A_186 = arith.constant 0 : i32
      %dma_start3A_187 = tpu.memref_slice %arg12[%mul3A_37, %dma_start3A_186] : memref<10240x144xf32, #tpu.memory_space<vmem_shared>> -> memref<128x144xf32, #tpu.memory_space<vmem_shared>>
      %dma_start3A_188 = arith.constant 0 : i32
      %dma_start3A_189 = tpu.memref_slice %arg12[%mul3A_37, %dma_start3A_188] : memref<10240x144xf32, #tpu.memory_space<vmem_shared>> -> memref<128x144xf32, #tpu.memory_space<vmem_shared>>
      tpu.enqueue_dma source(%arg8 : memref<128x144xf32, #tpu.memory_space<vmem>>) target(%dma_start3A_189 : memref<128x144xf32, #tpu.memory_space<vmem_shared>>) target_semaphore(%run_scoped3A_185 : memref<!tpu.dma_semaphore, #tpu.memory_space<semaphore_mem>>)
      %dma_wait3A_190 = arith.constant 0 : i32
      %dma_wait3A_191 = tpu.memref_slice %arg12[%mul3A_37, %dma_wait3A_190] : memref<10240x144xf32, #tpu.memory_space<vmem_shared>> -> memref<128x144xf32, #tpu.memory_space<vmem_shared>>
      %dma_wait3A_192 = arith.constant 0 : i32
      %dma_wait3A_193 = tpu.memref_slice %arg12[%mul3A_37, %dma_wait3A_192] : memref<10240x144xf32, #tpu.memory_space<vmem_shared>> -> memref<128x144xf32, #tpu.memory_space<vmem_shared>>
      tpu.wait_dma2 semaphore(%run_scoped3A_185 : memref<!tpu.dma_semaphore, #tpu.memory_space<semaphore_mem>>) src(%arg8 : memref<128x144xf32, #tpu.memory_space<vmem>>) dst(%dma_wait3A_193 : memref<128x144xf32, #tpu.memory_space<vmem_shared>>)
      tpu.yield
    }) : () -> ()
    %mul3A_38 = arith.constant 5 : i32
    %mul3A_39 = arith.muli %arg1, %mul3A_38 : i32
    %add3A_40 = arith.constant 4 : i32
    %add3A_41 = arith.addi %mul3A_39, %add3A_40 : i32
    %mul3A_42 = arith.constant 128 : i32
    %mul3A_43 = arith.muli %add3A_41, %mul3A_42 : i32
    "tpu.region"() ({
      %run_scoped3A_185 = tpu.sem_alloc : memref<!tpu.dma_semaphore, #tpu.memory_space<semaphore_mem>>
      %dma_start3A_186 = arith.constant 0 : i32
      %dma_start3A_187 = tpu.memref_slice %arg12[%mul3A_43, %dma_start3A_186] : memref<10240x144xf32, #tpu.memory_space<vmem_shared>> -> memref<128x144xf32, #tpu.memory_space<vmem_shared>>
      %dma_start3A_188 = arith.constant 0 : i32
      %dma_start3A_189 = tpu.memref_slice %arg12[%mul3A_43, %dma_start3A_188] : memref<10240x144xf32, #tpu.memory_space<vmem_shared>> -> memref<128x144xf32, #tpu.memory_space<vmem_shared>>
      tpu.enqueue_dma source(%arg8 : memref<128x144xf32, #tpu.memory_space<vmem>>) target(%dma_start3A_189 : memref<128x144xf32, #tpu.memory_space<vmem_shared>>) target_semaphore(%run_scoped3A_185 : memref<!tpu.dma_semaphore, #tpu.memory_space<semaphore_mem>>)
      %dma_wait3A_190 = arith.constant 0 : i32
      %dma_wait3A_191 = tpu.memref_slice %arg12[%mul3A_43, %dma_wait3A_190] : memref<10240x144xf32, #tpu.memory_space<vmem_shared>> -> memref<128x144xf32, #tpu.memory_space<vmem_shared>>
      %dma_wait3A_192 = arith.constant 0 : i32
      %dma_wait3A_193 = tpu.memref_slice %arg12[%mul3A_43, %dma_wait3A_192] : memref<10240x144xf32, #tpu.memory_space<vmem_shared>> -> memref<128x144xf32, #tpu.memory_space<vmem_shared>>
      tpu.wait_dma2 semaphore(%run_scoped3A_185 : memref<!tpu.dma_semaphore, #tpu.memory_space<semaphore_mem>>) src(%arg8 : memref<128x144xf32, #tpu.memory_space<vmem>>) dst(%dma_wait3A_193 : memref<128x144xf32, #tpu.memory_space<vmem_shared>>)
      tpu.yield
    }) : () -> ()
    %broadcast_in_dim3A = arith.constant 10000 : i32
    %broadcast_in_dim3A_44 = vector.broadcast %broadcast_in_dim3A : i32 to vector<16xi32>
    %swap3A = arith.constant 1 : i32
    %swap3A_45 = arith.constant 0 : i32
    %swap3A_46 = arith.index_cast %swap3A : i32 to index
    %swap3A_47 = arith.index_cast %swap3A_45 : i32 to index
    %swap3A_48 = arith.constant 0 : index
    %swap3A_49 = tpu.vector_load %arg7[%swap3A_46, %swap3A_47, %swap3A_48] {strides = array<i32>} : memref<2x1x128xi32, #tpu.memory_space<vmem>>, vector<1x1x16xi32>,
    %swap3A_50 = vector.shape_cast %swap3A_49 : vector<1x1x16xi32> to vector<16xi32>
    %swap3A_51 = vector.shape_cast %broadcast_in_dim3A_44 : vector<16xi32> to vector<1x1x16xi32>
    tpu.vector_store %arg7[%swap3A_46, %swap3A_47, %swap3A_48], %swap3A_51 {strides = array<i32>} : memref<2x1x128xi32, #tpu.memory_space<vmem>>, vector<1x1x16xi32>,
    %broadcast_in_dim3A_52 = arith.constant 10000 : i32
    %broadcast_in_dim3A_53 = vector.broadcast %broadcast_in_dim3A_52 : i32 to vector<16xi32>
    %swap3A_54 = arith.constant 1 : i32
    %swap3A_55 = arith.constant 0 : i32
    %swap3A_56 = arith.index_cast %swap3A_54 : i32 to index
    %swap3A_57 = arith.index_cast %swap3A_55 : i32 to index
    %swap3A_58 = arith.constant 16 : index
    %swap3A_59 = tpu.vector_load %arg7[%swap3A_56, %swap3A_57, %swap3A_58] {strides = array<i32>} : memref<2x1x128xi32, #tpu.memory_space<vmem>>, vector<1x1x16xi32>,
    %swap3A_60 = vector.shape_cast %swap3A_59 : vector<1x1x16xi32> to vector<16xi32>
    %swap3A_61 = vector.shape_cast %broadcast_in_dim3A_53 : vector<16xi32> to vector<1x1x16xi32>
    tpu.vector_store %arg7[%swap3A_56, %swap3A_57, %swap3A_58], %swap3A_61 {strides = array<i32>} : memref<2x1x128xi32, #tpu.memory_space<vmem>>, vector<1x1x16xi32>,
    %broadcast_in_dim3A_62 = arith.constant 10000 : i32
    %broadcast_in_dim3A_63 = vector.broadcast %broadcast_in_dim3A_62 : i32 to vector<16xi32>
    %swap3A_64 = arith.constant 1 : i32
    %swap3A_65 = arith.constant 0 : i32
    %swap3A_66 = arith.index_cast %swap3A_64 : i32 to index
    %swap3A_67 = arith.index_cast %swap3A_65 : i32 to index
    %swap3A_68 = arith.constant 32 : index
    %swap3A_69 = tpu.vector_load %arg7[%swap3A_66, %swap3A_67, %swap3A_68] {strides = array<i32>} : memref<2x1x128xi32, #tpu.memory_space<vmem>>, vector<1x1x16xi32>,
    %swap3A_70 = vector.shape_cast %swap3A_69 : vector<1x1x16xi32> to vector<16xi32>
    %swap3A_71 = vector.shape_cast %broadcast_in_dim3A_63 : vector<16xi32> to vector<1x1x16xi32>
    tpu.vector_store %arg7[%swap3A_66, %swap3A_67, %swap3A_68], %swap3A_71 {strides = array<i32>} : memref<2x1x128xi32, #tpu.memory_space<vmem>>, vector<1x1x16xi32>,
    %broadcast_in_dim3A_72 = arith.constant 10000 : i32
    %broadcast_in_dim3A_73 = vector.broadcast %broadcast_in_dim3A_72 : i32 to vector<16xi32>
    %swap3A_74 = arith.constant 1 : i32
    %swap3A_75 = arith.constant 0 : i32
    %swap3A_76 = arith.index_cast %swap3A_74 : i32 to index
    %swap3A_77 = arith.index_cast %swap3A_75 : i32 to index
    %swap3A_78 = arith.constant 48 : index
    %swap3A_79 = tpu.vector_load %arg7[%swap3A_76, %swap3A_77, %swap3A_78] {strides = array<i32>} : memref<2x1x128xi32, #tpu.memory_space<vmem>>, vector<1x1x16xi32>,
    %swap3A_80 = vector.shape_cast %swap3A_79 : vector<1x1x16xi32> to vector<16xi32>
    %swap3A_81 = vector.shape_cast %broadcast_in_dim3A_73 : vector<16xi32> to vector<1x1x16xi32>
    tpu.vector_store %arg7[%swap3A_76, %swap3A_77, %swap3A_78], %swap3A_81 {strides = array<i32>} : memref<2x1x128xi32, #tpu.memory_space<vmem>>, vector<1x1x16xi32>,
    %broadcast_in_dim3A_82 = arith.constant 10000 : i32
    %broadcast_in_dim3A_83 = vector.broadcast %broadcast_in_dim3A_82 : i32 to vector<16xi32>
    %swap3A_84 = arith.constant 1 : i32
    %swap3A_85 = arith.constant 0 : i32
    %swap3A_86 = arith.index_cast %swap3A_84 : i32 to index
    %swap3A_87 = arith.index_cast %swap3A_85 : i32 to index
    %swap3A_88 = arith.constant 64 : index
    %swap3A_89 = tpu.vector_load %arg7[%swap3A_86, %swap3A_87, %swap3A_88] {strides = array<i32>} : memref<2x1x128xi32, #tpu.memory_space<vmem>>, vector<1x1x16xi32>,
    %swap3A_90 = vector.shape_cast %swap3A_89 : vector<1x1x16xi32> to vector<16xi32>
    %swap3A_91 = vector.shape_cast %broadcast_in_dim3A_83 : vector<16xi32> to vector<1x1x16xi32>
    tpu.vector_store %arg7[%swap3A_86, %swap3A_87, %swap3A_88], %swap3A_91 {strides = array<i32>} : memref<2x1x128xi32, #tpu.memory_space<vmem>>, vector<1x1x16xi32>,
    %broadcast_in_dim3A_92 = arith.constant 10000 : i32
    %broadcast_in_dim3A_93 = vector.broadcast %broadcast_in_dim3A_92 : i32 to vector<16xi32>
    %swap3A_94 = arith.constant 1 : i32
    %swap3A_95 = arith.constant 0 : i32
    %swap3A_96 = arith.index_cast %swap3A_94 : i32 to index
    %swap3A_97 = arith.index_cast %swap3A_95 : i32 to index
    %swap3A_98 = arith.constant 80 : index
    %swap3A_99 = tpu.vector_load %arg7[%swap3A_96, %swap3A_97, %swap3A_98] {strides = array<i32>} : memref<2x1x128xi32, #tpu.memory_space<vmem>>, vector<1x1x16xi32>,
    %swap3A_100 = vector.shape_cast %swap3A_99 : vector<1x1x16xi32> to vector<16xi32>
    %swap3A_101 = vector.shape_cast %broadcast_in_dim3A_93 : vector<16xi32> to vector<1x1x16xi32>
    tpu.vector_store %arg7[%swap3A_96, %swap3A_97, %swap3A_98], %swap3A_101 {strides = array<i32>} : memref<2x1x128xi32, #tpu.memory_space<vmem>>, vector<1x1x16xi32>,
    %broadcast_in_dim3A_102 = arith.constant 10000 : i32
    %broadcast_in_dim3A_103 = vector.broadcast %broadcast_in_dim3A_102 : i32 to vector<16xi32>
    %swap3A_104 = arith.constant 1 : i32
    %swap3A_105 = arith.constant 0 : i32
    %swap3A_106 = arith.index_cast %swap3A_104 : i32 to index
    %swap3A_107 = arith.index_cast %swap3A_105 : i32 to index
    %swap3A_108 = arith.constant 96 : index
    %swap3A_109 = tpu.vector_load %arg7[%swap3A_106, %swap3A_107, %swap3A_108] {strides = array<i32>} : memref<2x1x128xi32, #tpu.memory_space<vmem>>, vector<1x1x16xi32>,
    %swap3A_110 = vector.shape_cast %swap3A_109 : vector<1x1x16xi32> to vector<16xi32>
    %swap3A_111 = vector.shape_cast %broadcast_in_dim3A_103 : vector<16xi32> to vector<1x1x16xi32>
    tpu.vector_store %arg7[%swap3A_106, %swap3A_107, %swap3A_108], %swap3A_111 {strides = array<i32>} : memref<2x1x128xi32, #tpu.memory_space<vmem>>, vector<1x1x16xi32>,
    %broadcast_in_dim3A_112 = arith.constant 10000 : i32
    %broadcast_in_dim3A_113 = vector.broadcast %broadcast_in_dim3A_112 : i32 to vector<16xi32>
    %swap3A_114 = arith.constant 1 : i32
    %swap3A_115 = arith.constant 0 : i32
    %swap3A_116 = arith.index_cast %swap3A_114 : i32 to index
    %swap3A_117 = arith.index_cast %swap3A_115 : i32 to index
    %swap3A_118 = arith.constant 112 : index
    %swap3A_119 = tpu.vector_load %arg7[%swap3A_116, %swap3A_117, %swap3A_118] {strides = array<i32>} : memref<2x1x128xi32, #tpu.memory_space<vmem>>, vector<1x1x16xi32>,
    %swap3A_120 = vector.shape_cast %swap3A_119 : vector<1x1x16xi32> to vector<16xi32>
    %swap3A_121 = vector.shape_cast %broadcast_in_dim3A_113 : vector<16xi32> to vector<1x1x16xi32>
    tpu.vector_store %arg7[%swap3A_116, %swap3A_117, %swap3A_118], %swap3A_121 {strides = array<i32>} : memref<2x1x128xi32, #tpu.memory_space<vmem>>, vector<1x1x16xi32>,
    %barrier3A = arith.constant 0 : index
    tpu.barrier barrier_id(%barrier3A)
    %dma_start3A = arith.constant 1 : i32
    %dma_start3A_122 = arith.constant 0 : i32
    %dma_start3A_123 = arith.constant 0 : i32
    %dma_start3A_124 = tpu.memref_slice %arg7[%dma_start3A, %dma_start3A_122, %dma_start3A_123] : memref<2x1x128xi32, #tpu.memory_space<vmem>> -> memref<1x1x128xi32, #tpu.memory_space<vmem>>
    %dma_start3A_125 = tpu.memref_squeeze %dma_start3A_124 : memref<1x1x128xi32, #tpu.memory_space<vmem>> -> memref<128xi32, #tpu.memory_space<vmem>>
    %dma_start3A_126 = arith.constant 0 : i32
    %dma_start3A_127 = arith.constant 0 : i32
    %dma_start3A_128 = tpu.memref_slice %arg12[%dma_start3A_126, %dma_start3A_127] : memref<10240x144xf32, #tpu.memory_space<vmem_shared>> -> memref<10240x144xf32, #tpu.memory_space<vmem_shared>>
    tpu.enqueue_indirect_dma source(%arg9 : memref<128x144xf32, #tpu.memory_space<vmem>>) target(%dma_start3A_128 : memref<10240x144xf32, #tpu.memory_space<vmem_shared>>) offsets(%dma_start3A_125 : memref<128xi32, #tpu.memory_space<vmem>>) semaphore(%arg11 : memref<!tpu.dma_semaphore, #tpu.memory_space<semaphore_mem>>) {add = true}
    %run_scoped3A = arith.constant 0 : i32
    "tpu.region"() ({
      %run_scoped3A_185 = tpu.sem_alloc : memref<!tpu.dma_semaphore, #tpu.memory_space<semaphore_mem>>
      %dma_start3A_186 = arith.constant 0 : i32
      %dma_start3A_187 = arith.constant 0 : i32
      %dma_start3A_188 = tpu.memref_slice %arg6[%run_scoped3A, %dma_start3A_186, %dma_start3A_187] : memref<2x1x128xi32, #tpu.memory_space<vmem>> -> memref<1x1x128xi32, #tpu.memory_space<vmem>>
      %dma_start3A_189 = tpu.memref_squeeze %dma_start3A_188 : memref<1x1x128xi32, #tpu.memory_space<vmem>> -> memref<1x128xi32, #tpu.memory_space<vmem>>
      %dma_start3A_190 = arith.constant 0 : i32
      %dma_start3A_191 = tpu.memref_slice %arg3[%select_n3A_8, %dma_start3A_190] : memref<2560x128xi32, #tpu.memory_space<hbm>> -> memref<1x128xi32, #tpu.memory_space<hbm>>
      %dma_start3A_192 = arith.constant 0 : i32
      %dma_start3A_193 = arith.constant 0 : i32
      %dma_start3A_194 = tpu.memref_slice %arg6[%run_scoped3A, %dma_start3A_192, %dma_start3A_193] : memref<2x1x128xi32, #tpu.memory_space<vmem>> -> memref<1x1x128xi32, #tpu.memory_space<vmem>>
      %dma_start3A_195 = tpu.memref_squeeze %dma_start3A_194 : memref<1x1x128xi32, #tpu.memory_space<vmem>> -> memref<1x128xi32, #tpu.memory_space<vmem>>
      %dma_start3A_196 = arith.constant 0 : i32
      %dma_start3A_197 = tpu.memref_slice %arg3[%select_n3A_8, %dma_start3A_196] : memref<2560x128xi32, #tpu.memory_space<hbm>> -> memref<1x128xi32, #tpu.memory_space<hbm>>
      tpu.enqueue_dma source(%dma_start3A_197 : memref<1x128xi32, #tpu.memory_space<hbm>>) target(%dma_start3A_195 : memref<1x128xi32, #tpu.memory_space<vmem>>) target_semaphore(%run_scoped3A_185 : memref<!tpu.dma_semaphore, #tpu.memory_space<semaphore_mem>>)
      %dma_wait3A_198 = arith.constant 0 : i32
      %dma_wait3A_199 = arith.constant 0 : i32
      %dma_wait3A_200 = tpu.memref_slice %arg6[%run_scoped3A, %dma_wait3A_198, %dma_wait3A_199] : memref<2x1x128xi32, #tpu.memory_space<vmem>> -> memref<1x1x128xi32, #tpu.memory_space<vmem>>
      %dma_wait3A_201 = tpu.memref_squeeze %dma_wait3A_200 : memref<1x1x128xi32, #tpu.memory_space<vmem>> -> memref<1x128xi32, #tpu.memory_space<vmem>>
      %dma_wait3A_202 = arith.constant 0 : i32
      %dma_wait3A_203 = tpu.memref_slice %arg3[%select_n3A_8, %dma_wait3A_202] : memref<2560x128xi32, #tpu.memory_space<hbm>> -> memref<1x128xi32, #tpu.memory_space<hbm>>
      %dma_wait3A_204 = arith.constant 0 : i32
      %dma_wait3A_205 = arith.constant 0 : i32
      %dma_wait3A_206 = tpu.memref_slice %arg6[%run_scoped3A, %dma_wait3A_204, %dma_wait3A_205] : memref<2x1x128xi32, #tpu.memory_space<vmem>> -> memref<1x1x128xi32, #tpu.memory_space<vmem>>
      %dma_wait3A_207 = tpu.memref_squeeze %dma_wait3A_206 : memref<1x1x128xi32, #tpu.memory_space<vmem>> -> memref<1x128xi32, #tpu.memory_space<vmem>>
      %dma_wait3A_208 = arith.constant 0 : i32
      %dma_wait3A_209 = tpu.memref_slice %arg3[%select_n3A_8, %dma_wait3A_208] : memref<2560x128xi32, #tpu.memory_space<hbm>> -> memref<1x128xi32, #tpu.memory_space<hbm>>
      tpu.wait_dma2 semaphore(%run_scoped3A_185 : memref<!tpu.dma_semaphore, #tpu.memory_space<semaphore_mem>>) src(%dma_wait3A_209 : memref<1x128xi32, #tpu.memory_space<hbm>>) dst(%dma_wait3A_207 : memref<1x128xi32, #tpu.memory_space<vmem>>)
      tpu.yield
    }) : () -> ()
    %run_scoped3A_129 = arith.constant 0 : i32
    "tpu.region"() ({
      %run_scoped3A_185 = tpu.sem_alloc : memref<!tpu.dma_semaphore, #tpu.memory_space<semaphore_mem>>
      %dma_start3A_186 = arith.constant 0 : i32
      %dma_start3A_187 = arith.constant 0 : i32
      %dma_start3A_188 = tpu.memref_slice %arg7[%run_scoped3A_129, %dma_start3A_186, %dma_start3A_187] : memref<2x1x128xi32, #tpu.memory_space<vmem>> -> memref<1x1x128xi32, #tpu.memory_space<vmem>>
      %dma_start3A_189 = tpu.memref_squeeze %dma_start3A_188 : memref<1x1x128xi32, #tpu.memory_space<vmem>> -> memref<1x128xi32, #tpu.memory_space<vmem>>
      %dma_start3A_190 = arith.constant 0 : i32
      %dma_start3A_191 = tpu.memref_slice %arg4[%select_n3A_8, %dma_start3A_190] : memref<2560x128xi32, #tpu.memory_space<hbm>> -> memref<1x128xi32, #tpu.memory_space<hbm>>
      %dma_start3A_192 = arith.constant 0 : i32
      %dma_start3A_193 = arith.constant 0 : i32
      %dma_start3A_194 = tpu.memref_slice %arg7[%run_scoped3A_129, %dma_start3A_192, %dma_start3A_193] : memref<2x1x128xi32, #tpu.memory_space<vmem>> -> memref<1x1x128xi32, #tpu.memory_space<vmem>>
      %dma_start3A_195 = tpu.memref_squeeze %dma_start3A_194 : memref<1x1x128xi32, #tpu.memory_space<vmem>> -> memref<1x128xi32, #tpu.memory_space<vmem>>
      %dma_start3A_196 = arith.constant 0 : i32
      %dma_start3A_197 = tpu.memref_slice %arg4[%select_n3A_8, %dma_start3A_196] : memref<2560x128xi32, #tpu.memory_space<hbm>> -> memref<1x128xi32, #tpu.memory_space<hbm>>
      tpu.enqueue_dma source(%dma_start3A_197 : memref<1x128xi32, #tpu.memory_space<hbm>>) target(%dma_start3A_195 : memref<1x128xi32, #tpu.memory_space<vmem>>) target_semaphore(%run_scoped3A_185 : memref<!tpu.dma_semaphore, #tpu.memory_space<semaphore_mem>>)
      %dma_wait3A_198 = arith.constant 0 : i32
      %dma_wait3A_199 = arith.constant 0 : i32
      %dma_wait3A_200 = tpu.memref_slice %arg7[%run_scoped3A_129, %dma_wait3A_198, %dma_wait3A_199] : memref<2x1x128xi32, #tpu.memory_space<vmem>> -> memref<1x1x128xi32, #tpu.memory_space<vmem>>
      %dma_wait3A_201 = tpu.memref_squeeze %dma_wait3A_200 : memref<1x1x128xi32, #tpu.memory_space<vmem>> -> memref<1x128xi32, #tpu.memory_space<vmem>>
      %dma_wait3A_202 = arith.constant 0 : i32
      %dma_wait3A_203 = tpu.memref_slice %arg4[%select_n3A_8, %dma_wait3A_202] : memref<2560x128xi32, #tpu.memory_space<hbm>> -> memref<1x128xi32, #tpu.memory_space<hbm>>
      %dma_wait3A_204 = arith.constant 0 : i32
      %dma_wait3A_205 = arith.constant 0 : i32
      %dma_wait3A_206 = tpu.memref_slice %arg7[%run_scoped3A_129, %dma_wait3A_204, %dma_wait3A_205] : memref<2x1x128xi32, #tpu.memory_space<vmem>> -> memref<1x1x128xi32, #tpu.memory_space<vmem>>
      %dma_wait3A_207 = tpu.memref_squeeze %dma_wait3A_206 : memref<1x1x128xi32, #tpu.memory_space<vmem>> -> memref<1x128xi32, #tpu.memory_space<vmem>>
      %dma_wait3A_208 = arith.constant 0 : i32
      %dma_wait3A_209 = tpu.memref_slice %arg4[%select_n3A_8, %dma_wait3A_208] : memref<2560x128xi32, #tpu.memory_space<hbm>> -> memref<1x128xi32, #tpu.memory_space<hbm>>
      tpu.wait_dma2 semaphore(%run_scoped3A_185 : memref<!tpu.dma_semaphore, #tpu.memory_space<semaphore_mem>>) src(%dma_wait3A_209 : memref<1x128xi32, #tpu.memory_space<hbm>>) dst(%dma_wait3A_207 : memref<1x128xi32, #tpu.memory_space<vmem>>)
      tpu.yield
    }) : () -> ()
    %dma_start3A_130 = arith.constant 0 : i32
    %dma_start3A_131 = arith.constant 0 : i32
    %dma_start3A_132 = arith.constant 0 : i32
    %dma_start3A_133 = tpu.memref_slice %arg6[%dma_start3A_130, %dma_start3A_131, %dma_start3A_132] : memref<2x1x128xi32, #tpu.memory_space<vmem>> -> memref<1x1x128xi32, #tpu.memory_space<vmem>>
    %dma_start3A_134 = tpu.memref_squeeze %dma_start3A_133 : memref<1x1x128xi32, #tpu.memory_space<vmem>> -> memref<128xi32, #tpu.memory_space<vmem>>
    %dma_start3A_135 = arith.constant 0 : i32
    %dma_start3A_136 = arith.constant 0 : i32
    %dma_start3A_137 = tpu.memref_slice %arg2[%dma_start3A_135, %dma_start3A_136] : memref<10000x144xf32, #tpu.memory_space<hbm>> -> memref<10000x144xf32, #tpu.memory_space<hbm>>
    tpu.enqueue_indirect_dma source(%dma_start3A_137 : memref<10000x144xf32, #tpu.memory_space<hbm>>) target(%arg8 : memref<128x144xf32, #tpu.memory_space<vmem>>) offsets(%dma_start3A_134 : memref<128xi32, #tpu.memory_space<vmem>>) semaphore(%arg10 : memref<!tpu.dma_semaphore, #tpu.memory_space<semaphore_mem>>)
    %jit3A_138 = arith.constant 2 : i32
    %div3A = arith.divsi %select_n3A, %jit3A_138 : i32
    %sign3A = arith.constant 0 : i32
    %sign3A_139 = arith.cmpi sgt, %select_n3A, %sign3A : i32
    %sign3A_140 = arith.extui %sign3A_139 : i1 to i32
    %sign3A_141 = arith.constant 0 : i32
    %sign3A_142 = arith.cmpi slt, %select_n3A, %sign3A_141 : i32
    %sign3A_143 = arith.extui %sign3A_142 : i1 to i32
    %sign3A_144 = arith.subi %sign3A_140, %sign3A_143 : i32
    %sign3A_145 = arith.constant 0 : i32
    %sign3A_146 = arith.cmpi sgt, %jit3A_138, %sign3A_145 : i32
    %sign3A_147 = arith.extui %sign3A_146 : i1 to i32
    %sign3A_148 = arith.constant 0 : i32
    %sign3A_149 = arith.cmpi slt, %jit3A_138, %sign3A_148 : i32
    %sign3A_150 = arith.extui %sign3A_149 : i1 to i32
    %sign3A_151 = arith.subi %sign3A_147, %sign3A_150 : i32
    %ne3A = arith.cmpi ne, %sign3A_144, %sign3A_151 : i32
    %rem3A = arith.remsi %select_n3A, %jit3A_138 : i32
    %ne3A_152 = arith.constant 0 : i32
    %ne3A_153 = arith.cmpi ne, %rem3A, %ne3A_152 : i32
    %and3A = arith.andi %ne3A, %ne3A_153 : i1
    %sub3A = arith.constant 1 : i32
    %sub3A_154 = arith.subi %div3A, %sub3A : i32
    %select_n3A_155 = arith.select %and3A, %sub3A_154, %div3A : i32
    %while3A = arith.constant 0 : i32
    %while3A_156 = arith.constant 0 : i32
    %while3A_157 = arith.subi %select_n3A_155, %while3A_156 : i32
    %while3A_158 = arith.addi %while3A_156, %while3A_157 : i32
    %while3A_159 = arith.constant 1 : i32
    %while3A_160 = arith.divsi %while3A_157, %while3A_159 : i32
    %while3A_161 = arith.muli %while3A_160, %while3A_159 : i32
    %while3A_162 = arith.addi %while3A_156, %while3A_161 : i32
    %while3A_163 = arith.constant 1 : i32
    scf.for %while3A_185 = %while3A_156 to %while3A_162 step %while3A_163  : i32 {
      %mul3A_186 = arith.constant 2 : i32
      %mul3A_187 = arith.muli %mul3A_186, %while3A_185 : i32
      %dma_wait3A_188 = arith.constant 0 : i32
      %dma_wait3A_189 = arith.constant 0 : i32
      %dma_wait3A_190 = arith.constant 0 : i32
      %dma_wait3A_191 = tpu.memref_slice %arg6[%dma_wait3A_188, %dma_wait3A_189, %dma_wait3A_190] : memref<2x1x128xi32, #tpu.memory_space<vmem>> -> memref<1x1x128xi32, #tpu.memory_space<vmem>>
      %dma_wait3A_192 = tpu.memref_squeeze %dma_wait3A_191 : memref<1x1x128xi32, #tpu.memory_space<vmem>> -> memref<128xi32, #tpu.memory_space<vmem>>
      %dma_wait3A_193 = arith.constant 0 : i32
      %dma_wait3A_194 = arith.constant 0 : i32
      %dma_wait3A_195 = tpu.memref_slice %arg2[%dma_wait3A_193, %dma_wait3A_194] : memref<10000x144xf32, #tpu.memory_space<hbm>> -> memref<10000x144xf32, #tpu.memory_space<hbm>>
      tpu.wait_indirect_dma semaphore(%arg10 : memref<!tpu.dma_semaphore, #tpu.memory_space<semaphore_mem>>) src(%dma_wait3A_195 : memref<10000x144xf32, #tpu.memory_space<hbm>>) dst(%arg8 : memref<128x144xf32, #tpu.memory_space<vmem>>)
      %dma_wait3A_196 = arith.constant 1 : i32
      %dma_wait3A_197 = arith.constant 0 : i32
      %dma_wait3A_198 = arith.constant 0 : i32
      %dma_wait3A_199 = tpu.memref_slice %arg7[%dma_wait3A_196, %dma_wait3A_197, %dma_wait3A_198] : memref<2x1x128xi32, #tpu.memory_space<vmem>> -> memref<1x1x128xi32, #tpu.memory_space<vmem>>
      %dma_wait3A_200 = tpu.memref_squeeze %dma_wait3A_199 : memref<1x1x128xi32, #tpu.memory_space<vmem>> -> memref<128xi32, #tpu.memory_space<vmem>>
      %dma_wait3A_201 = arith.constant 0 : i32
      %dma_wait3A_202 = arith.constant 0 : i32
      %dma_wait3A_203 = tpu.memref_slice %arg12[%dma_wait3A_201, %dma_wait3A_202] : memref<10240x144xf32, #tpu.memory_space<vmem_shared>> -> memref<10240x144xf32, #tpu.memory_space<vmem_shared>>
      tpu.wait_indirect_dma semaphore(%arg11 : memref<!tpu.dma_semaphore, #tpu.memory_space<semaphore_mem>>) src(%arg9 : memref<128x144xf32, #tpu.memory_space<vmem>>) dst(%dma_wait3A_203 : memref<10240x144xf32, #tpu.memory_space<vmem_shared>>)
      %add3A_204 = arith.constant 1 : i32
      %add3A_205 = arith.addi %mul3A_187, %add3A_204 : i32
      %rem3A_206 = arith.remsi %add3A_205, %select_n3A : i32
      %mul3A_207 = arith.constant 1 : i32
      %mul3A_208 = arith.muli %rem3A_206, %mul3A_207 : i32
      %add3A_209 = arith.addi %select_n3A_8, %mul3A_208 : i32
      %run_scoped3A_210 = arith.constant 1 : i32
      "tpu.region"() ({
        %run_scoped3A_272 = tpu.sem_alloc : memref<!tpu.dma_semaphore, #tpu.memory_space<semaphore_mem>>
        %dma_start3A_273 = arith.constant 0 : i32
        %dma_start3A_274 = arith.constant 0 : i32
        %dma_start3A_275 = tpu.memref_slice %arg6[%run_scoped3A_210, %dma_start3A_273, %dma_start3A_274] : memref<2x1x128xi32, #tpu.memory_space<vmem>> -> memref<1x1x128xi32, #tpu.memory_space<vmem>>
        %dma_start3A_276 = tpu.memref_squeeze %dma_start3A_275 : memref<1x1x128xi32, #tpu.memory_space<vmem>> -> memref<1x128xi32, #tpu.memory_space<vmem>>
        %dma_start3A_277 = arith.constant 0 : i32
        %dma_start3A_278 = tpu.memref_slice %arg3[%add3A_209, %dma_start3A_277] : memref<2560x128xi32, #tpu.memory_space<hbm>> -> memref<1x128xi32, #tpu.memory_space<hbm>>
        %dma_start3A_279 = arith.constant 0 : i32
        %dma_start3A_280 = arith.constant 0 : i32
        %dma_start3A_281 = tpu.memref_slice %arg6[%run_scoped3A_210, %dma_start3A_279, %dma_start3A_280] : memref<2x1x128xi32, #tpu.memory_space<vmem>> -> memref<1x1x128xi32, #tpu.memory_space<vmem>>
        %dma_start3A_282 = tpu.memref_squeeze %dma_start3A_281 : memref<1x1x128xi32, #tpu.memory_space<vmem>> -> memref<1x128xi32, #tpu.memory_space<vmem>>
        %dma_start3A_283 = arith.constant 0 : i32
        %dma_start3A_284 = tpu.memref_slice %arg3[%add3A_209, %dma_start3A_283] : memref<2560x128xi32, #tpu.memory_space<hbm>> -> memref<1x128xi32, #tpu.memory_space<hbm>>
        tpu.enqueue_dma source(%dma_start3A_284 : memref<1x128xi32, #tpu.memory_space<hbm>>) target(%dma_start3A_282 : memref<1x128xi32, #tpu.memory_space<vmem>>) target_semaphore(%run_scoped3A_272 : memref<!tpu.dma_semaphore, #tpu.memory_space<semaphore_mem>>)
        %dma_wait3A_285 = arith.constant 0 : i32
        %dma_wait3A_286 = arith.constant 0 : i32
        %dma_wait3A_287 = tpu.memref_slice %arg6[%run_scoped3A_210, %dma_wait3A_285, %dma_wait3A_286] : memref<2x1x128xi32, #tpu.memory_space<vmem>> -> memref<1x1x128xi32, #tpu.memory_space<vmem>>
        %dma_wait3A_288 = tpu.memref_squeeze %dma_wait3A_287 : memref<1x1x128xi32, #tpu.memory_space<vmem>> -> memref<1x128xi32, #tpu.memory_space<vmem>>
        %dma_wait3A_289 = arith.constant 0 : i32
        %dma_wait3A_290 = tpu.memref_slice %arg3[%add3A_209, %dma_wait3A_289] : memref<2560x128xi32, #tpu.memory_space<hbm>> -> memref<1x128xi32, #tpu.memory_space<hbm>>
        %dma_wait3A_291 = arith.constant 0 : i32
        %dma_wait3A_292 = arith.constant 0 : i32
        %dma_wait3A_293 = tpu.memref_slice %arg6[%run_scoped3A_210, %dma_wait3A_291, %dma_wait3A_292] : memref<2x1x128xi32, #tpu.memory_space<vmem>> -> memref<1x1x128xi32, #tpu.memory_space<vmem>>
        %dma_wait3A_294 = tpu.memref_squeeze %dma_wait3A_293 : memref<1x1x128xi32, #tpu.memory_space<vmem>> -> memref<1x128xi32, #tpu.memory_space<vmem>>
        %dma_wait3A_295 = arith.constant 0 : i32
        %dma_wait3A_296 = tpu.memref_slice %arg3[%add3A_209, %dma_wait3A_295] : memref<2560x128xi32, #tpu.memory_space<hbm>> -> memref<1x128xi32, #tpu.memory_space<hbm>>
        tpu.wait_dma2 semaphore(%run_scoped3A_272 : memref<!tpu.dma_semaphore, #tpu.memory_space<semaphore_mem>>) src(%dma_wait3A_296 : memref<1x128xi32, #tpu.memory_space<hbm>>) dst(%dma_wait3A_294 : memref<1x128xi32, #tpu.memory_space<vmem>>)
        tpu.yield
      }) : () -> ()
      %run_scoped3A_211 = arith.constant 1 : i32
      "tpu.region"() ({
        %run_scoped3A_272 = tpu.sem_alloc : memref<!tpu.dma_semaphore, #tpu.memory_space<semaphore_mem>>
        %dma_start3A_273 = arith.constant 0 : i32
        %dma_start3A_274 = arith.constant 0 : i32
        %dma_start3A_275 = tpu.memref_slice %arg7[%run_scoped3A_211, %dma_start3A_273, %dma_start3A_274] : memref<2x1x128xi32, #tpu.memory_space<vmem>> -> memref<1x1x128xi32, #tpu.memory_space<vmem>>
        %dma_start3A_276 = tpu.memref_squeeze %dma_start3A_275 : memref<1x1x128xi32, #tpu.memory_space<vmem>> -> memref<1x128xi32, #tpu.memory_space<vmem>>
        %dma_start3A_277 = arith.constant 0 : i32
        %dma_start3A_278 = tpu.memref_slice %arg4[%add3A_209, %dma_start3A_277] : memref<2560x128xi32, #tpu.memory_space<hbm>> -> memref<1x128xi32, #tpu.memory_space<hbm>>
        %dma_start3A_279 = arith.constant 0 : i32
        %dma_start3A_280 = arith.constant 0 : i32
        %dma_start3A_281 = tpu.memref_slice %arg7[%run_scoped3A_211, %dma_start3A_279, %dma_start3A_280] : memref<2x1x128xi32, #tpu.memory_space<vmem>> -> memref<1x1x128xi32, #tpu.memory_space<vmem>>
        %dma_start3A_282 = tpu.memref_squeeze %dma_start3A_281 : memref<1x1x128xi32, #tpu.memory_space<vmem>> -> memref<1x128xi32, #tpu.memory_space<vmem>>
        %dma_start3A_283 = arith.constant 0 : i32
        %dma_start3A_284 = tpu.memref_slice %arg4[%add3A_209, %dma_start3A_283] : memref<2560x128xi32, #tpu.memory_space<hbm>> -> memref<1x128xi32, #tpu.memory_space<hbm>>
        tpu.enqueue_dma source(%dma_start3A_284 : memref<1x128xi32, #tpu.memory_space<hbm>>) target(%dma_start3A_282 : memref<1x128xi32, #tpu.memory_space<vmem>>) target_semaphore(%run_scoped3A_272 : memref<!tpu.dma_semaphore, #tpu.memory_space<semaphore_mem>>)
        %dma_wait3A_285 = arith.constant 0 : i32
        %dma_wait3A_286 = arith.constant 0 : i32
        %dma_wait3A_287 = tpu.memref_slice %arg7[%run_scoped3A_211, %dma_wait3A_285, %dma_wait3A_286] : memref<2x1x128xi32, #tpu.memory_space<vmem>> -> memref<1x1x128xi32, #tpu.memory_space<vmem>>
        %dma_wait3A_288 = tpu.memref_squeeze %dma_wait3A_287 : memref<1x1x128xi32, #tpu.memory_space<vmem>> -> memref<1x128xi32, #tpu.memory_space<vmem>>
        %dma_wait3A_289 = arith.constant 0 : i32
        %dma_wait3A_290 = tpu.memref_slice %arg4[%add3A_209, %dma_wait3A_289] : memref<2560x128xi32, #tpu.memory_space<hbm>> -> memref<1x128xi32, #tpu.memory_space<hbm>>
        %dma_wait3A_291 = arith.constant 0 : i32
        %dma_wait3A_292 = arith.constant 0 : i32
        %dma_wait3A_293 = tpu.memref_slice %arg7[%run_scoped3A_211, %dma_wait3A_291, %dma_wait3A_292] : memref<2x1x128xi32, #tpu.memory_space<vmem>> -> memref<1x1x128xi32, #tpu.memory_space<vmem>>
        %dma_wait3A_294 = tpu.memref_squeeze %dma_wait3A_293 : memref<1x1x128xi32, #tpu.memory_space<vmem>> -> memref<1x128xi32, #tpu.memory_space<vmem>>
        %dma_wait3A_295 = arith.constant 0 : i32
        %dma_wait3A_296 = tpu.memref_slice %arg4[%add3A_209, %dma_wait3A_295] : memref<2560x128xi32, #tpu.memory_space<hbm>> -> memref<1x128xi32, #tpu.memory_space<hbm>>
        tpu.wait_dma2 semaphore(%run_scoped3A_272 : memref<!tpu.dma_semaphore, #tpu.memory_space<semaphore_mem>>) src(%dma_wait3A_296 : memref<1x128xi32, #tpu.memory_space<hbm>>) dst(%dma_wait3A_294 : memref<1x128xi32, #tpu.memory_space<vmem>>)
        tpu.yield
      }) : () -> ()
      %dma_start3A_212 = arith.constant 1 : i32
      %dma_start3A_213 = arith.constant 0 : i32
      %dma_start3A_214 = arith.constant 0 : i32
      %dma_start3A_215 = tpu.memref_slice %arg6[%dma_start3A_212, %dma_start3A_213, %dma_start3A_214] : memref<2x1x128xi32, #tpu.memory_space<vmem>> -> memref<1x1x128xi32, #tpu.memory_space<vmem>>
      %dma_start3A_216 = tpu.memref_squeeze %dma_start3A_215 : memref<1x1x128xi32, #tpu.memory_space<vmem>> -> memref<128xi32, #tpu.memory_space<vmem>>
      %dma_start3A_217 = arith.constant 0 : i32
      %dma_start3A_218 = arith.constant 0 : i32
      %dma_start3A_219 = tpu.memref_slice %arg2[%dma_start3A_217, %dma_start3A_218] : memref<10000x144xf32, #tpu.memory_space<hbm>> -> memref<10000x144xf32, #tpu.memory_space<hbm>>
      tpu.enqueue_indirect_dma source(%dma_start3A_219 : memref<10000x144xf32, #tpu.memory_space<hbm>>) target(%arg9 : memref<128x144xf32, #tpu.memory_space<vmem>>) offsets(%dma_start3A_216 : memref<128xi32, #tpu.memory_space<vmem>>) semaphore(%arg11 : memref<!tpu.dma_semaphore, #tpu.memory_space<semaphore_mem>>)
      %dma_start3A_220 = arith.constant 0 : i32
      %dma_start3A_221 = arith.constant 0 : i32
      %dma_start3A_222 = arith.constant 0 : i32
      %dma_start3A_223 = tpu.memref_slice %arg7[%dma_start3A_220, %dma_start3A_221, %dma_start3A_222] : memref<2x1x128xi32, #tpu.memory_space<vmem>> -> memref<1x1x128xi32, #tpu.memory_space<vmem>>
      %dma_start3A_224 = tpu.memref_squeeze %dma_start3A_223 : memref<1x1x128xi32, #tpu.memory_space<vmem>> -> memref<128xi32, #tpu.memory_space<vmem>>
      %dma_start3A_225 = arith.constant 0 : i32
      %dma_start3A_226 = arith.constant 0 : i32
      %dma_start3A_227 = tpu.memref_slice %arg12[%dma_start3A_225, %dma_start3A_226] : memref<10240x144xf32, #tpu.memory_space<vmem_shared>> -> memref<10240x144xf32, #tpu.memory_space<vmem_shared>>
      tpu.enqueue_indirect_dma source(%arg8 : memref<128x144xf32, #tpu.memory_space<vmem>>) target(%dma_start3A_227 : memref<10240x144xf32, #tpu.memory_space<vmem_shared>>) offsets(%dma_start3A_224 : memref<128xi32, #tpu.memory_space<vmem>>) semaphore(%arg10 : memref<!tpu.dma_semaphore, #tpu.memory_space<semaphore_mem>>) {add = true}
      %mul3A_228 = arith.constant 2 : i32
      %mul3A_229 = arith.muli %mul3A_228, %while3A_185 : i32
      %add3A_230 = arith.constant 1 : i32
      %add3A_231 = arith.addi %mul3A_229, %add3A_230 : i32
      %dma_wait3A_232 = arith.constant 1 : i32
      %dma_wait3A_233 = arith.constant 0 : i32
      %dma_wait3A_234 = arith.constant 0 : i32
      %dma_wait3A_235 = tpu.memref_slice %arg6[%dma_wait3A_232, %dma_wait3A_233, %dma_wait3A_234] : memref<2x1x128xi32, #tpu.memory_space<vmem>> -> memref<1x1x128xi32, #tpu.memory_space<vmem>>
      %dma_wait3A_236 = tpu.memref_squeeze %dma_wait3A_235 : memref<1x1x128xi32, #tpu.memory_space<vmem>> -> memref<128xi32, #tpu.memory_space<vmem>>
      %dma_wait3A_237 = arith.constant 0 : i32
      %dma_wait3A_238 = arith.constant 0 : i32
      %dma_wait3A_239 = tpu.memref_slice %arg2[%dma_wait3A_237, %dma_wait3A_238] : memref<10000x144xf32, #tpu.memory_space<hbm>> -> memref<10000x144xf32, #tpu.memory_space<hbm>>
      tpu.wait_indirect_dma semaphore(%arg11 : memref<!tpu.dma_semaphore, #tpu.memory_space<semaphore_mem>>) src(%dma_wait3A_239 : memref<10000x144xf32, #tpu.memory_space<hbm>>) dst(%arg9 : memref<128x144xf32, #tpu.memory_space<vmem>>)
      %dma_wait3A_240 = arith.constant 0 : i32
      %dma_wait3A_241 = arith.constant 0 : i32
      %dma_wait3A_242 = arith.constant 0 : i32
      %dma_wait3A_243 = tpu.memref_slice %arg7[%dma_wait3A_240, %dma_wait3A_241, %dma_wait3A_242] : memref<2x1x128xi32, #tpu.memory_space<vmem>> -> memref<1x1x128xi32, #tpu.memory_space<vmem>>
      %dma_wait3A_244 = tpu.memref_squeeze %dma_wait3A_243 : memref<1x1x128xi32, #tpu.memory_space<vmem>> -> memref<128xi32, #tpu.memory_space<vmem>>
      %dma_wait3A_245 = arith.constant 0 : i32
      %dma_wait3A_246 = arith.constant 0 : i32
      %dma_wait3A_247 = tpu.memref_slice %arg12[%dma_wait3A_245, %dma_wait3A_246] : memref<10240x144xf32, #tpu.memory_space<vmem_shared>> -> memref<10240x144xf32, #tpu.memory_space<vmem_shared>>
      tpu.wait_indirect_dma semaphore(%arg10 : memref<!tpu.dma_semaphore, #tpu.memory_space<semaphore_mem>>) src(%arg8 : memref<128x144xf32, #tpu.memory_space<vmem>>) dst(%dma_wait3A_247 : memref<10240x144xf32, #tpu.memory_space<vmem_shared>>)
      %add3A_248 = arith.constant 1 : i32
      %add3A_249 = arith.addi %add3A_231, %add3A_248 : i32
      %rem3A_250 = arith.remsi %add3A_249, %select_n3A : i32
      %mul3A_251 = arith.constant 1 : i32
      %mul3A_252 = arith.muli %rem3A_250, %mul3A_251 : i32
      %add3A_253 = arith.addi %select_n3A_8, %mul3A_252 : i32
      %run_scoped3A_254 = arith.constant 0 : i32
      "tpu.region"() ({
        %run_scoped3A_272 = tpu.sem_alloc : memref<!tpu.dma_semaphore, #tpu.memory_space<semaphore_mem>>
        %dma_start3A_273 = arith.constant 0 : i32
        %dma_start3A_274 = arith.constant 0 : i32
        %dma_start3A_275 = tpu.memref_slice %arg6[%run_scoped3A_254, %dma_start3A_273, %dma_start3A_274] : memref<2x1x128xi32, #tpu.memory_space<vmem>> -> memref<1x1x128xi32, #tpu.memory_space<vmem>>
        %dma_start3A_276 = tpu.memref_squeeze %dma_start3A_275 : memref<1x1x128xi32, #tpu.memory_space<vmem>> -> memref<1x128xi32, #tpu.memory_space<vmem>>
        %dma_start3A_277 = arith.constant 0 : i32
        %dma_start3A_278 = tpu.memref_slice %arg3[%add3A_253, %dma_start3A_277] : memref<2560x128xi32, #tpu.memory_space<hbm>> -> memref<1x128xi32, #tpu.memory_space<hbm>>
        %dma_start3A_279 = arith.constant 0 : i32
        %dma_start3A_280 = arith.constant 0 : i32
        %dma_start3A_281 = tpu.memref_slice %arg6[%run_scoped3A_254, %dma_start3A_279, %dma_start3A_280] : memref<2x1x128xi32, #tpu.memory_space<vmem>> -> memref<1x1x128xi32, #tpu.memory_space<vmem>>
        %dma_start3A_282 = tpu.memref_squeeze %dma_start3A_281 : memref<1x1x128xi32, #tpu.memory_space<vmem>> -> memref<1x128xi32, #tpu.memory_space<vmem>>
        %dma_start3A_283 = arith.constant 0 : i32
        %dma_start3A_284 = tpu.memref_slice %arg3[%add3A_253, %dma_start3A_283] : memref<2560x128xi32, #tpu.memory_space<hbm>> -> memref<1x128xi32, #tpu.memory_space<hbm>>
        tpu.enqueue_dma source(%dma_start3A_284 : memref<1x128xi32, #tpu.memory_space<hbm>>) target(%dma_start3A_282 : memref<1x128xi32, #tpu.memory_space<vmem>>) target_semaphore(%run_scoped3A_272 : memref<!tpu.dma_semaphore, #tpu.memory_space<semaphore_mem>>)
        %dma_wait3A_285 = arith.constant 0 : i32
        %dma_wait3A_286 = arith.constant 0 : i32
        %dma_wait3A_287 = tpu.memref_slice %arg6[%run_scoped3A_254, %dma_wait3A_285, %dma_wait3A_286] : memref<2x1x128xi32, #tpu.memory_space<vmem>> -> memref<1x1x128xi32, #tpu.memory_space<vmem>>
        %dma_wait3A_288 = tpu.memref_squeeze %dma_wait3A_287 : memref<1x1x128xi32, #tpu.memory_space<vmem>> -> memref<1x128xi32, #tpu.memory_space<vmem>>
        %dma_wait3A_289 = arith.constant 0 : i32
        %dma_wait3A_290 = tpu.memref_slice %arg3[%add3A_253, %dma_wait3A_289] : memref<2560x128xi32, #tpu.memory_space<hbm>> -> memref<1x128xi32, #tpu.memory_space<hbm>>
        %dma_wait3A_291 = arith.constant 0 : i32
        %dma_wait3A_292 = arith.constant 0 : i32
        %dma_wait3A_293 = tpu.memref_slice %arg6[%run_scoped3A_254, %dma_wait3A_291, %dma_wait3A_292] : memref<2x1x128xi32, #tpu.memory_space<vmem>> -> memref<1x1x128xi32, #tpu.memory_space<vmem>>
        %dma_wait3A_294 = tpu.memref_squeeze %dma_wait3A_293 : memref<1x1x128xi32, #tpu.memory_space<vmem>> -> memref<1x128xi32, #tpu.memory_space<vmem>>
        %dma_wait3A_295 = arith.constant 0 : i32
        %dma_wait3A_296 = tpu.memref_slice %arg3[%add3A_253, %dma_wait3A_295] : memref<2560x128xi32, #tpu.memory_space<hbm>> -> memref<1x128xi32, #tpu.memory_space<hbm>>
        tpu.wait_dma2 semaphore(%run_scoped3A_272 : memref<!tpu.dma_semaphore, #tpu.memory_space<semaphore_mem>>) src(%dma_wait3A_296 : memref<1x128xi32, #tpu.memory_space<hbm>>) dst(%dma_wait3A_294 : memref<1x128xi32, #tpu.memory_space<vmem>>)
        tpu.yield
      }) : () -> ()
      %run_scoped3A_255 = arith.constant 0 : i32
      "tpu.region"() ({
        %run_scoped3A_272 = tpu.sem_alloc : memref<!tpu.dma_semaphore, #tpu.memory_space<semaphore_mem>>
        %dma_start3A_273 = arith.constant 0 : i32
        %dma_start3A_274 = arith.constant 0 : i32
        %dma_start3A_275 = tpu.memref_slice %arg7[%run_scoped3A_255, %dma_start3A_273, %dma_start3A_274] : memref<2x1x128xi32, #tpu.memory_space<vmem>> -> memref<1x1x128xi32, #tpu.memory_space<vmem>>
        %dma_start3A_276 = tpu.memref_squeeze %dma_start3A_275 : memref<1x1x128xi32, #tpu.memory_space<vmem>> -> memref<1x128xi32, #tpu.memory_space<vmem>>
        %dma_start3A_277 = arith.constant 0 : i32
        %dma_start3A_278 = tpu.memref_slice %arg4[%add3A_253, %dma_start3A_277] : memref<2560x128xi32, #tpu.memory_space<hbm>> -> memref<1x128xi32, #tpu.memory_space<hbm>>
        %dma_start3A_279 = arith.constant 0 : i32
        %dma_start3A_280 = arith.constant 0 : i32
        %dma_start3A_281 = tpu.memref_slice %arg7[%run_scoped3A_255, %dma_start3A_279, %dma_start3A_280] : memref<2x1x128xi32, #tpu.memory_space<vmem>> -> memref<1x1x128xi32, #tpu.memory_space<vmem>>
        %dma_start3A_282 = tpu.memref_squeeze %dma_start3A_281 : memref<1x1x128xi32, #tpu.memory_space<vmem>> -> memref<1x128xi32, #tpu.memory_space<vmem>>
        %dma_start3A_283 = arith.constant 0 : i32
        %dma_start3A_284 = tpu.memref_slice %arg4[%add3A_253, %dma_start3A_283] : memref<2560x128xi32, #tpu.memory_space<hbm>> -> memref<1x128xi32, #tpu.memory_space<hbm>>
        tpu.enqueue_dma source(%dma_start3A_284 : memref<1x128xi32, #tpu.memory_space<hbm>>) target(%dma_start3A_282 : memref<1x128xi32, #tpu.memory_space<vmem>>) target_semaphore(%run_scoped3A_272 : memref<!tpu.dma_semaphore, #tpu.memory_space<semaphore_mem>>)
        %dma_wait3A_285 = arith.constant 0 : i32
        %dma_wait3A_286 = arith.constant 0 : i32
        %dma_wait3A_287 = tpu.memref_slice %arg7[%run_scoped3A_255, %dma_wait3A_285, %dma_wait3A_286] : memref<2x1x128xi32, #tpu.memory_space<vmem>> -> memref<1x1x128xi32, #tpu.memory_space<vmem>>
        %dma_wait3A_288 = tpu.memref_squeeze %dma_wait3A_287 : memref<1x1x128xi32, #tpu.memory_space<vmem>> -> memref<1x128xi32, #tpu.memory_space<vmem>>
        %dma_wait3A_289 = arith.constant 0 : i32
        %dma_wait3A_290 = tpu.memref_slice %arg4[%add3A_253, %dma_wait3A_289] : memref<2560x128xi32, #tpu.memory_space<hbm>> -> memref<1x128xi32, #tpu.memory_space<hbm>>
        %dma_wait3A_291 = arith.constant 0 : i32
        %dma_wait3A_292 = arith.constant 0 : i32
        %dma_wait3A_293 = tpu.memref_slice %arg7[%run_scoped3A_255, %dma_wait3A_291, %dma_wait3A_292] : memref<2x1x128xi32, #tpu.memory_space<vmem>> -> memref<1x1x128xi32, #tpu.memory_space<vmem>>
        %dma_wait3A_294 = tpu.memref_squeeze %dma_wait3A_293 : memref<1x1x128xi32, #tpu.memory_space<vmem>> -> memref<1x128xi32, #tpu.memory_space<vmem>>
        %dma_wait3A_295 = arith.constant 0 : i32
        %dma_wait3A_296 = tpu.memref_slice %arg4[%add3A_253, %dma_wait3A_295] : memref<2560x128xi32, #tpu.memory_space<hbm>> -> memref<1x128xi32, #tpu.memory_space<hbm>>
        tpu.wait_dma2 semaphore(%run_scoped3A_272 : memref<!tpu.dma_semaphore, #tpu.memory_space<semaphore_mem>>) src(%dma_wait3A_296 : memref<1x128xi32, #tpu.memory_space<hbm>>) dst(%dma_wait3A_294 : memref<1x128xi32, #tpu.memory_space<vmem>>)
        tpu.yield
      }) : () -> ()
      %dma_start3A_256 = arith.constant 0 : i32
      %dma_start3A_257 = arith.constant 0 : i32
      %dma_start3A_258 = arith.constant 0 : i32
      %dma_start3A_259 = tpu.memref_slice %arg6[%dma_start3A_256, %dma_start3A_257, %dma_start3A_258] : memref<2x1x128xi32, #tpu.memory_space<vmem>> -> memref<1x1x128xi32, #tpu.memory_space<vmem>>
      %dma_start3A_260 = tpu.memref_squeeze %dma_start3A_259 : memref<1x1x128xi32, #tpu.memory_space<vmem>> -> memref<128xi32, #tpu.memory_space<vmem>>
      %dma_start3A_261 = arith.constant 0 : i32
      %dma_start3A_262 = arith.constant 0 : i32
      %dma_start3A_263 = tpu.memref_slice %arg2[%dma_start3A_261, %dma_start3A_262] : memref<10000x144xf32, #tpu.memory_space<hbm>> -> memref<10000x144xf32, #tpu.memory_space<hbm>>
      tpu.enqueue_indirect_dma source(%dma_start3A_263 : memref<10000x144xf32, #tpu.memory_space<hbm>>) target(%arg8 : memref<128x144xf32, #tpu.memory_space<vmem>>) offsets(%dma_start3A_260 : memref<128xi32, #tpu.memory_space<vmem>>) semaphore(%arg10 : memref<!tpu.dma_semaphore, #tpu.memory_space<semaphore_mem>>)
      %dma_start3A_264 = arith.constant 1 : i32
      %dma_start3A_265 = arith.constant 0 : i32
      %dma_start3A_266 = arith.constant 0 : i32
      %dma_start3A_267 = tpu.memref_slice %arg7[%dma_start3A_264, %dma_start3A_265, %dma_start3A_266] : memref<2x1x128xi32, #tpu.memory_space<vmem>> -> memref<1x1x128xi32, #tpu.memory_space<vmem>>
      %dma_start3A_268 = tpu.memref_squeeze %dma_start3A_267 : memref<1x1x128xi32, #tpu.memory_space<vmem>> -> memref<128xi32, #tpu.memory_space<vmem>>
      %dma_start3A_269 = arith.constant 0 : i32
      %dma_start3A_270 = arith.constant 0 : i32
      %dma_start3A_271 = tpu.memref_slice %arg12[%dma_start3A_269, %dma_start3A_270] : memref<10240x144xf32, #tpu.memory_space<vmem_shared>> -> memref<10240x144xf32, #tpu.memory_space<vmem_shared>>
      tpu.enqueue_indirect_dma source(%arg9 : memref<128x144xf32, #tpu.memory_space<vmem>>) target(%dma_start3A_271 : memref<10240x144xf32, #tpu.memory_space<vmem_shared>>) offsets(%dma_start3A_268 : memref<128xi32, #tpu.memory_space<vmem>>) semaphore(%arg11 : memref<!tpu.dma_semaphore, #tpu.memory_space<semaphore_mem>>) {add = true}
    }
    %while3A_164 = arith.constant 1 : i32
    scf.for %while3A_185 = %while3A_162 to %while3A_158 step %while3A_164  : i32 {
      %mul3A_186 = arith.constant 2 : i32
      %mul3A_187 = arith.muli %mul3A_186, %while3A_185 : i32
      %dma_wait3A_188 = arith.constant 0 : i32
      %dma_wait3A_189 = arith.constant 0 : i32
      %dma_wait3A_190 = arith.constant 0 : i32
      %dma_wait3A_191 = tpu.memref_slice %arg6[%dma_wait3A_188, %dma_wait3A_189, %dma_wait3A_190] : memref<2x1x128xi32, #tpu.memory_space<vmem>> -> memref<1x1x128xi32, #tpu.memory_space<vmem>>
      %dma_wait3A_192 = tpu.memref_squeeze %dma_wait3A_191 : memref<1x1x128xi32, #tpu.memory_space<vmem>> -> memref<128xi32, #tpu.memory_space<vmem>>
      %dma_wait3A_193 = arith.constant 0 : i32
      %dma_wait3A_194 = arith.constant 0 : i32
      %dma_wait3A_195 = tpu.memref_slice %arg2[%dma_wait3A_193, %dma_wait3A_194] : memref<10000x144xf32, #tpu.memory_space<hbm>> -> memref<10000x144xf32, #tpu.memory_space<hbm>>
      tpu.wait_indirect_dma semaphore(%arg10 : memref<!tpu.dma_semaphore, #tpu.memory_space<semaphore_mem>>) src(%dma_wait3A_195 : memref<10000x144xf32, #tpu.memory_space<hbm>>) dst(%arg8 : memref<128x144xf32, #tpu.memory_space<vmem>>)
      %dma_wait3A_196 = arith.constant 1 : i32
      %dma_wait3A_197 = arith.constant 0 : i32
      %dma_wait3A_198 = arith.constant 0 : i32
      %dma_wait3A_199 = tpu.memref_slice %arg7[%dma_wait3A_196, %dma_wait3A_197, %dma_wait3A_198] : memref<2x1x128xi32, #tpu.memory_space<vmem>> -> memref<1x1x128xi32, #tpu.memory_space<vmem>>
      %dma_wait3A_200 = tpu.memref_squeeze %dma_wait3A_199 : memref<1x1x128xi32, #tpu.memory_space<vmem>> -> memref<128xi32, #tpu.memory_space<vmem>>
      %dma_wait3A_201 = arith.constant 0 : i32
      %dma_wait3A_202 = arith.constant 0 : i32
      %dma_wait3A_203 = tpu.memref_slice %arg12[%dma_wait3A_201, %dma_wait3A_202] : memref<10240x144xf32, #tpu.memory_space<vmem_shared>> -> memref<10240x144xf32, #tpu.memory_space<vmem_shared>>
      tpu.wait_indirect_dma semaphore(%arg11 : memref<!tpu.dma_semaphore, #tpu.memory_space<semaphore_mem>>) src(%arg9 : memref<128x144xf32, #tpu.memory_space<vmem>>) dst(%dma_wait3A_203 : memref<10240x144xf32, #tpu.memory_space<vmem_shared>>)
      %add3A_204 = arith.constant 1 : i32
      %add3A_205 = arith.addi %mul3A_187, %add3A_204 : i32
      %rem3A_206 = arith.remsi %add3A_205, %select_n3A : i32
      %mul3A_207 = arith.constant 1 : i32
      %mul3A_208 = arith.muli %rem3A_206, %mul3A_207 : i32
      %add3A_209 = arith.addi %select_n3A_8, %mul3A_208 : i32
      %run_scoped3A_210 = arith.constant 1 : i32
      "tpu.region"() ({
        %run_scoped3A_272 = tpu.sem_alloc : memref<!tpu.dma_semaphore, #tpu.memory_space<semaphore_mem>>
        %dma_start3A_273 = arith.constant 0 : i32
        %dma_start3A_274 = arith.constant 0 : i32
        %dma_start3A_275 = tpu.memref_slice %arg6[%run_scoped3A_210, %dma_start3A_273, %dma_start3A_274] : memref<2x1x128xi32, #tpu.memory_space<vmem>> -> memref<1x1x128xi32, #tpu.memory_space<vmem>>
        %dma_start3A_276 = tpu.memref_squeeze %dma_start3A_275 : memref<1x1x128xi32, #tpu.memory_space<vmem>> -> memref<1x128xi32, #tpu.memory_space<vmem>>
        %dma_start3A_277 = arith.constant 0 : i32
        %dma_start3A_278 = tpu.memref_slice %arg3[%add3A_209, %dma_start3A_277] : memref<2560x128xi32, #tpu.memory_space<hbm>> -> memref<1x128xi32, #tpu.memory_space<hbm>>
        %dma_start3A_279 = arith.constant 0 : i32
        %dma_start3A_280 = arith.constant 0 : i32
        %dma_start3A_281 = tpu.memref_slice %arg6[%run_scoped3A_210, %dma_start3A_279, %dma_start3A_280] : memref<2x1x128xi32, #tpu.memory_space<vmem>> -> memref<1x1x128xi32, #tpu.memory_space<vmem>>
        %dma_start3A_282 = tpu.memref_squeeze %dma_start3A_281 : memref<1x1x128xi32, #tpu.memory_space<vmem>> -> memref<1x128xi32, #tpu.memory_space<vmem>>
        %dma_start3A_283 = arith.constant 0 : i32
        %dma_start3A_284 = tpu.memref_slice %arg3[%add3A_209, %dma_start3A_283] : memref<2560x128xi32, #tpu.memory_space<hbm>> -> memref<1x128xi32, #tpu.memory_space<hbm>>
        tpu.enqueue_dma source(%dma_start3A_284 : memref<1x128xi32, #tpu.memory_space<hbm>>) target(%dma_start3A_282 : memref<1x128xi32, #tpu.memory_space<vmem>>) target_semaphore(%run_scoped3A_272 : memref<!tpu.dma_semaphore, #tpu.memory_space<semaphore_mem>>)
        %dma_wait3A_285 = arith.constant 0 : i32
        %dma_wait3A_286 = arith.constant 0 : i32
        %dma_wait3A_287 = tpu.memref_slice %arg6[%run_scoped3A_210, %dma_wait3A_285, %dma_wait3A_286] : memref<2x1x128xi32, #tpu.memory_space<vmem>> -> memref<1x1x128xi32, #tpu.memory_space<vmem>>
        %dma_wait3A_288 = tpu.memref_squeeze %dma_wait3A_287 : memref<1x1x128xi32, #tpu.memory_space<vmem>> -> memref<1x128xi32, #tpu.memory_space<vmem>>
        %dma_wait3A_289 = arith.constant 0 : i32
        %dma_wait3A_290 = tpu.memref_slice %arg3[%add3A_209, %dma_wait3A_289] : memref<2560x128xi32, #tpu.memory_space<hbm>> -> memref<1x128xi32, #tpu.memory_space<hbm>>
        %dma_wait3A_291 = arith.constant 0 : i32
        %dma_wait3A_292 = arith.constant 0 : i32
        %dma_wait3A_293 = tpu.memref_slice %arg6[%run_scoped3A_210, %dma_wait3A_291, %dma_wait3A_292] : memref<2x1x128xi32, #tpu.memory_space<vmem>> -> memref<1x1x128xi32, #tpu.memory_space<vmem>>
        %dma_wait3A_294 = tpu.memref_squeeze %dma_wait3A_293 : memref<1x1x128xi32, #tpu.memory_space<vmem>> -> memref<1x128xi32, #tpu.memory_space<vmem>>
        %dma_wait3A_295 = arith.constant 0 : i32
        %dma_wait3A_296 = tpu.memref_slice %arg3[%add3A_209, %dma_wait3A_295] : memref<2560x128xi32, #tpu.memory_space<hbm>> -> memref<1x128xi32, #tpu.memory_space<hbm>>
        tpu.wait_dma2 semaphore(%run_scoped3A_272 : memref<!tpu.dma_semaphore, #tpu.memory_space<semaphore_mem>>) src(%dma_wait3A_296 : memref<1x128xi32, #tpu.memory_space<hbm>>) dst(%dma_wait3A_294 : memref<1x128xi32, #tpu.memory_space<vmem>>)
        tpu.yield
      }) : () -> ()
      %run_scoped3A_211 = arith.constant 1 : i32
      "tpu.region"() ({
        %run_scoped3A_272 = tpu.sem_alloc : memref<!tpu.dma_semaphore, #tpu.memory_space<semaphore_mem>>
        %dma_start3A_273 = arith.constant 0 : i32
        %dma_start3A_274 = arith.constant 0 : i32
        %dma_start3A_275 = tpu.memref_slice %arg7[%run_scoped3A_211, %dma_start3A_273, %dma_start3A_274] : memref<2x1x128xi32, #tpu.memory_space<vmem>> -> memref<1x1x128xi32, #tpu.memory_space<vmem>>
        %dma_start3A_276 = tpu.memref_squeeze %dma_start3A_275 : memref<1x1x128xi32, #tpu.memory_space<vmem>> -> memref<1x128xi32, #tpu.memory_space<vmem>>
        %dma_start3A_277 = arith.constant 0 : i32
        %dma_start3A_278 = tpu.memref_slice %arg4[%add3A_209, %dma_start3A_277] : memref<2560x128xi32, #tpu.memory_space<hbm>> -> memref<1x128xi32, #tpu.memory_space<hbm>>
        %dma_start3A_279 = arith.constant 0 : i32
        %dma_start3A_280 = arith.constant 0 : i32
        %dma_start3A_281 = tpu.memref_slice %arg7[%run_scoped3A_211, %dma_start3A_279, %dma_start3A_280] : memref<2x1x128xi32, #tpu.memory_space<vmem>> -> memref<1x1x128xi32, #tpu.memory_space<vmem>>
        %dma_start3A_282 = tpu.memref_squeeze %dma_start3A_281 : memref<1x1x128xi32, #tpu.memory_space<vmem>> -> memref<1x128xi32, #tpu.memory_space<vmem>>
        %dma_start3A_283 = arith.constant 0 : i32
        %dma_start3A_284 = tpu.memref_slice %arg4[%add3A_209, %dma_start3A_283] : memref<2560x128xi32, #tpu.memory_space<hbm>> -> memref<1x128xi32, #tpu.memory_space<hbm>>
        tpu.enqueue_dma source(%dma_start3A_284 : memref<1x128xi32, #tpu.memory_space<hbm>>) target(%dma_start3A_282 : memref<1x128xi32, #tpu.memory_space<vmem>>) target_semaphore(%run_scoped3A_272 : memref<!tpu.dma_semaphore, #tpu.memory_space<semaphore_mem>>)
        %dma_wait3A_285 = arith.constant 0 : i32
        %dma_wait3A_286 = arith.constant 0 : i32
        %dma_wait3A_287 = tpu.memref_slice %arg7[%run_scoped3A_211, %dma_wait3A_285, %dma_wait3A_286] : memref<2x1x128xi32, #tpu.memory_space<vmem>> -> memref<1x1x128xi32, #tpu.memory_space<vmem>>
        %dma_wait3A_288 = tpu.memref_squeeze %dma_wait3A_287 : memref<1x1x128xi32, #tpu.memory_space<vmem>> -> memref<1x128xi32, #tpu.memory_space<vmem>>
        %dma_wait3A_289 = arith.constant 0 : i32
        %dma_wait3A_290 = tpu.memref_slice %arg4[%add3A_209, %dma_wait3A_289] : memref<2560x128xi32, #tpu.memory_space<hbm>> -> memref<1x128xi32, #tpu.memory_space<hbm>>
        %dma_wait3A_291 = arith.constant 0 : i32
        %dma_wait3A_292 = arith.constant 0 : i32
        %dma_wait3A_293 = tpu.memref_slice %arg7[%run_scoped3A_211, %dma_wait3A_291, %dma_wait3A_292] : memref<2x1x128xi32, #tpu.memory_space<vmem>> -> memref<1x1x128xi32, #tpu.memory_space<vmem>>
        %dma_wait3A_294 = tpu.memref_squeeze %dma_wait3A_293 : memref<1x1x128xi32, #tpu.memory_space<vmem>> -> memref<1x128xi32, #tpu.memory_space<vmem>>
        %dma_wait3A_295 = arith.constant 0 : i32
        %dma_wait3A_296 = tpu.memref_slice %arg4[%add3A_209, %dma_wait3A_295] : memref<2560x128xi32, #tpu.memory_space<hbm>> -> memref<1x128xi32, #tpu.memory_space<hbm>>
        tpu.wait_dma2 semaphore(%run_scoped3A_272 : memref<!tpu.dma_semaphore, #tpu.memory_space<semaphore_mem>>) src(%dma_wait3A_296 : memref<1x128xi32, #tpu.memory_space<hbm>>) dst(%dma_wait3A_294 : memref<1x128xi32, #tpu.memory_space<vmem>>)
        tpu.yield
      }) : () -> ()
      %dma_start3A_212 = arith.constant 1 : i32
      %dma_start3A_213 = arith.constant 0 : i32
      %dma_start3A_214 = arith.constant 0 : i32
      %dma_start3A_215 = tpu.memref_slice %arg6[%dma_start3A_212, %dma_start3A_213, %dma_start3A_214] : memref<2x1x128xi32, #tpu.memory_space<vmem>> -> memref<1x1x128xi32, #tpu.memory_space<vmem>>
      %dma_start3A_216 = tpu.memref_squeeze %dma_start3A_215 : memref<1x1x128xi32, #tpu.memory_space<vmem>> -> memref<128xi32, #tpu.memory_space<vmem>>
      %dma_start3A_217 = arith.constant 0 : i32
      %dma_start3A_218 = arith.constant 0 : i32
      %dma_start3A_219 = tpu.memref_slice %arg2[%dma_start3A_217, %dma_start3A_218] : memref<10000x144xf32, #tpu.memory_space<hbm>> -> memref<10000x144xf32, #tpu.memory_space<hbm>>
      tpu.enqueue_indirect_dma source(%dma_start3A_219 : memref<10000x144xf32, #tpu.memory_space<hbm>>) target(%arg9 : memref<128x144xf32, #tpu.memory_space<vmem>>) offsets(%dma_start3A_216 : memref<128xi32, #tpu.memory_space<vmem>>) semaphore(%arg11 : memref<!tpu.dma_semaphore, #tpu.memory_space<semaphore_mem>>)
      %dma_start3A_220 = arith.constant 0 : i32
      %dma_start3A_221 = arith.constant 0 : i32
      %dma_start3A_222 = arith.constant 0 : i32
      %dma_start3A_223 = tpu.memref_slice %arg7[%dma_start3A_220, %dma_start3A_221, %dma_start3A_222] : memref<2x1x128xi32, #tpu.memory_space<vmem>> -> memref<1x1x128xi32, #tpu.memory_space<vmem>>
      %dma_start3A_224 = tpu.memref_squeeze %dma_start3A_223 : memref<1x1x128xi32, #tpu.memory_space<vmem>> -> memref<128xi32, #tpu.memory_space<vmem>>
      %dma_start3A_225 = arith.constant 0 : i32
      %dma_start3A_226 = arith.constant 0 : i32
      %dma_start3A_227 = tpu.memref_slice %arg12[%dma_start3A_225, %dma_start3A_226] : memref<10240x144xf32, #tpu.memory_space<vmem_shared>> -> memref<10240x144xf32, #tpu.memory_space<vmem_shared>>
      tpu.enqueue_indirect_dma source(%arg8 : memref<128x144xf32, #tpu.memory_space<vmem>>) target(%dma_start3A_227 : memref<10240x144xf32, #tpu.memory_space<vmem_shared>>) offsets(%dma_start3A_224 : memref<128xi32, #tpu.memory_space<vmem>>) semaphore(%arg10 : memref<!tpu.dma_semaphore, #tpu.memory_space<semaphore_mem>>) {add = true}
      %mul3A_228 = arith.constant 2 : i32
      %mul3A_229 = arith.muli %mul3A_228, %while3A_185 : i32
      %add3A_230 = arith.constant 1 : i32
      %add3A_231 = arith.addi %mul3A_229, %add3A_230 : i32
      %dma_wait3A_232 = arith.constant 1 : i32
      %dma_wait3A_233 = arith.constant 0 : i32
      %dma_wait3A_234 = arith.constant 0 : i32
      %dma_wait3A_235 = tpu.memref_slice %arg6[%dma_wait3A_232, %dma_wait3A_233, %dma_wait3A_234] : memref<2x1x128xi32, #tpu.memory_space<vmem>> -> memref<1x1x128xi32, #tpu.memory_space<vmem>>
      %dma_wait3A_236 = tpu.memref_squeeze %dma_wait3A_235 : memref<1x1x128xi32, #tpu.memory_space<vmem>> -> memref<128xi32, #tpu.memory_space<vmem>>
      %dma_wait3A_237 = arith.constant 0 : i32
      %dma_wait3A_238 = arith.constant 0 : i32
      %dma_wait3A_239 = tpu.memref_slice %arg2[%dma_wait3A_237, %dma_wait3A_238] : memref<10000x144xf32, #tpu.memory_space<hbm>> -> memref<10000x144xf32, #tpu.memory_space<hbm>>
      tpu.wait_indirect_dma semaphore(%arg11 : memref<!tpu.dma_semaphore, #tpu.memory_space<semaphore_mem>>) src(%dma_wait3A_239 : memref<10000x144xf32, #tpu.memory_space<hbm>>) dst(%arg9 : memref<128x144xf32, #tpu.memory_space<vmem>>)
      %dma_wait3A_240 = arith.constant 0 : i32
      %dma_wait3A_241 = arith.constant 0 : i32
      %dma_wait3A_242 = arith.constant 0 : i32
      %dma_wait3A_243 = tpu.memref_slice %arg7[%dma_wait3A_240, %dma_wait3A_241, %dma_wait3A_242] : memref<2x1x128xi32, #tpu.memory_space<vmem>> -> memref<1x1x128xi32, #tpu.memory_space<vmem>>
      %dma_wait3A_244 = tpu.memref_squeeze %dma_wait3A_243 : memref<1x1x128xi32, #tpu.memory_space<vmem>> -> memref<128xi32, #tpu.memory_space<vmem>>
      %dma_wait3A_245 = arith.constant 0 : i32
      %dma_wait3A_246 = arith.constant 0 : i32
      %dma_wait3A_247 = tpu.memref_slice %arg12[%dma_wait3A_245, %dma_wait3A_246] : memref<10240x144xf32, #tpu.memory_space<vmem_shared>> -> memref<10240x144xf32, #tpu.memory_space<vmem_shared>>
      tpu.wait_indirect_dma semaphore(%arg10 : memref<!tpu.dma_semaphore, #tpu.memory_space<semaphore_mem>>) src(%arg8 : memref<128x144xf32, #tpu.memory_space<vmem>>) dst(%dma_wait3A_247 : memref<10240x144xf32, #tpu.memory_space<vmem_shared>>)
      %add3A_248 = arith.constant 1 : i32
      %add3A_249 = arith.addi %add3A_231, %add3A_248 : i32
      %rem3A_250 = arith.remsi %add3A_249, %select_n3A : i32
      %mul3A_251 = arith.constant 1 : i32
      %mul3A_252 = arith.muli %rem3A_250, %mul3A_251 : i32
      %add3A_253 = arith.addi %select_n3A_8, %mul3A_252 : i32
      %run_scoped3A_254 = arith.constant 0 : i32
      "tpu.region"() ({
        %run_scoped3A_272 = tpu.sem_alloc : memref<!tpu.dma_semaphore, #tpu.memory_space<semaphore_mem>>
        %dma_start3A_273 = arith.constant 0 : i32
        %dma_start3A_274 = arith.constant 0 : i32
        %dma_start3A_275 = tpu.memref_slice %arg6[%run_scoped3A_254, %dma_start3A_273, %dma_start3A_274] : memref<2x1x128xi32, #tpu.memory_space<vmem>> -> memref<1x1x128xi32, #tpu.memory_space<vmem>>
        %dma_start3A_276 = tpu.memref_squeeze %dma_start3A_275 : memref<1x1x128xi32, #tpu.memory_space<vmem>> -> memref<1x128xi32, #tpu.memory_space<vmem>>
        %dma_start3A_277 = arith.constant 0 : i32
        %dma_start3A_278 = tpu.memref_slice %arg3[%add3A_253, %dma_start3A_277] : memref<2560x128xi32, #tpu.memory_space<hbm>> -> memref<1x128xi32, #tpu.memory_space<hbm>>
        %dma_start3A_279 = arith.constant 0 : i32
        %dma_start3A_280 = arith.constant 0 : i32
        %dma_start3A_281 = tpu.memref_slice %arg6[%run_scoped3A_254, %dma_start3A_279, %dma_start3A_280] : memref<2x1x128xi32, #tpu.memory_space<vmem>> -> memref<1x1x128xi32, #tpu.memory_space<vmem>>
        %dma_start3A_282 = tpu.memref_squeeze %dma_start3A_281 : memref<1x1x128xi32, #tpu.memory_space<vmem>> -> memref<1x128xi32, #tpu.memory_space<vmem>>
        %dma_start3A_283 = arith.constant 0 : i32
        %dma_start3A_284 = tpu.memref_slice %arg3[%add3A_253, %dma_start3A_283] : memref<2560x128xi32, #tpu.memory_space<hbm>> -> memref<1x128xi32, #tpu.memory_space<hbm>>
        tpu.enqueue_dma source(%dma_start3A_284 : memref<1x128xi32, #tpu.memory_space<hbm>>) target(%dma_start3A_282 : memref<1x128xi32, #tpu.memory_space<vmem>>) target_semaphore(%run_scoped3A_272 : memref<!tpu.dma_semaphore, #tpu.memory_space<semaphore_mem>>)
        %dma_wait3A_285 = arith.constant 0 : i32
        %dma_wait3A_286 = arith.constant 0 : i32
        %dma_wait3A_287 = tpu.memref_slice %arg6[%run_scoped3A_254, %dma_wait3A_285, %dma_wait3A_286] : memref<2x1x128xi32, #tpu.memory_space<vmem>> -> memref<1x1x128xi32, #tpu.memory_space<vmem>>
        %dma_wait3A_288 = tpu.memref_squeeze %dma_wait3A_287 : memref<1x1x128xi32, #tpu.memory_space<vmem>> -> memref<1x128xi32, #tpu.memory_space<vmem>>
        %dma_wait3A_289 = arith.constant 0 : i32
        %dma_wait3A_290 = tpu.memref_slice %arg3[%add3A_253, %dma_wait3A_289] : memref<2560x128xi32, #tpu.memory_space<hbm>> -> memref<1x128xi32, #tpu.memory_space<hbm>>
        %dma_wait3A_291 = arith.constant 0 : i32
        %dma_wait3A_292 = arith.constant 0 : i32
        %dma_wait3A_293 = tpu.memref_slice %arg6[%run_scoped3A_254, %dma_wait3A_291, %dma_wait3A_292] : memref<2x1x128xi32, #tpu.memory_space<vmem>> -> memref<1x1x128xi32, #tpu.memory_space<vmem>>
        %dma_wait3A_294 = tpu.memref_squeeze %dma_wait3A_293 : memref<1x1x128xi32, #tpu.memory_space<vmem>> -> memref<1x128xi32, #tpu.memory_space<vmem>>
        %dma_wait3A_295 = arith.constant 0 : i32
        %dma_wait3A_296 = tpu.memref_slice %arg3[%add3A_253, %dma_wait3A_295] : memref<2560x128xi32, #tpu.memory_space<hbm>> -> memref<1x128xi32, #tpu.memory_space<hbm>>
        tpu.wait_dma2 semaphore(%run_scoped3A_272 : memref<!tpu.dma_semaphore, #tpu.memory_space<semaphore_mem>>) src(%dma_wait3A_296 : memref<1x128xi32, #tpu.memory_space<hbm>>) dst(%dma_wait3A_294 : memref<1x128xi32, #tpu.memory_space<vmem>>)
        tpu.yield
      }) : () -> ()
      %run_scoped3A_255 = arith.constant 0 : i32
      "tpu.region"() ({
        %run_scoped3A_272 = tpu.sem_alloc : memref<!tpu.dma_semaphore, #tpu.memory_space<semaphore_mem>>
        %dma_start3A_273 = arith.constant 0 : i32
        %dma_start3A_274 = arith.constant 0 : i32
        %dma_start3A_275 = tpu.memref_slice %arg7[%run_scoped3A_255, %dma_start3A_273, %dma_start3A_274] : memref<2x1x128xi32, #tpu.memory_space<vmem>> -> memref<1x1x128xi32, #tpu.memory_space<vmem>>
        %dma_start3A_276 = tpu.memref_squeeze %dma_start3A_275 : memref<1x1x128xi32, #tpu.memory_space<vmem>> -> memref<1x128xi32, #tpu.memory_space<vmem>>
        %dma_start3A_277 = arith.constant 0 : i32
        %dma_start3A_278 = tpu.memref_slice %arg4[%add3A_253, %dma_start3A_277] : memref<2560x128xi32, #tpu.memory_space<hbm>> -> memref<1x128xi32, #tpu.memory_space<hbm>>
        %dma_start3A_279 = arith.constant 0 : i32
        %dma_start3A_280 = arith.constant 0 : i32
        %dma_start3A_281 = tpu.memref_slice %arg7[%run_scoped3A_255, %dma_start3A_279, %dma_start3A_280] : memref<2x1x128xi32, #tpu.memory_space<vmem>> -> memref<1x1x128xi32, #tpu.memory_space<vmem>>
        %dma_start3A_282 = tpu.memref_squeeze %dma_start3A_281 : memref<1x1x128xi32, #tpu.memory_space<vmem>> -> memref<1x128xi32, #tpu.memory_space<vmem>>
        %dma_start3A_283 = arith.constant 0 : i32
        %dma_start3A_284 = tpu.memref_slice %arg4[%add3A_253, %dma_start3A_283] : memref<2560x128xi32, #tpu.memory_space<hbm>> -> memref<1x128xi32, #tpu.memory_space<hbm>>
        tpu.enqueue_dma source(%dma_start3A_284 : memref<1x128xi32, #tpu.memory_space<hbm>>) target(%dma_start3A_282 : memref<1x128xi32, #tpu.memory_space<vmem>>) target_semaphore(%run_scoped3A_272 : memref<!tpu.dma_semaphore, #tpu.memory_space<semaphore_mem>>)
        %dma_wait3A_285 = arith.constant 0 : i32
        %dma_wait3A_286 = arith.constant 0 : i32
        %dma_wait3A_287 = tpu.memref_slice %arg7[%run_scoped3A_255, %dma_wait3A_285, %dma_wait3A_286] : memref<2x1x128xi32, #tpu.memory_space<vmem>> -> memref<1x1x128xi32, #tpu.memory_space<vmem>>
        %dma_wait3A_288 = tpu.memref_squeeze %dma_wait3A_287 : memref<1x1x128xi32, #tpu.memory_space<vmem>> -> memref<1x128xi32, #tpu.memory_space<vmem>>
        %dma_wait3A_289 = arith.constant 0 : i32
        %dma_wait3A_290 = tpu.memref_slice %arg4[%add3A_253, %dma_wait3A_289] : memref<2560x128xi32, #tpu.memory_space<hbm>> -> memref<1x128xi32, #tpu.memory_space<hbm>>
        %dma_wait3A_291 = arith.constant 0 : i32
        %dma_wait3A_292 = arith.constant 0 : i32
        %dma_wait3A_293 = tpu.memref_slice %arg7[%run_scoped3A_255, %dma_wait3A_291, %dma_wait3A_292] : memref<2x1x128xi32, #tpu.memory_space<vmem>> -> memref<1x1x128xi32, #tpu.memory_space<vmem>>
        %dma_wait3A_294 = tpu.memref_squeeze %dma_wait3A_293 : memref<1x1x128xi32, #tpu.memory_space<vmem>> -> memref<1x128xi32, #tpu.memory_space<vmem>>
        %dma_wait3A_295 = arith.constant 0 : i32
        %dma_wait3A_296 = tpu.memref_slice %arg4[%add3A_253, %dma_wait3A_295] : memref<2560x128xi32, #tpu.memory_space<hbm>> -> memref<1x128xi32, #tpu.memory_space<hbm>>
        tpu.wait_dma2 semaphore(%run_scoped3A_272 : memref<!tpu.dma_semaphore, #tpu.memory_space<semaphore_mem>>) src(%dma_wait3A_296 : memref<1x128xi32, #tpu.memory_space<hbm>>) dst(%dma_wait3A_294 : memref<1x128xi32, #tpu.memory_space<vmem>>)
        tpu.yield
      }) : () -> ()
      %dma_start3A_256 = arith.constant 0 : i32
      %dma_start3A_257 = arith.constant 0 : i32
      %dma_start3A_258 = arith.constant 0 : i32
      %dma_start3A_259 = tpu.memref_slice %arg6[%dma_start3A_256, %dma_start3A_257, %dma_start3A_258] : memref<2x1x128xi32, #tpu.memory_space<vmem>> -> memref<1x1x128xi32, #tpu.memory_space<vmem>>
      %dma_start3A_260 = tpu.memref_squeeze %dma_start3A_259 : memref<1x1x128xi32, #tpu.memory_space<vmem>> -> memref<128xi32, #tpu.memory_space<vmem>>
      %dma_start3A_261 = arith.constant 0 : i32
      %dma_start3A_262 = arith.constant 0 : i32
      %dma_start3A_263 = tpu.memref_slice %arg2[%dma_start3A_261, %dma_start3A_262] : memref<10000x144xf32, #tpu.memory_space<hbm>> -> memref<10000x144xf32, #tpu.memory_space<hbm>>
      tpu.enqueue_indirect_dma source(%dma_start3A_263 : memref<10000x144xf32, #tpu.memory_space<hbm>>) target(%arg8 : memref<128x144xf32, #tpu.memory_space<vmem>>) offsets(%dma_start3A_260 : memref<128xi32, #tpu.memory_space<vmem>>) semaphore(%arg10 : memref<!tpu.dma_semaphore, #tpu.memory_space<semaphore_mem>>)
      %dma_start3A_264 = arith.constant 1 : i32
      %dma_start3A_265 = arith.constant 0 : i32
      %dma_start3A_266 = arith.constant 0 : i32
      %dma_start3A_267 = tpu.memref_slice %arg7[%dma_start3A_264, %dma_start3A_265, %dma_start3A_266] : memref<2x1x128xi32, #tpu.memory_space<vmem>> -> memref<1x1x128xi32, #tpu.memory_space<vmem>>
      %dma_start3A_268 = tpu.memref_squeeze %dma_start3A_267 : memref<1x1x128xi32, #tpu.memory_space<vmem>> -> memref<128xi32, #tpu.memory_space<vmem>>
      %dma_start3A_269 = arith.constant 0 : i32
      %dma_start3A_270 = arith.constant 0 : i32
      %dma_start3A_271 = tpu.memref_slice %arg12[%dma_start3A_269, %dma_start3A_270] : memref<10240x144xf32, #tpu.memory_space<vmem_shared>> -> memref<10240x144xf32, #tpu.memory_space<vmem_shared>>
      tpu.enqueue_indirect_dma source(%arg9 : memref<128x144xf32, #tpu.memory_space<vmem>>) target(%dma_start3A_271 : memref<10240x144xf32, #tpu.memory_space<vmem_shared>>) offsets(%dma_start3A_268 : memref<128xi32, #tpu.memory_space<vmem>>) semaphore(%arg11 : memref<!tpu.dma_semaphore, #tpu.memory_space<semaphore_mem>>) {add = true}
    }
    %dma_wait3A = arith.constant 0 : i32
    %dma_wait3A_165 = arith.constant 0 : i32
    %dma_wait3A_166 = arith.constant 0 : i32
    %dma_wait3A_167 = tpu.memref_slice %arg6[%dma_wait3A, %dma_wait3A_165, %dma_wait3A_166] : memref<2x1x128xi32, #tpu.memory_space<vmem>> -> memref<1x1x128xi32, #tpu.memory_space<vmem>>
    %dma_wait3A_168 = tpu.memref_squeeze %dma_wait3A_167 : memref<1x1x128xi32, #tpu.memory_space<vmem>> -> memref<128xi32, #tpu.memory_space<vmem>>
    %dma_wait3A_169 = arith.constant 0 : i32
    %dma_wait3A_170 = arith.constant 0 : i32
    %dma_wait3A_171 = tpu.memref_slice %arg2[%dma_wait3A_169, %dma_wait3A_170] : memref<10000x144xf32, #tpu.memory_space<hbm>> -> memref<10000x144xf32, #tpu.memory_space<hbm>>
    tpu.wait_indirect_dma semaphore(%arg10 : memref<!tpu.dma_semaphore, #tpu.memory_space<semaphore_mem>>) src(%dma_wait3A_171 : memref<10000x144xf32, #tpu.memory_space<hbm>>) dst(%arg8 : memref<128x144xf32, #tpu.memory_space<vmem>>)
    %dma_wait3A_172 = arith.constant 1 : i32
    %dma_wait3A_173 = arith.constant 0 : i32
    %dma_wait3A_174 = arith.constant 0 : i32
    %dma_wait3A_175 = tpu.memref_slice %arg7[%dma_wait3A_172, %dma_wait3A_173, %dma_wait3A_174] : memref<2x1x128xi32, #tpu.memory_space<vmem>> -> memref<1x1x128xi32, #tpu.memory_space<vmem>>
    %dma_wait3A_176 = tpu.memref_squeeze %dma_wait3A_175 : memref<1x1x128xi32, #tpu.memory_space<vmem>> -> memref<128xi32, #tpu.memory_space<vmem>>
    %dma_wait3A_177 = arith.constant 0 : i32
    %dma_wait3A_178 = arith.constant 0 : i32
    %dma_wait3A_179 = tpu.memref_slice %arg12[%dma_wait3A_177, %dma_wait3A_178] : memref<10240x144xf32, #tpu.memory_space<vmem_shared>> -> memref<10240x144xf32, #tpu.memory_space<vmem_shared>>
    tpu.wait_indirect_dma semaphore(%arg11 : memref<!tpu.dma_semaphore, #tpu.memory_space<semaphore_mem>>) src(%arg9 : memref<128x144xf32, #tpu.memory_space<vmem>>) dst(%dma_wait3A_179 : memref<10240x144xf32, #tpu.memory_space<vmem_shared>>)
    %barrier3A_180 = arith.constant 0 : index
    tpu.barrier barrier_id(%barrier3A_180)
    %mul3A_181 = arith.constant 640 : i32
    %mul3A_182 = arith.muli %arg1, %mul3A_181 : i32
    %mul3A_183 = arith.constant 640 : i32
    %mul3A_184 = arith.muli %arg1, %mul3A_183 : i32
    "tpu.region"() ({
      %run_scoped3A_185 = tpu.sem_alloc : memref<!tpu.dma_semaphore, #tpu.memory_space<semaphore_mem>>
      %dma_start3A_186 = arith.constant 0 : i32
      %dma_start3A_187 = tpu.memref_slice %arg5[%arg0, %mul3A_184, %dma_start3A_186] : memref<2x10240x144xf32, #tpu.memory_space<hbm>> -> memref<1x640x144xf32, #tpu.memory_space<hbm>>
      %dma_start3A_188 = tpu.memref_squeeze %dma_start3A_187 : memref<1x640x144xf32, #tpu.memory_space<hbm>> -> memref<640x144xf32, #tpu.memory_space<hbm>>
      %dma_start3A_189 = arith.constant 0 : i32
      %dma_start3A_190 = tpu.memref_slice %arg12[%mul3A_182, %dma_start3A_189] : memref<10240x144xf32, #tpu.memory_space<vmem_shared>> -> memref<640x144xf32, #tpu.memory_space<vmem_shared>>
      tpu.enqueue_dma source(%dma_start3A_190 : memref<640x144xf32, #tpu.memory_space<vmem_shared>>) target(%dma_start3A_188 : memref<640x144xf32, #tpu.memory_space<hbm>>) target_semaphore(%run_scoped3A_185 : memref<!tpu.dma_semaphore, #tpu.memory_space<semaphore_mem>>)
      %dma_wait3A_191 = arith.constant 0 : i32
      %dma_wait3A_192 = tpu.memref_slice %arg5[%arg0, %mul3A_184, %dma_wait3A_191] : memref<2x10240x144xf32, #tpu.memory_space<hbm>> -> memref<1x640x144xf32, #tpu.memory_space<hbm>>
      %dma_wait3A_193 = tpu.memref_squeeze %dma_wait3A_192 : memref<1x640x144xf32, #tpu.memory_space<hbm>> -> memref<640x144xf32, #tpu.memory_space<hbm>>
      %dma_wait3A_194 = arith.constant 0 : i32
      %dma_wait3A_195 = tpu.memref_slice %arg12[%mul3A_182, %dma_wait3A_194] : memref<10240x144xf32, #tpu.memory_space<vmem_shared>> -> memref<640x144xf32, #tpu.memory_space<vmem_shared>>
      tpu.wait_dma2 semaphore(%run_scoped3A_185 : memref<!tpu.dma_semaphore, #tpu.memory_space<semaphore_mem>>) src(%dma_wait3A_195 : memref<640x144xf32, #tpu.memory_space<vmem_shared>>) dst(%dma_wait3A_193 : memref<640x144xf32, #tpu.memory_space<hbm>>)
      tpu.yield
    }) : () -> ()
    return
  }
}

module attributes {stable_mosaic.version = 14 : i64} {
  func.func @body(%arg0: i32, %arg1: memref<400x144xf32, #tpu.memory_space<vmem>>, %arg2: memref<400x144xf32, #tpu.memory_space<vmem>>, %arg3: memref<400x128xf32, #tpu.memory_space<vmem>>, %arg4: memref<128x128xf32, #tpu.memory_space<vmem>>, %arg5: memref<1x128xf32, #tpu.memory_space<vmem>>, %arg6: memref<128x128xf32, #tpu.memory_space<vmem>>, %arg7: memref<400x128xf32, #tpu.memory_space<vmem>>, %arg8: memref<400x144xf32, #tpu.memory_space<vmem>>) attributes {dimension_semantics = [#tpu.dimension_semantics<arbitrary>], iteration_bounds = array<i64: 25>, scalar_prefetch = 0 : i64, scratch_operands = 0 : i64, tpu.core_type = #tpu.core_type<tc>, window_params = [{transform_indices = @transform_0, window_bounds = array<i64: 400, 144>}, {transform_indices = @transform_1, window_bounds = array<i64: 400, 144>}, {transform_indices = @transform_2, window_bounds = array<i64: 400, 128>}, {pipeline_mode = #tpu.pipeline_mode<synchronous>, transform_indices = @transform_3, window_bounds = array<i64: 128, 128>}, {pipeline_mode = #tpu.pipeline_mode<synchronous>, transform_indices = @transform_4, window_bounds = array<i64: 1, 128>}, {pipeline_mode = #tpu.pipeline_mode<synchronous>, transform_indices = @transform_5, window_bounds = array<i64: 128, 128>}, {transform_indices = @transform_6, window_bounds = array<i64: 400, 128>}, {transform_indices = @transform_7, window_bounds = array<i64: 400, 144>}]} {
    %get3A = arith.constant 0 : index
    %get3A_0 = arith.constant 0 : index
    %get3A_1 = vector.load %arg1[%get3A, %get3A_0] : memref<400x144xf32, #tpu.memory_space<vmem>>, vector<400x144xf32>
    %get3A_2 = arith.constant 0 : index
    %get3A_3 = arith.constant 0 : index
    %get3A_4 = vector.load %arg2[%get3A_2, %get3A_3] : memref<400x144xf32, #tpu.memory_space<vmem>>, vector<400x144xf32>
    %add3A = arith.addf %get3A_1, %get3A_4 : vector<400x144xf32>
    %slice3A = vector.extract_strided_slice %add3A {offsets = [0, 128], sizes = [400, 1], strides = [1, 1]} : vector<400x144xf32> to vector<400x1xf32>
    %slice3A_5 = vector.extract_strided_slice %add3A {offsets = [0, 0], sizes = [400, 128], strides = [1, 1]} : vector<400x144xf32> to vector<400x128xf32>
    %max3A = arith.constant 1.000000e+00 : f32
    %max3A_6 = vector.broadcast %max3A : f32 to vector<400x1xf32>
    %max3A_7 = arith.maximumf %slice3A, %max3A_6 : vector<400x1xf32>
    %div3A = vector.broadcast %max3A_7 : vector<400x1xf32> to vector<400x128xf32>
    %div3A_8 = arith.divf %slice3A_5, %div3A : vector<400x128xf32>
    %get3A_9 = arith.constant 0 : index
    %get3A_10 = arith.constant 0 : index
    %get3A_11 = vector.load %arg3[%get3A_9, %get3A_10] : memref<400x128xf32, #tpu.memory_space<vmem>>, vector<400x128xf32>
    %get3A_12 = arith.constant 0 : index
    %get3A_13 = arith.constant 0 : index
    %get3A_14 = vector.load %arg4[%get3A_12, %get3A_13] : memref<128x128xf32, #tpu.memory_space<vmem>>, vector<128x128xf32>
    %dot_general3A = arith.constant dense<0.000000e+00> : vector<400x128xf32>
    %dot_general3A_15 = tpu.matmul %div3A_8, %get3A_14, %dot_general3A {dimension_numbers = #tpu.dot_dimension_numbers<[1], [0], [0], [1], [0, 0, 1, 1], [], []>, transpose_lhs_hint = false} : vector<400x128xf32>, vector<128x128xf32>, vector<400x128xf32> -> vector<400x128xf32>
    %get3A_16 = arith.constant 0 : index
    %get3A_17 = arith.constant 0 : index
    %get3A_18 = vector.load %arg5[%get3A_16, %get3A_17] : memref<1x128xf32, #tpu.memory_space<vmem>>, vector<1x128xf32>
    %add3A_19 = vector.broadcast %get3A_18 : vector<1x128xf32> to vector<400x128xf32>
    %add3A_20 = arith.addf %dot_general3A_15, %add3A_19 : vector<400x128xf32>
    %get3A_21 = arith.constant 0 : index
    %get3A_22 = arith.constant 0 : index
    %get3A_23 = vector.load %arg6[%get3A_21, %get3A_22] : memref<128x128xf32, #tpu.memory_space<vmem>>, vector<128x128xf32>
    %dot_general3A_24 = arith.constant dense<0.000000e+00> : vector<400x128xf32>
    %dot_general3A_25 = tpu.matmul %get3A_11, %get3A_23, %dot_general3A_24 {dimension_numbers = #tpu.dot_dimension_numbers<[1], [0], [0], [1], [0, 0, 1, 1], [], []>, transpose_lhs_hint = false} : vector<400x128xf32>, vector<128x128xf32>, vector<400x128xf32> -> vector<400x128xf32>
    %add3A_26 = arith.addf %add3A_20, %dot_general3A_25 : vector<400x128xf32>
    %swap3A = arith.constant 0 : index
    %swap3A_27 = arith.constant 0 : index
    %swap3A_28 = vector.load %arg7[%swap3A, %swap3A_27] : memref<400x128xf32, #tpu.memory_space<vmem>>, vector<400x128xf32>
    tpu.vector_store %arg7[%swap3A, %swap3A_27], %add3A_26 {strides = array<i32>} : memref<400x128xf32, #tpu.memory_space<vmem>>, vector<400x128xf32>,
    %max3A_29 = arith.constant 0.000000e+00 : f32
    %max3A_30 = vector.broadcast %max3A_29 : f32 to vector<400x128xf32>
    %max3A_31 = arith.maximumf %add3A_26, %max3A_30 : vector<400x128xf32>
    %jit3A = arith.constant 0 : i32
    %convert_element_type3A = arith.sitofp %jit3A : i32 to f32
    %pad3A = vector.broadcast %convert_element_type3A : f32 to vector<400x16xf32>
    %pad3A_32 = tpu.concatenate %max3A_31, %pad3A in 1 : vector<400x128xf32>, vector<400x16xf32> -> vector<400x144xf32>
    %iota3A = tpu.iota {dimensions = array<i32: 1>} : vector<400x144xi32>
    %eq3A = arith.constant 128 : i32
    %eq3A_33 = vector.broadcast %eq3A : i32 to vector<400x144xi32>
    %eq3A_34 = arith.cmpi eq, %iota3A, %eq3A_33 : vector<400x144xi32>
    %jit3A_35 = arith.constant 1.000000e+00 : f32
    %broadcast_in_dim3A = vector.broadcast %jit3A_35 : f32 to vector<400x144xf32>
    %select_n3A = arith.select %eq3A_34, %broadcast_in_dim3A, %pad3A_32 : vector<400x144xi1>, vector<400x144xf32>
    %swap3A_36 = arith.constant 0 : index
    %swap3A_37 = arith.constant 0 : index
    %swap3A_38 = vector.load %arg8[%swap3A_36, %swap3A_37] : memref<400x144xf32, #tpu.memory_space<vmem>>, vector<400x144xf32>
    tpu.vector_store %arg8[%swap3A_36, %swap3A_37], %select_n3A {strides = array<i32>} : memref<400x144xf32, #tpu.memory_space<vmem>>, vector<400x144xf32>,
    return
  }
  func.func @transform_0(%arg0: i32) -> (i32, i32) {
    %c0_i32 = arith.constant 0 : i32
    %c0_i32_0 = arith.constant 0 : i32
    return %arg0, %c0_i32 : i32, i32
  }
  func.func @transform_1(%arg0: i32) -> (i32, i32) {
    %c0_i32 = arith.constant 0 : i32
    %c0_i32_0 = arith.constant 0 : i32
    return %arg0, %c0_i32 : i32, i32
  }
  func.func @transform_2(%arg0: i32) -> (i32, i32) {
    %c0_i32 = arith.constant 0 : i32
    %c0_i32_0 = arith.constant 0 : i32
    return %arg0, %c0_i32 : i32, i32
  }
  func.func @transform_3(%arg0: i32) -> (i32, i32) {
    %c0_i32 = arith.constant 0 : i32
    %c0_i32_0 = arith.constant 0 : i32
    %c0_i32_1 = arith.constant 0 : i32
    return %c0_i32, %c0_i32_0 : i32, i32
  }
  func.func @transform_4(%arg0: i32) -> (i32, i32) {
    %c0_i32 = arith.constant 0 : i32
    %c0_i32_0 = arith.constant 0 : i32
    %c0_i32_1 = arith.constant 0 : i32
    return %c0_i32, %c0_i32_0 : i32, i32
  }
  func.func @transform_5(%arg0: i32) -> (i32, i32) {
    %c0_i32 = arith.constant 0 : i32
    %c0_i32_0 = arith.constant 0 : i32
    %c0_i32_1 = arith.constant 0 : i32
    return %c0_i32, %c0_i32_0 : i32, i32
  }
  func.func @transform_6(%arg0: i32) -> (i32, i32) {
    %c0_i32 = arith.constant 0 : i32
    %c0_i32_0 = arith.constant 0 : i32
    return %arg0, %c0_i32 : i32, i32
  }
  func.func @transform_7(%arg0: i32) -> (i32, i32) {
    %c0_i32 = arith.constant 0 : i32
    %c0_i32_0 = arith.constant 0 : i32
    return %arg0, %c0_i32 : i32, i32
  }
}

module attributes {stable_mosaic.version = 14 : i64} {
  func.func @body(%arg0: i32, %arg1: memref<400x144xf32, #tpu.memory_space<vmem>>, %arg2: memref<400x144xf32, #tpu.memory_space<vmem>>, %arg3: memref<400x144xf32, #tpu.memory_space<vmem>>, %arg4: memref<128x128xf32, #tpu.memory_space<vmem>>, %arg5: memref<1x128xf32, #tpu.memory_space<vmem>>, %arg6: memref<128x128xf32, #tpu.memory_space<vmem>>, %arg7: memref<400x128xf32, #tpu.memory_space<vmem>>) attributes {dimension_semantics = [#tpu.dimension_semantics<arbitrary>], iteration_bounds = array<i64: 25>, scalar_prefetch = 0 : i64, scratch_operands = 0 : i64, tpu.core_type = #tpu.core_type<tc>, window_params = [{transform_indices = @transform_0, window_bounds = array<i64: 400, 144>}, {transform_indices = @transform_1, window_bounds = array<i64: 400, 144>}, {transform_indices = @transform_2, window_bounds = array<i64: 400, 144>}, {pipeline_mode = #tpu.pipeline_mode<synchronous>, transform_indices = @transform_3, window_bounds = array<i64: 128, 128>}, {pipeline_mode = #tpu.pipeline_mode<synchronous>, transform_indices = @transform_4, window_bounds = array<i64: 1, 128>}, {pipeline_mode = #tpu.pipeline_mode<synchronous>, transform_indices = @transform_5, window_bounds = array<i64: 128, 128>}, {transform_indices = @transform_6, window_bounds = array<i64: 400, 128>}]} {
    %get3A = arith.constant 0 : index
    %get3A_0 = arith.constant 0 : index
    %get3A_1 = vector.load %arg1[%get3A, %get3A_0] : memref<400x144xf32, #tpu.memory_space<vmem>>, vector<400x144xf32>
    %get3A_2 = arith.constant 0 : index
    %get3A_3 = arith.constant 0 : index
    %get3A_4 = vector.load %arg2[%get3A_2, %get3A_3] : memref<400x144xf32, #tpu.memory_space<vmem>>, vector<400x144xf32>
    %add3A = arith.addf %get3A_1, %get3A_4 : vector<400x144xf32>
    %slice3A = vector.extract_strided_slice %add3A {offsets = [0, 128], sizes = [400, 1], strides = [1, 1]} : vector<400x144xf32> to vector<400x1xf32>
    %slice3A_5 = vector.extract_strided_slice %add3A {offsets = [0, 0], sizes = [400, 128], strides = [1, 1]} : vector<400x144xf32> to vector<400x128xf32>
    %max3A = arith.constant 1.000000e+00 : f32
    %max3A_6 = vector.broadcast %max3A : f32 to vector<400x1xf32>
    %max3A_7 = arith.maximumf %slice3A, %max3A_6 : vector<400x1xf32>
    %div3A = vector.broadcast %max3A_7 : vector<400x1xf32> to vector<400x128xf32>
    %div3A_8 = arith.divf %slice3A_5, %div3A : vector<400x128xf32>
    %get3A_9 = arith.constant 0 : index
    %get3A_10 = arith.constant 0 : index
    %get3A_11 = vector.load %arg3[%get3A_9, %get3A_10] : memref<400x144xf32, #tpu.memory_space<vmem>>, vector<400x144xf32>
    %slice3A_12 = vector.extract_strided_slice %get3A_11 {offsets = [0, 0], sizes = [400, 128], strides = [1, 1]} : vector<400x144xf32> to vector<400x128xf32>
    %get3A_13 = arith.constant 0 : index
    %get3A_14 = arith.constant 0 : index
    %get3A_15 = vector.load %arg4[%get3A_13, %get3A_14] : memref<128x128xf32, #tpu.memory_space<vmem>>, vector<128x128xf32>
    %dot_general3A = arith.constant dense<0.000000e+00> : vector<400x128xf32>
    %dot_general3A_16 = tpu.matmul %div3A_8, %get3A_15, %dot_general3A {dimension_numbers = #tpu.dot_dimension_numbers<[1], [0], [0], [1], [0, 0, 1, 1], [], []>, transpose_lhs_hint = false} : vector<400x128xf32>, vector<128x128xf32>, vector<400x128xf32> -> vector<400x128xf32>
    %get3A_17 = arith.constant 0 : index
    %get3A_18 = arith.constant 0 : index
    %get3A_19 = vector.load %arg5[%get3A_17, %get3A_18] : memref<1x128xf32, #tpu.memory_space<vmem>>, vector<1x128xf32>
    %add3A_20 = vector.broadcast %get3A_19 : vector<1x128xf32> to vector<400x128xf32>
    %add3A_21 = arith.addf %dot_general3A_16, %add3A_20 : vector<400x128xf32>
    %get3A_22 = arith.constant 0 : index
    %get3A_23 = arith.constant 0 : index
    %get3A_24 = vector.load %arg6[%get3A_22, %get3A_23] : memref<128x128xf32, #tpu.memory_space<vmem>>, vector<128x128xf32>
    %dot_general3A_25 = arith.constant dense<0.000000e+00> : vector<400x128xf32>
    %dot_general3A_26 = tpu.matmul %slice3A_12, %get3A_24, %dot_general3A_25 {dimension_numbers = #tpu.dot_dimension_numbers<[1], [0], [0], [1], [0, 0, 1, 1], [], []>, transpose_lhs_hint = false} : vector<400x128xf32>, vector<128x128xf32>, vector<400x128xf32> -> vector<400x128xf32>
    %add3A_27 = arith.addf %add3A_21, %dot_general3A_26 : vector<400x128xf32>
    %swap3A = arith.constant 0 : index
    %swap3A_28 = arith.constant 0 : index
    %swap3A_29 = vector.load %arg7[%swap3A, %swap3A_28] : memref<400x128xf32, #tpu.memory_space<vmem>>, vector<400x128xf32>
    tpu.vector_store %arg7[%swap3A, %swap3A_28], %add3A_27 {strides = array<i32>} : memref<400x128xf32, #tpu.memory_space<vmem>>, vector<400x128xf32>,
    return
  }
  func.func @transform_0(%arg0: i32) -> (i32, i32) {
    %c0_i32 = arith.constant 0 : i32
    %c0_i32_0 = arith.constant 0 : i32
    return %arg0, %c0_i32 : i32, i32
  }
  func.func @transform_1(%arg0: i32) -> (i32, i32) {
    %c0_i32 = arith.constant 0 : i32
    %c0_i32_0 = arith.constant 0 : i32
    return %arg0, %c0_i32 : i32, i32
  }
  func.func @transform_2(%arg0: i32) -> (i32, i32) {
    %c0_i32 = arith.constant 0 : i32
    %c0_i32_0 = arith.constant 0 : i32
    return %arg0, %c0_i32 : i32, i32
  }
  func.func @transform_3(%arg0: i32) -> (i32, i32) {
    %c0_i32 = arith.constant 0 : i32
    %c0_i32_0 = arith.constant 0 : i32
    %c0_i32_1 = arith.constant 0 : i32
    return %c0_i32, %c0_i32_0 : i32, i32
  }
  func.func @transform_4(%arg0: i32) -> (i32, i32) {
    %c0_i32 = arith.constant 0 : i32
    %c0_i32_0 = arith.constant 0 : i32
    %c0_i32_1 = arith.constant 0 : i32
    return %c0_i32, %c0_i32_0 : i32, i32
  }
  func.func @transform_5(%arg0: i32) -> (i32, i32) {
    %c0_i32 = arith.constant 0 : i32
    %c0_i32_0 = arith.constant 0 : i32
    %c0_i32_1 = arith.constant 0 : i32
    return %c0_i32, %c0_i32_0 : i32, i32
  }
  func.func @transform_6(%arg0: i32) -> (i32, i32) {
    %c0_i32 = arith.constant 0 : i32
    %c0_i32_0 = arith.constant 0 : i32
    return %arg0, %c0_i32 : i32, i32
  }
}

</mosaic_0001>

<sc_bundles>
// kernel: kernel.6.cloned.1.call-start
scs
__scs_entry_jumppad:
0x0: {  	(pc) =	sbr.rel $0x88, $3  }
0x1: {  	(tag) =	ssettag $0x0;
	lr =	simm.s32 $0x1  }
0x2: {  	[smem:$0x3F99] =	sst lr;
	_ =	strace $0xD0000000  }
0x3: {  	_ = 	snop  }
0x4: {  	_ = 	snop  }
0x5: {  	_ = 	snop  }
0x6: {  	_ = 	snop  }
0x7: {  	_ = 	snop  }
__scs_overlays_trampoline_lowered:
0x8: {  	[smem:$0x3FA8] =	sst s0  }
0x9: {  	[smem:$0x3FA9] =	sst s1  }
0xa: {  	[smem:$0x3FAA] =	sst s2  }
0xb: {  	[smem:$0x3FAB] =	sst s3  }
0xc: {  	[smem:$0x3FAC] =	sst s4  }
0xd: {  	[smem:$0x3FAD] =	sst s5  }
0xe: {  	[smem:$0x3FAE] =	sst s6  }
0xf: {  	[smem:$0x3FAF] =	sst s7  }
0x10: {  	[smem:$0x3FB0] =	sst s8  }
0x11: {  	[smem:$0x3FB1] =	sst s9;
	s0 =	simm.s32 @!p0 $0x0  }
0x12: {  	s1 =	sld [smem:$0x3F97];
	s0 =	simm.s32 @p0 $0x1  }
0x13: {  	[smem:$0x3FB2] =	sst s0;
	s0 =	simm.s32 @!p1 $0x0  }
0x14: {  	s2 =	sld [smem:$0x3F96];
	s0 =	simm.s32 @p1 $0x1  }
0x15: {  	[smem:$0x3FB3] =	sst s0;
	s0 =	simm.s32 @!p2 $0x0  }
0x16: {  	s3 =	sld [smem:$0x3FDB];
	s0 =	simm.s32 @p2 $0x1  }
0x17: {  	s4 =	simm.s32 $0x1BF5;
	[smem:$0x3FB5] =	sst s0  }
0x18: {  	s0 =	sld [smem:$0x3F98];
	_ =	swait.ge [sflag:s4], $0x0  }
0x19: {  	s7 =	sld [smem:$0x3F99]  }
0x1a: {  	s8 =	sadd.s32 $0xFFFFE003, lr  }
0x1b: {  	s9 =	sadd.s32 $0xFFFFFEF7, lr;
	s5 =	simm.s32 $0xFFFFFFFF;
	p2 =	slt.u32 s8, $0xFFFFF086  }
0x1c: {  	p1 =	slt.u32 s9, $0xF7A;
	s5 =	simm.s32 @!p2 $0x0  }
0x1d: {  	s5 =	simm.s32 @p1 $0x1;
	p0 =	seq.s32 s7, s2  }
0x1e: {  	s7 =	smul.u32 @!p0 $0xF7A, s2;
	p2 =	seq.s32 @!p0 s5, $0x0  }
0x1f: {  	s9 =	smul.u32 $0xF7A, s1;
	s8 =	simm.s32 @!p0 $0x1BF5;
	p2 =	por !p2, p0  }
0x20: {  	[sflag:s8] =	ssyncset.s32 @!p0 $0xFFFFF086;
	s6 =	sadd.s32 @!p0 s3, s7;
	s7 =	simm.s32 @!p0 $0x108  }
0x21: {  	s3 =	sadd.s32 s3, s9;
	s6 =	sadd.s32 @!p0 $0x88, s6;
	s7 =	simm.s32 @p2 $0x1082  }
0x22: {  	[simem:s7], [sflag:s8] =	dma.local @!p0 [hbm:s6], $0xF7A  }
0x23: {  	s9 =	sor.u32 $0xD0000000, s2;
	s6 =	simm.s32 $0x108;
	_ =	swait.ge @!p0 [sflag:s8], $0x0  }
0x24: {  	s3 =	sadd.s32 $0x88, s3;
	s6 =	simm.s32 @!p1 $0x1082;
	[sflag:s4] =	ssyncset.s32 $0xFFFFF086  }
0x25: {  	[simem:s6], [sflag:s4] =	dma.local [hbm:s3], $0xF7A  }
0x26: {  	[smem:$0x3F99] =	sst s1;
	(tag) =	ssettag s2;
	_ =	strace s9  }
0x27: {  	s1 =	sld [smem:$0x3FA9]  }
0x28: {  	s2 =	sld [smem:$0x3FAA]  }
0x29: {  	s4 =	sld [smem:$0x3FAC]  }
0x2a: {  	p0 =	seq.s32 s5, $0x0;
	s5 =	sld [smem:$0x3FAD]  }
0x2b: {  	s6 =	sld [smem:$0x3FAE]  }
0x2c: {  	s7 =	sld [smem:$0x3FAF]  }
0x2d: {  	s3 =	simm.s32 $0x108;
	s8 =	sld [smem:$0x3FB0]  }
0x2e: {  	s3 =	simm.s32 @!p0 $0x1082;
	s9 =	sld [smem:$0x3FB1]  }
0x2f: {  	lr =	sadd.s32 s0, s3;
	s0 =	sld [smem:$0x3FA8]  }
0x30: {  	s3 =	sld [smem:$0x3FAB]  }
0x31: {  	[smem:$0x3FB4] =	sst s10  }
0x32: {  	s10 =	sld [smem:$0x3FB2];
	_ =	sdelay $0x3  }
0x33: {  	p0 =	seq.s32 s10, $0x1;
	s10 =	sld [smem:$0x3FB4];
	_ =	sdelay $0x3  }
0x34: {  	[smem:$0x3FB4] =	sst s10  }
0x35: {  	s10 =	sld [smem:$0x3FB3];
	_ =	sdelay $0x3  }
0x36: {  	p1 =	seq.s32 s10, $0x1;
	s10 =	sld [smem:$0x3FB4];
	_ =	sdelay $0x3  }
0x37: {  	[smem:$0x3FB4] =	sst s10  }
0x38: {  	s10 =	sld [smem:$0x3FB5]  }
0x39: {  	_ = 	snop;
	(pc) =	sbr.ind lr, $3  }
0x3a: {  	_ = 	snop  }
0x3b: {  	_ = 	snop  }
0x3c: {  	p2 =	seq.s32 s10, $0x1;
	s10 =	sld [smem:$0x3FB4]  }
0x3d: {  	_ =	shalt  }
0x3e: {  	_ =	shalt  }
0x3f: {  	_ =	shalt  }
0x40: {  	_ =	shalt  }
0x41: {  	_ =	shalt  }
0x42: {  	_ =	shalt  }
0x43: {  	_ =	shalt  }
0x44: {  	_ =	shalt  }
0x45: {  	_ =	shalt  }
0x46: {  	_ =	shalt  }
0x47: {  	_ =	shalt  }
0x48: {  	_ =	shalt  }
0x49: {  	_ =	shalt  }
0x4a: {  	_ =	shalt  }
0x4b: {  	_ =	shalt  }
0x4c: {  	_ =	shalt  }
0x4d: {  	_ =	shalt  }
0x4e: {  	_ =	shalt  }
0x4f: {  	_ =	shalt  }
0x50: {  	_ =	shalt  }
0x51: {  	_ =	shalt  }
0x52: {  	_ =	shalt  }
0x53: {  	_ =	shalt  }
0x54: {  	_ =	shalt  }
0x55: {  	_ =	shalt  }
0x56: {  	_ =	shalt  }
0x57: {  	_ =	shalt  }
0x58: {  	_ =	shalt  }
0x59: {  	_ =	shalt  }
0x5a: {  	_ =	shalt  }
0x5b: {  	_ =	shalt  }
0x5c: {  	_ =	shalt  }
0x5d: {  	_ =	shalt  }
0x5e: {  	_ =	shalt  }
0x5f: {  	_ =	shalt  }
0x60: {  	_ =	shalt  }
0x61: {  	_ =	shalt  }
0x62: {  	_ =	shalt  }
0x63: {  	_ =	shalt  }
0x64: {  	_ =	shalt  }
0x65: {  	_ =	shalt  }
0x66: {  	_ =	shalt  }
0x67: {  	_ =	shalt  }
0x68: {  	_ =	shalt  }
0x69: {  	_ =	shalt  }
0x6a: {  	_ =	shalt  }
0x6b: {  	_ =	shalt  }
0x6c: {  	_ =	shalt  }
0x6d: {  	_ =	shalt  }
0x6e: {  	_ =	shalt  }
0x6f: {  	_ =	shalt  }
0x70: {  	_ =	shalt  }
0x71: {  	_ =	shalt  }
0x72: {  	_ =	shalt  }
0x73: {  	_ =	shalt  }
0x74: {  	_ =	shalt  }
0x75: {  	_ =	shalt  }
0x76: {  	_ =	shalt  }
0x77: {  	_ =	shalt  }
0x78: {  	_ =	shalt  }
0x79: {  	_ =	shalt  }
0x7a: {  	_ =	shalt  }
0x7b: {  	_ =	shalt  }
0x7c: {  	_ =	shalt  }
0x7d: {  	_ =	shalt  }
0x7e: {  	_ =	shalt  }
0x7f: {  	_ =	shalt  }
0x80: {  	_ =	shalt  }
0x81: {  	_ =	shalt  }
0x82: {  	_ =	shalt  }
0x83: {  	_ =	shalt  }
0x84: {  	_ =	shalt  }
0x85: {  	_ =	shalt  }
0x86: {  	_ =	shalt  }
0x87: {  	_ =	shalt  }
.Lfunc_end0:
.L_simem_size_0:
called_computation_lowered:
.L_overlay_start_0:
0x88: {  	s2 =	sld [smem:$0x3FD9]  }
0x89: {  	s3 =	sld [smem:$0x3FFE];
	_ =	sdelay $0x1  }
0x8a: {  	s1 =	srdreg.scid  }
0x8b: {  	s0 =	sand.u32 $0x1, s1  }
0x8c: {  	s14 =	sshll.u32 s0, $0xA;
	s2 =	sadd.s32 s3, s2  }
0x8d: {  	s2 =	sadd.s32 s2, s14  }
0x8e: {  	[smem:$0x3FC0] =	sst s2  }
0x8f: {  	_ = 	snop  }
0x90: {  	s2 =	sld [smem:$0x3FD0];
	_ =	sdelay $0x2  }
0x91: {  	s15 =	simm.s32 $0xA;
	s4 =	simm.s32 $0x10  }
0x92: {  	[smem:s4], [sflag:s15] =	dma.local [hbm:s2], $0x1  }
0x93: {  	_ =	swait.eq [sflag:s15], $0x1  }
0x94: {  	[sflag:s15] =	ssyncset.done $0x0  }
0x95: {  	[sflag:s15] =	ssyncadd.s32 $0xFFFFFFFF  }
0x96: {  	s16 =	sld [smem:$0x11];
	(tm) =	ssettm $0x1  }
0x97: {  	s17 =	sld [smem:$0x3FFB];
	_ =	sdelay $0x3  }
0x98: {  	_ =	strace s17  }
0x99: {  	s3 =	sld [smem:$0x3FFC];
	_ =	sdelay $0x3  }
0x9a: {  	_ =	strace s3  }
0x9b: {  	s3 =	sld [smem:$0x3FFD];
	_ =	sdelay $0x3  }
0x9c: {  	_ =	strace s3  }
0x9d: {  	_ =	strace $0x8FFFFFFF  }
0x9e: {  	s18 =	sld [smem:$0x3FDB];
	_ =	sdelay $0x1  }
0x9f: {  	s19 =	simm.s32 $_scs_section_size  }
0xa0: {  	s5 =	simm.s32 $_size__tile_overlayer_lowered;
	s6 =	simm.s32 $_tile_overlayer_lowered  }
0xa1: {  	s22 =	simm.s32 $0x1BFF;
	s21 =	sshll.u32 s6, $0x1;
	s3 =	sadd.s32 s19, s18  }
0xa2: {  	s7 =	simm.s32 $0x0;
	s20 =	sshll.u32 s5, $0x1;
	s5 =	sadd.s32 s21, s3  }
0xa3: {  	[timem:s7], [sflag:s22] =	dma.local [hbm:s5], s20  }
0xa4: {  	_ =	swait.ge [sflag:s22], s20  }
0xa5: {  	s4 =	ssub.s32 $0x0, s20;
	[sflag:s22] =	ssyncset.done $0x0  }
0xa6: {  	[sflag:s22] =	ssyncadd.s32 s4;
	_ =	sdelay $0x1  }
0xa7: {  	s23 =	simm.s32 $0x1B8B  }
0xa8: {  	_ =	swait.ge [sflag:s23], $0x1  }
0xa9: {  	[sflag:s23] =	ssyncset.done $0x0  }
0xaa: {  	s25 =	simm.s32 $0x1B8E;
	s24 =	sld [smem:$0x3FFE];
	[sflag:s23] =	ssyncadd.s32 $0xFFFFFFFF  }
0xab: {  	s26 =	simm.s32 $execute0_lowered;
	[smem:$0x3FD2] =	sst s25  }
0xac: {  	s5 =	sshll.u32 s26, $0x1;
	_ =	strace $0x80000046;
	[dreg:$0x1] =	wrdreg $0xFFFFFFFF  }
0xad: {  	s28 =	simm.s32 $_size_execute0_lowered;
	s3 =	sadd.s32 s3, s5;
	[dreg:$0x0] =	wrdreg $0x0  }
0xae: {  	s5 =	sshll.u32 s28, $0x1;
	[dreg:$0x2] =	wrdreg s3  }
0xaf: {  	[dreg:$0x3] =	wrdreg s5  }
0xb0: {  	[dreg:$0x4] =	wrdreg $0xC0  }
0xb1: {  	_ =	task [dreg:s7], $0x5FFFF  }
0xb2: {  	[dreg:$0x1] =	wrdreg $0xFFFFFFFF  }
0xb3: {  	[dreg:$0x0] =	wrdreg $0x60  }
0xb4: {  	[dreg:$0x2] =	wrdreg s24  }
0xb5: {  	[dreg:$0x3] =	wrdreg s16  }
0xb6: {  	[dreg:$0x4] =	wrdreg $0x92000  }
0xb7: {  	[dreg:$0x5] =	wrdreg $0x9  }
0xb8: {  	_ =	task.clear_ibuf [dreg:s7], $0x6FFFF;
	_ =	strace $0x90000046  }
0xb9: {  	s29 =	simm.s32 $0x9;
	_ =	strace $0x80000048  }
0xba: {  	_ =	swait.ge [sflag:s29], $0x1  }
0xbb: {  	[sflag:s29] =	ssyncadd.s32 $0xFFFFFFFF  }
0xbc: {  	_ =	strace $0x90000048  }
0xbd: {  	_ =	sfence  }
0xbe: {  	s30 =	sld [smem:$0x0];
	_ =	sdelay $0x2  }
0xbf: {  	s31 =	sshll.u32 s1, $0xD;
	s1 =	sshrl.u32 s1, $0x2  }
0xc0: {  	s3 =	sand.u32 $0x4000, s31;
	s1 =	sadd.s32 s1, s30  }
0xc1: {  	s0 =	sor.u32 s3, s0;
	s1 =	sshll.u32 s1, $0x11  }
0xc2: {  	s0 =	sor.u32 s1, s0  }
0xc3: {  	s0 =	sadd.s32 $0x8F2B, s0  }
0xc4: {  	[sflag:s0] =	ssyncadd.remote.s32 $0x1  }
0xc5: {  	_ =	sfence.sel $0xFFFF  }
0xc6: {  	[dreg:$0x0] =	wrdreg $0xFFFFFFFF;
	(pc) =	sbr.abs _section_cstart, $3  }
0xc7: {  	[dreg:$0x1] =	wrdreg $0xFFFFFFFF  }
0xc8: {  	_ =	task.clear_ibuf [dreg:s7], $0x2FFFF;
	_ =	strace $0x9FFFFFFF  }
0xc9: {  	(tm) =	ssettm $0x7FFFFFFF  }
tec
execute0_lowered:
.L_overlay_start_1:
0x0: {  	(tag) =	ssettag $0x1  }
0x1: {  	s7 =	rddreg [dreg:$0x0]  }
0x2: {  	s2 =	rddreg [dreg:$0x1]  }
0x3: {  	s1 =	srdreg.scid;
	s0 =	stileid.u32  }
0x4: {  	s3 =	rddreg [dreg:$0x2];
	s4 =	simm.s32 $0x0;
	s19 =	simm.s32 $0x200  }
0x5: {  	s20 =	simm.s32 $0x3;
	s21 =	simm.s32 $0x80;
	s22 =	simm.s32 $0x180  }
0x6: {  	s23 =	simm.s32 $0x4A00;
	s24 =	simm.s32 $0x100;
	s9 =	smul.u32 $0x16800, s0  }
0x7: {  	s25 =	simm.s32 $0x1;
	s26 =	simm.s32 $0x2;
	s30 =	smul.u32 $0x5A000, s0  }
0x8: {  	s28 =	simm.s32 $0x0;
	s8 =	sand.u32 $0x1, s1;
	s31 =	smul.u32 $0x18, s0  }
0x9: {  	[smem:$0x7FF] =	sst s4;
	s5 =	sadd.s32 $0x1A00, s7;
	s6 =	smul.u32 $0x168000, s8  }
0xa: {  	_ =	strace $0x80000047;
	s11 =	ssub.s32 $0x2, s8;
	p0 =	seq.s32 s8, $0x0  }
0xb: {  	s29 =	sshrl.u32 s11, $0x1;
	s8 =	sadd.s32 $0x880, s31;
	s10 =	sadd.s32 s9, s6  }
0xc: {  	s6 =	sadd.s32 $0x2DA00, s7;
	s18 =	ssub.s32 s11, s29;
	s11 =	smul.u32 $0x88, s0  }
0xd: {  	s9 =	sadd.s32 s9, s3;
	s10 =	sshrl.u32 s10, $0x3;
	s18 =	smax.u32 s18, $0x1  }
0xe: {  	s17 =	sadd.s32 s10, s7;
	s7 =	simm.s32 $0x88;
	s10 =	sshrl.u32 s30, $0x2  }
0xf: {  	s8 =	smov.u32 @p0 s11;
	s7 =	simm.s32 @!p0 $0x18;
	s13 =	sadd.s32 s10, s3  }
0x10: {  	s15 =	sshll.u32 s8, $0x4;
	s17 =	sadd.s32 $0x37A00, s17;
	s10 =	sadd.s32 $0x4800, s13  }
0x11: {  	s11 =	sadd.s32 $0x9000, s13;
	s12 =	sadd.s32 $0xD800, s13;
	s13 =	sadd.s32 $0x12000, s13  }
0x12: {  	v0 =	vimm.f32 $0.0e+00;
	v1 =	vimm.s32 $0x2710;
	s14 =	sadd.s32 s2, s15;
	s15 =	sadd.s32 s6, s15;
	s16 =	sshrl.u32 s7, $0x1  }
.LBB2_1:
0x13: {  	s29 =	simm.s32 $0x80;
	s30 =	simm.s32 $0x440  }
.LBB2_2:
0x14: {  	p0 =	sne.s32 s30, $0x11FC0;
	[tilespmem:s29+$0x4A00] =	vst v0  }
0x15: {  	[tilespmem:s29+$0x180] =	vst v0  }
0x16: {  	[tilespmem:s29+$0x190] =	vst v0  }
0x17: {  	[tilespmem:s29+$0x1A0] =	vst v0  }
0x18: {  	[tilespmem:s29+$0x1B0] =	vst v0  }
0x19: {  	[tilespmem:s29+$0x1C0] =	vst v0  }
0x1a: {  	[tilespmem:s29+$0x1D0] =	vst v0  }
0x1b: {  	[tilespmem:s29+$0x1E0] =	vst v0  }
0x1c: {  	[tilespmem:s29+$0x1F0] =	vst v0  }
0x1d: {  	[tilespmem:s29+$0x200] =	vst v0  }
0x1e: {  	[tilespmem:s29+$0x4980] =	vst v0  }
0x1f: {  	[tilespmem:s29+$0x4990] =	vst v0  }
0x20: {  	[tilespmem:s29+$0x49A0] =	vst v0  }
.Ltmp0:
0x21: {  	[tilespmem:s29+$0x49B0] =	vst v0;
	(pc) =	sbr.rel @p0 .LBB2_2-.Ltmp0, $4  }
0x22: {  	[tilespmem:s29+$0x49C0] =	vst v0  }
0x23: {  	[tilespmem:s29+$0x49D0] =	vst v0  }
0x24: {  	[tilespmem:s29+$0x49E0] =	vst v0  }
0x25: {  	[tilespmem:s29+$0x49F0] =	vst v0;
	s29 =	sshra.s32 s30, $0x2;
	s30 =	sadd.s32 $0x240, s30  }
0x26: {  	[tilespmem:s29+$0x4A00] =	vst v0  }
0x27: {  	[tilespmem:s29+$0x180] =	vst v0  }
0x28: {  	[tilespmem:s29+$0x190] =	vst v0  }
0x29: {  	[tilespmem:s29+$0x1A0] =	vst v0  }
0x2a: {  	[tilespmem:s29+$0x1B0] =	vst v0  }
0x2b: {  	[tilespmem:s29+$0x1C0] =	vst v0  }
0x2c: {  	[tilespmem:s29+$0x1D0] =	vst v0  }
0x2d: {  	[tilespmem:s29+$0x1E0] =	vst v0  }
0x2e: {  	[tilespmem:s29+$0x1F0] =	vst v0  }
0x2f: {  	[tilespmem:s29+$0x200] =	vst v0  }
0x30: {  	[tilespmem:s29+$0x4980] =	vst v0  }
0x31: {  	[tilespmem:s29+$0x4990] =	vst v0  }
0x32: {  	[tilespmem:s29+$0x49A0] =	vst v0  }
0x33: {  	[tilespmem:s29+$0x49B0] =	vst v0  }
0x34: {  	[tilespmem:s29+$0x49C0] =	vst v0  }
0x35: {  	[tilespmem:s29+$0x49D0] =	vst v0  }
0x36: {  	[tilespmem:s29+$0x49E0] =	vst v0  }
0x37: {  	[tilespmem:s29+$0x49F0] =	vst v0  }
0x38: {  	[spmem:s9] =	stream.linear.scatter [tilespmem:s19], [sflag:$0x3], $0x4800, $0x38;
	[tilespmem:$0x1FA00] =	vst v63  }
0x39: {  	_ =	swait.ge [sflag:s20], $0x4800  }
0x3a: {  	[sflag:s20] =	ssyncset.done $0x0  }
0x3b: {  	[sflag:s20] =	ssyncadd.s32 $0xFFFFB800  }
0x3c: {  	[spmem:s10] =	stream.linear.scatter [tilespmem:s19], [sflag:$0x3], $0x4800, $0x38;
	[tilespmem:$0x1FA00] =	vst v63  }
0x3d: {  	_ =	swait.ge [sflag:s20], $0x4800  }
0x3e: {  	[sflag:s20] =	ssyncset.done $0x0  }
0x3f: {  	[sflag:s20] =	ssyncadd.s32 $0xFFFFB800  }
0x40: {  	[spmem:s11] =	stream.linear.scatter [tilespmem:s19], [sflag:$0x3], $0x4800, $0x38;
	[tilespmem:$0x1FA00] =	vst v63  }
0x41: {  	_ =	swait.ge [sflag:s20], $0x4800  }
0x42: {  	[sflag:s20] =	ssyncset.done $0x0  }
0x43: {  	[sflag:s20] =	ssyncadd.s32 $0xFFFFB800  }
0x44: {  	[spmem:s12] =	stream.linear.scatter [tilespmem:s19], [sflag:$0x3], $0x4800, $0x38;
	[tilespmem:$0x1FA00] =	vst v63  }
0x45: {  	_ =	swait.ge [sflag:s20], $0x4800  }
0x46: {  	[sflag:s20] =	ssyncset.done $0x0  }
0x47: {  	[sflag:s20] =	ssyncadd.s32 $0xFFFFB800  }
0x48: {  	[spmem:s13] =	stream.linear.scatter [tilespmem:s19], [sflag:$0x3], $0x4800, $0x38;
	[tilespmem:$0x1FA00] =	vst v63  }
0x49: {  	_ =	swait.ge [sflag:s20], $0x4800  }
0x4a: {  	[sflag:s20] =	ssyncset.done $0x0  }
0x4b: {  	[sflag:s20] =	ssyncadd.s32 $0xFFFFB800  }
0x4c: {  	[tilespmem:$0x180] =	vst v1  }
0x4d: {  	[tilespmem:$0x190] =	vst v1  }
0x4e: {  	[tilespmem:$0x1A0] =	vst v1  }
0x4f: {  	[tilespmem:$0x1B0] =	vst v1  }
0x50: {  	[tilespmem:$0x1C0] =	vst v1  }
0x51: {  	[tilespmem:$0x1D0] =	vst v1  }
0x52: {  	[tilespmem:$0x1E0] =	vst v1  }
0x53: {  	[tilespmem:$0x1F0] =	vst v1  }
0x54: {  	[bflag:$0x0] =	sbarrier.arrive $0xFFFF  }
0x55: {  	[spmem:s3] =	stream.indirect.scatter.add.f32 [tilespmem:s23], [sflag:$0x2], $0x90, s22, s21, $0xb8;
	[tilespmem:$0x1FA00] =	vst v63  }
0x56: {  	_ = 	snop  }
0x57: {  	[tilespmem:s4], [sflag:$0x3] =	stream.linear.gather [hbm4b:s14+s4], $0x80, $0x38;
	[tilespmem:$0x1FA00] =	vst v63  }
0x58: {  	_ =	swait.ge [sflag:s20], $0x80  }
0x59: {  	[sflag:s20] =	ssyncset.done $0x0  }
0x5a: {  	[sflag:s20] =	ssyncadd.s32 $0xFFFFFF80  }
0x5b: {  	[tilespmem:s24], [sflag:$0x3] =	stream.linear.gather [hbm4b:s15+s4], $0x80, $0x38;
	[tilespmem:$0x1FA00] =	vst v63  }
0x5c: {  	s29 =	simm.s32 $0x1;
	_ =	swait.ge [sflag:s20], $0x80  }
0x5d: {  	(drf) =	srem.u32 s29, s7;
	_ =	sdelay $0x3  }
0x5e: {  	[sflag:s20] =	ssyncset.done $0x0  }
0x5f: {  	[sflag:s20] =	ssyncadd.s32 $0xFFFFFF80  }
0x60: {  	[tilespmem:s19], [sflag:$0x1] =	stream.indirect.gather [hbm4b:s5+s21], $0x90, s4, s21, $0xb8;
	[tilespmem:$0x1FA00] =	vst v63  }
0x61: {  	_ =	swait.ge [sflag:s25], $0x4800  }
0x62: {  	[sflag:s25] =	ssyncset.done $0x0  }
0x63: {  	[sflag:s25] =	ssyncadd.s32 $0xFFFFB800;
	s29 =	spop (drf)  }
0x64: {  	_ =	swait.ge [sflag:s26], $0x4800;
	s29 =	sadd.s32 s8, s29  }
0x65: {  	[sflag:s26] =	ssyncset.done $0x0;
	s29 =	sshll.u32 s29, $0x4  }
0x66: {  	[sflag:s26] =	ssyncadd.s32 $0xFFFFB800;
	s30 =	sadd.s32 s2, s29  }
0x67: {  	[tilespmem:s21], [sflag:$0x3] =	stream.linear.gather [hbm4b:s30+s4], $0x80, $0x38;
	[tilespmem:$0x1FA00] =	vst v63  }
0x68: {  	_ =	swait.ge [sflag:s20], $0x80  }
0x69: {  	s30 =	simm.s32 $0x2;
	[sflag:s20] =	ssyncset.done $0x0  }
0x6a: {  	s29 =	sadd.s32 s6, s29;
	(drf) =	srem.u32 s30, s7;
	[sflag:s20] =	ssyncadd.s32 $0xFFFFFF80  }
0x6b: {  	[tilespmem:s22], [sflag:$0x3] =	stream.linear.gather [hbm4b:s29+s4], $0x80, $0x38;
	[tilespmem:$0x1FA00] =	vst v63  }
0x6c: {  	_ =	swait.ge [sflag:s20], $0x80  }
0x6d: {  	[sflag:s20] =	ssyncset.done $0x0  }
0x6e: {  	[sflag:s20] =	ssyncadd.s32 $0xFFFFFF80  }
0x6f: {  	[tilespmem:s23], [sflag:$0x2] =	stream.indirect.gather [hbm4b:s5+s21], $0x90, s21, s21, $0xb8;
	[tilespmem:$0x1FA00] =	vst v63  }
0x70: {  	_ = 	snop  }
0x71: {  	[spmem:s3] =	stream.indirect.scatter.add.f32 [tilespmem:s19], [sflag:$0x1], $0x90, s24, s21, $0xb8;
	[tilespmem:$0x1FA00] =	vst v63  }
0x72: {  	_ =	swait.ge [sflag:s26], $0x4800  }
0x73: {  	[sflag:s26] =	ssyncset.done $0x0;
	s29 =	spop (drf)  }
0x74: {  	[sflag:s26] =	ssyncadd.s32 $0xFFFFB800;
	s29 =	sadd.s32 s8, s29  }
0x75: {  	p0 =	sne.s32 s16, $0x1;
	_ =	swait.ge [sflag:s25], $0x4800;
	s29 =	sshll.u32 s29, $0x4  }
.Ltmp1:
0x76: {  	[sflag:s25] =	ssyncset.done $0x0;
	s30 =	sand.u32 $0x1FFE0, s29;
	(pc) =	sbr.rel @!p0 .LBB2_5-.Ltmp1, $4  }
0x77: {  	[sflag:s25] =	ssyncadd.s32 $0xFFFFB800;
	s29 =	sadd.s32 s2, s30  }
0x78: {  	[tilespmem:s4], [sflag:$0x3] =	stream.linear.gather [hbm4b:s29+s4], $0x80, $0x38;
	[tilespmem:$0x1FA00] =	vst v63  }
0x79: {  	s31 =	sadd.s32 s6, s30;
	_ =	swait.ge [sflag:s20], $0x80  }
0x7a: {  	s30 =	simm.s32 $0x3;
	s29 =	sadd.s32 $0xFFFFFFFF, s16;
	[sflag:s20] =	ssyncset.done $0x0  }
.LBB2_4:
0x7b: {  	p0 =	sne.s32 s29, $0x1;
	(drf) =	srem.u32 s30, s7;
	[sflag:s20] =	ssyncadd.s32 $0xFFFFFF80  }
0x7c: {  	[tilespmem:s24], [sflag:$0x3] =	stream.linear.gather [hbm4b:s31+s4], $0x80, $0x38;
	[tilespmem:$0x1FA00] =	vst v63  }
0x7d: {  	s29 =	sadd.s32 $0xFFFFFFFF, s29;
	_ =	swait.ge [sflag:s20], $0x80  }
0x7e: {  	[sflag:s20] =	ssyncset.done $0x0  }
0x7f: {  	[sflag:s20] =	ssyncadd.s32 $0xFFFFFF80  }
0x80: {  	[tilespmem:s19], [sflag:$0x1] =	stream.indirect.gather [hbm4b:s5+s21], $0x90, s4, s21, $0xb8;
	[tilespmem:$0x1FA00] =	vst v63  }
0x81: {  	_ = 	snop  }
0x82: {  	[spmem:s3] =	stream.indirect.scatter.add.f32 [tilespmem:s23], [sflag:$0x2], $0x90, s22, s21, $0xb8;
	[tilespmem:$0x1FA00] =	vst v63  }
0x83: {  	_ =	swait.ge [sflag:s25], $0x4800  }
0x84: {  	[sflag:s25] =	ssyncset.done $0x0;
	s31 =	spop (drf)  }
0x85: {  	[sflag:s25] =	ssyncadd.s32 $0xFFFFB800  }
0x86: {  	s31 =	sadd.s32 s8, s31;
	_ =	swait.ge [sflag:s26], $0x4800  }
0x87: {  	s31 =	sshll.u32 s31, $0x4;
	[sflag:s26] =	ssyncset.done $0x0  }
0x88: {  	s1 =	sadd.s32 s2, s31;
	[sflag:s26] =	ssyncadd.s32 $0xFFFFB800  }
0x89: {  	[tilespmem:s21], [sflag:$0x3] =	stream.linear.gather [hbm4b:s1+s4], $0x80, $0x38;
	[tilespmem:$0x1FA00] =	vst v63  }
0x8a: {  	_ =	swait.ge [sflag:s20], $0x80  }
0x8b: {  	s1 =	sadd.s32 $0x1, s30;
	[sflag:s20] =	ssyncset.done $0x0  }
0x8c: {  	s31 =	sadd.s32 s6, s31;
	[sflag:s20] =	ssyncadd.s32 $0xFFFFFF80;
	(drf) =	srem.u32 s1, s7  }
0x8d: {  	[tilespmem:s22], [sflag:$0x3] =	stream.linear.gather [hbm4b:s31+s4], $0x80, $0x38;
	[tilespmem:$0x1FA00] =	vst v63  }
0x8e: {  	_ =	swait.ge [sflag:s20], $0x80  }
0x8f: {  	[sflag:s20] =	ssyncset.done $0x0  }
0x90: {  	[sflag:s20] =	ssyncadd.s32 $0xFFFFFF80  }
0x91: {  	[tilespmem:s23], [sflag:$0x2] =	stream.indirect.gather [hbm4b:s5+s21], $0x90, s21, s21, $0xb8;
	[tilespmem:$0x1FA00] =	vst v63  }
0x92: {  	_ = 	snop  }
0x93: {  	[spmem:s3] =	stream.indirect.scatter.add.f32 [tilespmem:s19], [sflag:$0x1], $0x90, s24, s21, $0xb8;
	[tilespmem:$0x1FA00] =	vst v63  }
0x94: {  	_ =	swait.ge [sflag:s26], $0x4800  }
0x95: {  	[sflag:s26] =	ssyncset.done $0x0;
	s1 =	spop (drf)  }
0x96: {  	[sflag:s26] =	ssyncadd.s32 $0xFFFFB800;
	s1 =	sadd.s32 s8, s1  }
0x97: {  	_ =	swait.ge [sflag:s25], $0x4800;
	s1 =	sshll.u32 s1, $0x4  }
.Ltmp2:
0x98: {  	[sflag:s25] =	ssyncset.done $0x0;
	s1 =	sand.u32 $0x1FFE0, s1;
	(pc) =	sbr.rel @p0 .LBB2_4-.Ltmp2, $4  }
0x99: {  	[sflag:s25] =	ssyncadd.s32 $0xFFFFB800;
	s0 =	sadd.s32 s2, s1;
	s31 =	sadd.s32 s6, s1  }
0x9a: {  	[tilespmem:s4], [sflag:$0x3] =	stream.linear.gather [hbm4b:s0+s4], $0x80, $0x38;
	[tilespmem:$0x1FA00] =	vst v63  }
0x9b: {  	_ =	swait.ge [sflag:s20], $0x80  }
0x9c: {  	s30 =	sadd.s32 $0x2, s30;
	[sflag:s20] =	ssyncset.done $0x0  }
.LBB2_5:
0x9d: {  	[sflag:s20] =	ssyncadd.s32 $0xFFFFFF80  }
0x9e: {  	[tilespmem:s24], [sflag:$0x3] =	stream.linear.gather [hbm4b:s31+s4], $0x80, $0x38;
	[tilespmem:$0x1FA00] =	vst v63  }
0x9f: {  	_ =	swait.ge [sflag:s20], $0x80  }
0xa0: {  	[sflag:s20] =	ssyncset.done $0x0  }
0xa1: {  	[sflag:s20] =	ssyncadd.s32 $0xFFFFFF80  }
0xa2: {  	[tilespmem:s19], [sflag:$0x1] =	stream.indirect.gather [hbm4b:s5+s21], $0x90, s4, s21, $0xb8;
	[tilespmem:$0x1FA00] =	vst v63  }
0xa3: {  	_ = 	snop  }
0xa4: {  	[spmem:s3] =	stream.indirect.scatter.add.f32 [tilespmem:s23], [sflag:$0x2], $0x90, s22, s21, $0xb8;
	[tilespmem:$0x1FA00] =	vst v63  }
0xa5: {  	_ =	swait.ge [sflag:s25], $0x4800  }
0xa6: {  	[sflag:s25] =	ssyncset.done $0x0  }
0xa7: {  	[sflag:s25] =	ssyncadd.s32 $0xFFFFB800  }
0xa8: {  	s0 =	stileid.u32;
	_ =	swait.ge [sflag:s26], $0x4800  }
0xa9: {  	s1 =	sshrl.u32 s9, $0x3;
	s28 =	sadd.s32 $0x1, s28;
	[sflag:s26] =	ssyncset.done $0x0  }
0xaa: {  	s0 =	sshll.u32 s0, $0x6;
	p0 =	sne.s32 s28, s18;
	[sflag:s26] =	ssyncadd.s32 $0xFFFFB800  }
.Ltmp3:
0xab: {  	s0 =	sor.u32 $0x1C03, s0;
	[bflag:$0x0] =	sbarrier.arrive $0xFFFF;
	(pc) =	sbr.rel @p0 .LBB2_1-.Ltmp3, $4  }
0xac: {  	[hbm:s17], [sflag:s0] =	dma.local [spmem:s1], $0x2D00  }
0xad: {  	_ =	swait.ge [sflag:s20], $0x2D00  }
0xae: {  	[sflag:s20] =	ssyncset.done $0x0  }
0xaf: {  	[sflag:s20] =	ssyncadd.s32 $0xFFFFD300  }
0xb0: {  	_ =	sfence.sel $0x180000  }
0xb1: {  	[bflag:$0x0] =	sbarrier.arrive $0xFFFF  }
0xb2: {  	_ =	strace $0x90000047  }
0xb3: {  	s0 =	stileid.u32;
	[bflag:$0x2] =	sbarrier.arrive $0xFFFF  }
0xb4: {  	p0 =	sne.s32 s0, $0x0;
	s0 =	rddreg [dreg:$0x3]  }
0xb5: {  	s0 =	sadd.s32 @!p0 $0x100000, s0  }
0xb6: {  	[sflag:s0] =	ssyncadd.tile.s32 @!p0 $0x1;
	_ =	shalt  }
.Lfunc_end2:
_tile_overlayer_lowered:
.L_overlay_start_2:
0xb7: {  	(tag) =	ssettag $0x2  }
0xb8: {  	s0 =	rddreg [dreg:$0x0];
	s2 =	stileid.u32  }
0xb9: {  	s1 =	rddreg [dreg:$0x1];
	p0 =	sne.s32 s2, $0x0  }
0xba: {  	s3 =	rddreg [dreg:$0x2];
	[bflag:$0x3] =	sbarrier.arrive $0xFFFF;
	s2 =	simm.s32 @!p0 $0x1C03  }
0xbb: {  	[timem:s3], [sflag:s2] =	dma.local @!p0 [hbm:s0], s1  }
0xbc: {  	s0 =	simm.s32 @!p0 $0x3  }
0xbd: {  	_ =	swait.ge @!p0 [sflag:s0], s1  }
0xbe: {  	s1 =	ssub.s32 @!p0 $0x0, s1;
	[sflag:s0] =	ssyncset.done @!p0 $0x0  }
0xbf: {  	[sflag:s0] =	ssyncadd.s32 @!p0 s1  }
0xc0: {  	[bflag:$0x3] =	sbarrier.arrive $0xFFFF  }
0xc1: {  	_ =	shalt  }

// kernel: kernel.9.cloned.1.call-start
scs
__scs_entry_jumppad:
0x0: {  	(pc) =	sbr.rel $0x88, $3  }
0x1: {  	(tag) =	ssettag $0x0;
	lr =	simm.s32 $0x1  }
0x2: {  	[smem:$0x3F99] =	sst lr;
	_ =	strace $0xD0000000  }
0x3: {  	_ = 	snop  }
0x4: {  	_ = 	snop  }
0x5: {  	_ = 	snop  }
0x6: {  	_ = 	snop  }
0x7: {  	_ = 	snop  }
__scs_overlays_trampoline_lowered:
0x8: {  	[smem:$0x3FA8] =	sst s0  }
0x9: {  	[smem:$0x3FA9] =	sst s1  }
0xa: {  	[smem:$0x3FAA] =	sst s2  }
0xb: {  	[smem:$0x3FAB] =	sst s3  }
0xc: {  	[smem:$0x3FAC] =	sst s4  }
0xd: {  	[smem:$0x3FAD] =	sst s5  }
0xe: {  	[smem:$0x3FAE] =	sst s6  }
0xf: {  	[smem:$0x3FAF] =	sst s7  }
0x10: {  	[smem:$0x3FB0] =	sst s8  }
0x11: {  	[smem:$0x3FB1] =	sst s9;
	s0 =	simm.s32 @!p0 $0x0  }
0x12: {  	s1 =	sld [smem:$0x3F97];
	s0 =	simm.s32 @p0 $0x1  }
0x13: {  	[smem:$0x3FB2] =	sst s0;
	s0 =	simm.s32 @!p1 $0x0  }
0x14: {  	s2 =	sld [smem:$0x3F96];
	s0 =	simm.s32 @p1 $0x1  }
0x15: {  	[smem:$0x3FB3] =	sst s0;
	s0 =	simm.s32 @!p2 $0x0  }
0x16: {  	s3 =	sld [smem:$0x3FDB];
	s0 =	simm.s32 @p2 $0x1  }
0x17: {  	s4 =	simm.s32 $0x1BF5;
	[smem:$0x3FB5] =	sst s0  }
0x18: {  	s0 =	sld [smem:$0x3F98];
	_ =	swait.ge [sflag:s4], $0x0  }
0x19: {  	s7 =	sld [smem:$0x3F99]  }
0x1a: {  	s8 =	sadd.s32 $0xFFFFE003, lr  }
0x1b: {  	s9 =	sadd.s32 $0xFFFFFEF7, lr;
	s5 =	simm.s32 $0xFFFFFFFF;
	p2 =	slt.u32 s8, $0xFFFFF086  }
0x1c: {  	p1 =	slt.u32 s9, $0xF7A;
	s5 =	simm.s32 @!p2 $0x0  }
0x1d: {  	s5 =	simm.s32 @p1 $0x1;
	p0 =	seq.s32 s7, s2  }
0x1e: {  	s7 =	smul.u32 @!p0 $0xF7A, s2;
	p2 =	seq.s32 @!p0 s5, $0x0  }
0x1f: {  	s9 =	smul.u32 $0xF7A, s1;
	s8 =	simm.s32 @!p0 $0x1BF5;
	p2 =	por !p2, p0  }
0x20: {  	[sflag:s8] =	ssyncset.s32 @!p0 $0xFFFFF086;
	s6 =	sadd.s32 @!p0 s3, s7;
	s7 =	simm.s32 @!p0 $0x108  }
0x21: {  	s3 =	sadd.s32 s3, s9;
	s6 =	sadd.s32 @!p0 $0x88, s6;
	s7 =	simm.s32 @p2 $0x1082  }
0x22: {  	[simem:s7], [sflag:s8] =	dma.local @!p0 [hbm:s6], $0xF7A  }
0x23: {  	s9 =	sor.u32 $0xD0000000, s2;
	s6 =	simm.s32 $0x108;
	_ =	swait.ge @!p0 [sflag:s8], $0x0  }
0x24: {  	s3 =	sadd.s32 $0x88, s3;
	s6 =	simm.s32 @!p1 $0x1082;
	[sflag:s4] =	ssyncset.s32 $0xFFFFF086  }
0x25: {  	[simem:s6], [sflag:s4] =	dma.local [hbm:s3], $0xF7A  }
0x26: {  	[smem:$0x3F99] =	sst s1;
	(tag) =	ssettag s2;
	_ =	strace s9  }
0x27: {  	s1 =	sld [smem:$0x3FA9]  }
0x28: {  	s2 =	sld [smem:$0x3FAA]  }
0x29: {  	s4 =	sld [smem:$0x3FAC]  }
0x2a: {  	p0 =	seq.s32 s5, $0x0;
	s5 =	sld [smem:$0x3FAD]  }
0x2b: {  	s6 =	sld [smem:$0x3FAE]  }
0x2c: {  	s7 =	sld [smem:$0x3FAF]  }
0x2d: {  	s3 =	simm.s32 $0x108;
	s8 =	sld [smem:$0x3FB0]  }
0x2e: {  	s3 =	simm.s32 @!p0 $0x1082;
	s9 =	sld [smem:$0x3FB1]  }
0x2f: {  	lr =	sadd.s32 s0, s3;
	s0 =	sld [smem:$0x3FA8]  }
0x30: {  	s3 =	sld [smem:$0x3FAB]  }
0x31: {  	[smem:$0x3FB4] =	sst s10  }
0x32: {  	s10 =	sld [smem:$0x3FB2];
	_ =	sdelay $0x3  }
0x33: {  	p0 =	seq.s32 s10, $0x1;
	s10 =	sld [smem:$0x3FB4];
	_ =	sdelay $0x3  }
0x34: {  	[smem:$0x3FB4] =	sst s10  }
0x35: {  	s10 =	sld [smem:$0x3FB3];
	_ =	sdelay $0x3  }
0x36: {  	p1 =	seq.s32 s10, $0x1;
	s10 =	sld [smem:$0x3FB4];
	_ =	sdelay $0x3  }
0x37: {  	[smem:$0x3FB4] =	sst s10  }
0x38: {  	s10 =	sld [smem:$0x3FB5]  }
0x39: {  	_ = 	snop;
	(pc) =	sbr.ind lr, $3  }
0x3a: {  	_ = 	snop  }
0x3b: {  	_ = 	snop  }
0x3c: {  	p2 =	seq.s32 s10, $0x1;
	s10 =	sld [smem:$0x3FB4]  }
0x3d: {  	_ =	shalt  }
0x3e: {  	_ =	shalt  }
0x3f: {  	_ =	shalt  }
0x40: {  	_ =	shalt  }
0x41: {  	_ =	shalt  }
0x42: {  	_ =	shalt  }
0x43: {  	_ =	shalt  }
0x44: {  	_ =	shalt  }
0x45: {  	_ =	shalt  }
0x46: {  	_ =	shalt  }
0x47: {  	_ =	shalt  }
0x48: {  	_ =	shalt  }
0x49: {  	_ =	shalt  }
0x4a: {  	_ =	shalt  }
0x4b: {  	_ =	shalt  }
0x4c: {  	_ =	shalt  }
0x4d: {  	_ =	shalt  }
0x4e: {  	_ =	shalt  }
0x4f: {  	_ =	shalt  }
0x50: {  	_ =	shalt  }
0x51: {  	_ =	shalt  }
0x52: {  	_ =	shalt  }
0x53: {  	_ =	shalt  }
0x54: {  	_ =	shalt  }
0x55: {  	_ =	shalt  }
0x56: {  	_ =	shalt  }
0x57: {  	_ =	shalt  }
0x58: {  	_ =	shalt  }
0x59: {  	_ =	shalt  }
0x5a: {  	_ =	shalt  }
0x5b: {  	_ =	shalt  }
0x5c: {  	_ =	shalt  }
0x5d: {  	_ =	shalt  }
0x5e: {  	_ =	shalt  }
0x5f: {  	_ =	shalt  }
0x60: {  	_ =	shalt  }
0x61: {  	_ =	shalt  }
0x62: {  	_ =	shalt  }
0x63: {  	_ =	shalt  }
0x64: {  	_ =	shalt  }
0x65: {  	_ =	shalt  }
0x66: {  	_ =	shalt  }
0x67: {  	_ =	shalt  }
0x68: {  	_ =	shalt  }
0x69: {  	_ =	shalt  }
0x6a: {  	_ =	shalt  }
0x6b: {  	_ =	shalt  }
0x6c: {  	_ =	shalt  }
0x6d: {  	_ =	shalt  }
0x6e: {  	_ =	shalt  }
0x6f: {  	_ =	shalt  }
0x70: {  	_ =	shalt  }
0x71: {  	_ =	shalt  }
0x72: {  	_ =	shalt  }
0x73: {  	_ =	shalt  }
0x74: {  	_ =	shalt  }
0x75: {  	_ =	shalt  }
0x76: {  	_ =	shalt  }
0x77: {  	_ =	shalt  }
0x78: {  	_ =	shalt  }
0x79: {  	_ =	shalt  }
0x7a: {  	_ =	shalt  }
0x7b: {  	_ =	shalt  }
0x7c: {  	_ =	shalt  }
0x7d: {  	_ =	shalt  }
0x7e: {  	_ =	shalt  }
0x7f: {  	_ =	shalt  }
0x80: {  	_ =	shalt  }
0x81: {  	_ =	shalt  }
0x82: {  	_ =	shalt  }
0x83: {  	_ =	shalt  }
0x84: {  	_ =	shalt  }
0x85: {  	_ =	shalt  }
0x86: {  	_ =	shalt  }
0x87: {  	_ =	shalt  }
.Lfunc_end0:
.L_simem_size_0:
called_computation.1_lowered:
.L_overlay_start_0:
0x88: {  	s2 =	sld [smem:$0x3FD9]  }
0x89: {  	s3 =	sld [smem:$0x3FFE];
	_ =	sdelay $0x1  }
0x8a: {  	s1 =	srdreg.scid  }
0x8b: {  	s0 =	sand.u32 $0x1, s1  }
0x8c: {  	s14 =	sshll.u32 s0, $0xA;
	s2 =	sadd.s32 s3, s2  }
0x8d: {  	s2 =	sadd.s32 s2, s14  }
0x8e: {  	[smem:$0x3FC0] =	sst s2  }
0x8f: {  	_ = 	snop  }
0x90: {  	s2 =	sld [smem:$0x3FD0];
	_ =	sdelay $0x2  }
0x91: {  	s15 =	simm.s32 $0xA;
	s4 =	simm.s32 $0x10  }
0x92: {  	[smem:s4], [sflag:s15] =	dma.local [hbm:s2], $0x1  }
0x93: {  	_ =	swait.eq [sflag:s15], $0x1  }
0x94: {  	[sflag:s15] =	ssyncset.done $0x0  }
0x95: {  	[sflag:s15] =	ssyncadd.s32 $0xFFFFFFFF  }
0x96: {  	s16 =	sld [smem:$0x11];
	(tm) =	ssettm $0x1  }
0x97: {  	s17 =	sld [smem:$0x3FFB];
	_ =	sdelay $0x3  }
0x98: {  	_ =	strace s17  }
0x99: {  	s3 =	sld [smem:$0x3FFC];
	_ =	sdelay $0x3  }
0x9a: {  	_ =	strace s3  }
0x9b: {  	s3 =	sld [smem:$0x3FFD];
	_ =	sdelay $0x3  }
0x9c: {  	_ =	strace s3  }
0x9d: {  	_ =	strace $0x8FFFFFFF  }
0x9e: {  	s18 =	sld [smem:$0x3FDB];
	_ =	sdelay $0x1  }
0x9f: {  	s19 =	simm.s32 $_scs_section_size  }
0xa0: {  	s5 =	simm.s32 $_size__tile_overlayer_lowered;
	s6 =	simm.s32 $_tile_overlayer_lowered  }
0xa1: {  	s22 =	simm.s32 $0x1BFF;
	s21 =	sshll.u32 s6, $0x1;
	s3 =	sadd.s32 s19, s18  }
0xa2: {  	s7 =	simm.s32 $0x0;
	s20 =	sshll.u32 s5, $0x1;
	s5 =	sadd.s32 s21, s3  }
0xa3: {  	[timem:s7], [sflag:s22] =	dma.local [hbm:s5], s20  }
0xa4: {  	_ =	swait.ge [sflag:s22], s20  }
0xa5: {  	s4 =	ssub.s32 $0x0, s20;
	[sflag:s22] =	ssyncset.done $0x0  }
0xa6: {  	[sflag:s22] =	ssyncadd.s32 s4;
	_ =	sdelay $0x1  }
0xa7: {  	s23 =	simm.s32 $0x1B8B  }
0xa8: {  	_ =	swait.ge [sflag:s23], $0x1  }
0xa9: {  	[sflag:s23] =	ssyncset.done $0x0  }
0xaa: {  	s25 =	simm.s32 $0x1B8E;
	s24 =	sld [smem:$0x3FFE];
	[sflag:s23] =	ssyncadd.s32 $0xFFFFFFFF  }
0xab: {  	s26 =	simm.s32 $execute0_lowered;
	[smem:$0x3FD2] =	sst s25  }
0xac: {  	s5 =	sshll.u32 s26, $0x1;
	_ =	strace $0x80000049;
	[dreg:$0x1] =	wrdreg $0xFFFFFFFF  }
0xad: {  	s28 =	simm.s32 $_size_execute0_lowered;
	s3 =	sadd.s32 s3, s5;
	[dreg:$0x0] =	wrdreg $0x0  }
0xae: {  	s5 =	sshll.u32 s28, $0x1;
	[dreg:$0x2] =	wrdreg s3  }
0xaf: {  	[dreg:$0x3] =	wrdreg s5  }
0xb0: {  	[dreg:$0x4] =	wrdreg $0xC0  }
0xb1: {  	_ =	task [dreg:s7], $0x5FFFF  }
0xb2: {  	[dreg:$0x1] =	wrdreg $0xFFFFFFFF  }
0xb3: {  	[dreg:$0x0] =	wrdreg $0x60  }
0xb4: {  	[dreg:$0x2] =	wrdreg s24  }
0xb5: {  	[dreg:$0x3] =	wrdreg s16  }
0xb6: {  	[dreg:$0x4] =	wrdreg $0x92000  }
0xb7: {  	[dreg:$0x5] =	wrdreg $0x9  }
0xb8: {  	_ =	task.clear_ibuf [dreg:s7], $0x6FFFF;
	_ =	strace $0x90000049  }
0xb9: {  	s29 =	simm.s32 $0x9;
	_ =	strace $0x8000004B  }
0xba: {  	_ =	swait.ge [sflag:s29], $0x1  }
0xbb: {  	[sflag:s29] =	ssyncadd.s32 $0xFFFFFFFF  }
0xbc: {  	_ =	strace $0x9000004B  }
0xbd: {  	_ =	sfence  }
0xbe: {  	s30 =	sld [smem:$0x0];
	_ =	sdelay $0x2  }
0xbf: {  	s31 =	sshll.u32 s1, $0xD;
	s1 =	sshrl.u32 s1, $0x2  }
0xc0: {  	s3 =	sand.u32 $0x4000, s31;
	s1 =	sadd.s32 s1, s30  }
0xc1: {  	s0 =	sor.u32 s3, s0;
	s1 =	sshll.u32 s1, $0x11  }
0xc2: {  	s0 =	sor.u32 s1, s0  }
0xc3: {  	s0 =	sadd.s32 $0x8F2B, s0  }
0xc4: {  	[sflag:s0] =	ssyncadd.remote.s32 $0x1  }
0xc5: {  	_ =	sfence.sel $0xFFFF  }
0xc6: {  	[dreg:$0x0] =	wrdreg $0xFFFFFFFF;
	(pc) =	sbr.abs _section_cstart, $3  }
0xc7: {  	[dreg:$0x1] =	wrdreg $0xFFFFFFFF  }
0xc8: {  	_ =	task.clear_ibuf [dreg:s7], $0x2FFFF;
	_ =	strace $0x9FFFFFFF  }
0xc9: {  	(tm) =	ssettm $0x7FFFFFFF  }
tec
execute0_lowered:
.L_overlay_start_1:
0x0: {  	(tag) =	ssettag $0x1  }
0x1: {  	s7 =	rddreg [dreg:$0x0]  }
0x2: {  	s2 =	rddreg [dreg:$0x1]  }
0x3: {  	s1 =	srdreg.scid;
	s0 =	stileid.u32  }
0x4: {  	s3 =	rddreg [dreg:$0x2];
	s4 =	simm.s32 $0x0;
	s19 =	simm.s32 $0x200  }
0x5: {  	s20 =	simm.s32 $0x3;
	s21 =	simm.s32 $0x80;
	s22 =	simm.s32 $0x180  }
0x6: {  	s23 =	simm.s32 $0x4A00;
	s24 =	simm.s32 $0x100;
	s9 =	smul.u32 $0x16800, s0  }
0x7: {  	s25 =	simm.s32 $0x1;
	s26 =	simm.s32 $0x2;
	s30 =	smul.u32 $0x5A000, s0  }
0x8: {  	s28 =	simm.s32 $0x0;
	s8 =	sand.u32 $0x1, s1;
	s31 =	smul.u32 $0x18, s0  }
0x9: {  	[smem:$0x7FF] =	sst s4;
	s5 =	sadd.s32 $0x1A00, s7;
	s6 =	smul.u32 $0x168000, s8  }
0xa: {  	_ =	strace $0x8000004A;
	s11 =	ssub.s32 $0x2, s8;
	p0 =	seq.s32 s8, $0x0  }
0xb: {  	s29 =	sshrl.u32 s11, $0x1;
	s8 =	sadd.s32 $0x880, s31;
	s10 =	sadd.s32 s9, s6  }
0xc: {  	s6 =	sadd.s32 $0x2DA00, s7;
	s18 =	ssub.s32 s11, s29;
	s11 =	smul.u32 $0x88, s0  }
0xd: {  	s9 =	sadd.s32 s9, s3;
	s10 =	sshrl.u32 s10, $0x3;
	s18 =	smax.u32 s18, $0x1  }
0xe: {  	s17 =	sadd.s32 s10, s7;
	s7 =	simm.s32 $0x88;
	s10 =	sshrl.u32 s30, $0x2  }
0xf: {  	s8 =	smov.u32 @p0 s11;
	s7 =	simm.s32 @!p0 $0x18;
	s13 =	sadd.s32 s10, s3  }
0x10: {  	s15 =	sshll.u32 s8, $0x4;
	s17 =	sadd.s32 $0x37A00, s17;
	s10 =	sadd.s32 $0x4800, s13  }
0x11: {  	s11 =	sadd.s32 $0x9000, s13;
	s12 =	sadd.s32 $0xD800, s13;
	s13 =	sadd.s32 $0x12000, s13  }
0x12: {  	v0 =	vimm.f32 $0.0e+00;
	v1 =	vimm.s32 $0x2710;
	s14 =	sadd.s32 s2, s15;
	s15 =	sadd.s32 s6, s15;
	s16 =	sshrl.u32 s7, $0x1  }
.LBB2_1:
0x13: {  	s29 =	simm.s32 $0x80;
	s30 =	simm.s32 $0x440  }
.LBB2_2:
0x14: {  	p0 =	sne.s32 s30, $0x11FC0;
	[tilespmem:s29+$0x4A00] =	vst v0  }
0x15: {  	[tilespmem:s29+$0x180] =	vst v0  }
0x16: {  	[tilespmem:s29+$0x190] =	vst v0  }
0x17: {  	[tilespmem:s29+$0x1A0] =	vst v0  }
0x18: {  	[tilespmem:s29+$0x1B0] =	vst v0  }
0x19: {  	[tilespmem:s29+$0x1C0] =	vst v0  }
0x1a: {  	[tilespmem:s29+$0x1D0] =	vst v0  }
0x1b: {  	[tilespmem:s29+$0x1E0] =	vst v0  }
0x1c: {  	[tilespmem:s29+$0x1F0] =	vst v0  }
0x1d: {  	[tilespmem:s29+$0x200] =	vst v0  }
0x1e: {  	[tilespmem:s29+$0x4980] =	vst v0  }
0x1f: {  	[tilespmem:s29+$0x4990] =	vst v0  }
0x20: {  	[tilespmem:s29+$0x49A0] =	vst v0  }
.Ltmp0:
0x21: {  	[tilespmem:s29+$0x49B0] =	vst v0;
	(pc) =	sbr.rel @p0 .LBB2_2-.Ltmp0, $4  }
0x22: {  	[tilespmem:s29+$0x49C0] =	vst v0  }
0x23: {  	[tilespmem:s29+$0x49D0] =	vst v0  }
0x24: {  	[tilespmem:s29+$0x49E0] =	vst v0  }
0x25: {  	[tilespmem:s29+$0x49F0] =	vst v0;
	s29 =	sshra.s32 s30, $0x2;
	s30 =	sadd.s32 $0x240, s30  }
0x26: {  	[tilespmem:s29+$0x4A00] =	vst v0  }
0x27: {  	[tilespmem:s29+$0x180] =	vst v0  }
0x28: {  	[tilespmem:s29+$0x190] =	vst v0  }
0x29: {  	[tilespmem:s29+$0x1A0] =	vst v0  }
0x2a: {  	[tilespmem:s29+$0x1B0] =	vst v0  }
0x2b: {  	[tilespmem:s29+$0x1C0] =	vst v0  }
0x2c: {  	[tilespmem:s29+$0x1D0] =	vst v0  }
0x2d: {  	[tilespmem:s29+$0x1E0] =	vst v0  }
0x2e: {  	[tilespmem:s29+$0x1F0] =	vst v0  }
0x2f: {  	[tilespmem:s29+$0x200] =	vst v0  }
0x30: {  	[tilespmem:s29+$0x4980] =	vst v0  }
0x31: {  	[tilespmem:s29+$0x4990] =	vst v0  }
0x32: {  	[tilespmem:s29+$0x49A0] =	vst v0  }
0x33: {  	[tilespmem:s29+$0x49B0] =	vst v0  }
0x34: {  	[tilespmem:s29+$0x49C0] =	vst v0  }
0x35: {  	[tilespmem:s29+$0x49D0] =	vst v0  }
0x36: {  	[tilespmem:s29+$0x49E0] =	vst v0  }
0x37: {  	[tilespmem:s29+$0x49F0] =	vst v0  }
0x38: {  	[spmem:s9] =	stream.linear.scatter [tilespmem:s19], [sflag:$0x3], $0x4800, $0x38;
	[tilespmem:$0x1FA00] =	vst v63  }
0x39: {  	_ =	swait.ge [sflag:s20], $0x4800  }
0x3a: {  	[sflag:s20] =	ssyncset.done $0x0  }
0x3b: {  	[sflag:s20] =	ssyncadd.s32 $0xFFFFB800  }
0x3c: {  	[spmem:s10] =	stream.linear.scatter [tilespmem:s19], [sflag:$0x3], $0x4800, $0x38;
	[tilespmem:$0x1FA00] =	vst v63  }
0x3d: {  	_ =	swait.ge [sflag:s20], $0x4800  }
0x3e: {  	[sflag:s20] =	ssyncset.done $0x0  }
0x3f: {  	[sflag:s20] =	ssyncadd.s32 $0xFFFFB800  }
0x40: {  	[spmem:s11] =	stream.linear.scatter [tilespmem:s19], [sflag:$0x3], $0x4800, $0x38;
	[tilespmem:$0x1FA00] =	vst v63  }
0x41: {  	_ =	swait.ge [sflag:s20], $0x4800  }
0x42: {  	[sflag:s20] =	ssyncset.done $0x0  }
0x43: {  	[sflag:s20] =	ssyncadd.s32 $0xFFFFB800  }
0x44: {  	[spmem:s12] =	stream.linear.scatter [tilespmem:s19], [sflag:$0x3], $0x4800, $0x38;
	[tilespmem:$0x1FA00] =	vst v63  }
0x45: {  	_ =	swait.ge [sflag:s20], $0x4800  }
0x46: {  	[sflag:s20] =	ssyncset.done $0x0  }
0x47: {  	[sflag:s20] =	ssyncadd.s32 $0xFFFFB800  }
0x48: {  	[spmem:s13] =	stream.linear.scatter [tilespmem:s19], [sflag:$0x3], $0x4800, $0x38;
	[tilespmem:$0x1FA00] =	vst v63  }
0x49: {  	_ =	swait.ge [sflag:s20], $0x4800  }
0x4a: {  	[sflag:s20] =	ssyncset.done $0x0  }
0x4b: {  	[sflag:s20] =	ssyncadd.s32 $0xFFFFB800  }
0x4c: {  	[tilespmem:$0x180] =	vst v1  }
0x4d: {  	[tilespmem:$0x190] =	vst v1  }
0x4e: {  	[tilespmem:$0x1A0] =	vst v1  }
0x4f: {  	[tilespmem:$0x1B0] =	vst v1  }
0x50: {  	[tilespmem:$0x1C0] =	vst v1  }
0x51: {  	[tilespmem:$0x1D0] =	vst v1  }
0x52: {  	[tilespmem:$0x1E0] =	vst v1  }
0x53: {  	[tilespmem:$0x1F0] =	vst v1  }
0x54: {  	[bflag:$0x0] =	sbarrier.arrive $0xFFFF  }
0x55: {  	[spmem:s3] =	stream.indirect.scatter.add.f32 [tilespmem:s23], [sflag:$0x2], $0x90, s22, s21, $0xb8;
	[tilespmem:$0x1FA00] =	vst v63  }
0x56: {  	_ = 	snop  }
0x57: {  	[tilespmem:s4], [sflag:$0x3] =	stream.linear.gather [hbm4b:s14+s4], $0x80, $0x38;
	[tilespmem:$0x1FA00] =	vst v63  }
0x58: {  	_ =	swait.ge [sflag:s20], $0x80  }
0x59: {  	[sflag:s20] =	ssyncset.done $0x0  }
0x5a: {  	[sflag:s20] =	ssyncadd.s32 $0xFFFFFF80  }
0x5b: {  	[tilespmem:s24], [sflag:$0x3] =	stream.linear.gather [hbm4b:s15+s4], $0x80, $0x38;
	[tilespmem:$0x1FA00] =	vst v63  }
0x5c: {  	s29 =	simm.s32 $0x1;
	_ =	swait.ge [sflag:s20], $0x80  }
0x5d: {  	(drf) =	srem.u32 s29, s7;
	_ =	sdelay $0x3  }
0x5e: {  	[sflag:s20] =	ssyncset.done $0x0  }
0x5f: {  	[sflag:s20] =	ssyncadd.s32 $0xFFFFFF80  }
0x60: {  	[tilespmem:s19], [sflag:$0x1] =	stream.indirect.gather [hbm4b:s5+s21], $0x90, s4, s21, $0xb8;
	[tilespmem:$0x1FA00] =	vst v63  }
0x61: {  	_ =	swait.ge [sflag:s25], $0x4800  }
0x62: {  	[sflag:s25] =	ssyncset.done $0x0  }
0x63: {  	[sflag:s25] =	ssyncadd.s32 $0xFFFFB800;
	s29 =	spop (drf)  }
0x64: {  	_ =	swait.ge [sflag:s26], $0x4800;
	s29 =	sadd.s32 s8, s29  }
0x65: {  	[sflag:s26] =	ssyncset.done $0x0;
	s29 =	sshll.u32 s29, $0x4  }
0x66: {  	[sflag:s26] =	ssyncadd.s32 $0xFFFFB800;
	s30 =	sadd.s32 s2, s29  }
0x67: {  	[tilespmem:s21], [sflag:$0x3] =	stream.linear.gather [hbm4b:s30+s4], $0x80, $0x38;
	[tilespmem:$0x1FA00] =	vst v63  }
0x68: {  	_ =	swait.ge [sflag:s20], $0x80  }
0x69: {  	s30 =	simm.s32 $0x2;
	[sflag:s20] =	ssyncset.done $0x0  }
0x6a: {  	s29 =	sadd.s32 s6, s29;
	(drf) =	srem.u32 s30, s7;
	[sflag:s20] =	ssyncadd.s32 $0xFFFFFF80  }
0x6b: {  	[tilespmem:s22], [sflag:$0x3] =	stream.linear.gather [hbm4b:s29+s4], $0x80, $0x38;
	[tilespmem:$0x1FA00] =	vst v63  }
0x6c: {  	_ =	swait.ge [sflag:s20], $0x80  }
0x6d: {  	[sflag:s20] =	ssyncset.done $0x0  }
0x6e: {  	[sflag:s20] =	ssyncadd.s32 $0xFFFFFF80  }
0x6f: {  	[tilespmem:s23], [sflag:$0x2] =	stream.indirect.gather [hbm4b:s5+s21], $0x90, s21, s21, $0xb8;
	[tilespmem:$0x1FA00] =	vst v63  }
0x70: {  	_ = 	snop  }
0x71: {  	[spmem:s3] =	stream.indirect.scatter.add.f32 [tilespmem:s19], [sflag:$0x1], $0x90, s24, s21, $0xb8;
	[tilespmem:$0x1FA00] =	vst v63  }
0x72: {  	_ =	swait.ge [sflag:s26], $0x4800  }
0x73: {  	[sflag:s26] =	ssyncset.done $0x0;
	s29 =	spop (drf)  }
0x74: {  	[sflag:s26] =	ssyncadd.s32 $0xFFFFB800;
	s29 =	sadd.s32 s8, s29  }
0x75: {  	p0 =	sne.s32 s16, $0x1;
	_ =	swait.ge [sflag:s25], $0x4800;
	s29 =	sshll.u32 s29, $0x4  }
.Ltmp1:
0x76: {  	[sflag:s25] =	ssyncset.done $0x0;
	s30 =	sand.u32 $0x1FFE0, s29;
	(pc) =	sbr.rel @!p0 .LBB2_5-.Ltmp1, $4  }
0x77: {  	[sflag:s25] =	ssyncadd.s32 $0xFFFFB800;
	s29 =	sadd.s32 s2, s30  }
0x78: {  	[tilespmem:s4], [sflag:$0x3] =	stream.linear.gather [hbm4b:s29+s4], $0x80, $0x38;
	[tilespmem:$0x1FA00] =	vst v63  }
0x79: {  	s31 =	sadd.s32 s6, s30;
	_ =	swait.ge [sflag:s20], $0x80  }
0x7a: {  	s30 =	simm.s32 $0x3;
	s29 =	sadd.s32 $0xFFFFFFFF, s16;
	[sflag:s20] =	ssyncset.done $0x0  }
.LBB2_4:
0x7b: {  	p0 =	sne.s32 s29, $0x1;
	(drf) =	srem.u32 s30, s7;
	[sflag:s20] =	ssyncadd.s32 $0xFFFFFF80  }
0x7c: {  	[tilespmem:s24], [sflag:$0x3] =	stream.linear.gather [hbm4b:s31+s4], $0x80, $0x38;
	[tilespmem:$0x1FA00] =	vst v63  }
0x7d: {  	s29 =	sadd.s32 $0xFFFFFFFF, s29;
	_ =	swait.ge [sflag:s20], $0x80  }
0x7e: {  	[sflag:s20] =	ssyncset.done $0x0  }
0x7f: {  	[sflag:s20] =	ssyncadd.s32 $0xFFFFFF80  }
0x80: {  	[tilespmem:s19], [sflag:$0x1] =	stream.indirect.gather [hbm4b:s5+s21], $0x90, s4, s21, $0xb8;
	[tilespmem:$0x1FA00] =	vst v63  }
0x81: {  	_ = 	snop  }
0x82: {  	[spmem:s3] =	stream.indirect.scatter.add.f32 [tilespmem:s23], [sflag:$0x2], $0x90, s22, s21, $0xb8;
	[tilespmem:$0x1FA00] =	vst v63  }
0x83: {  	_ =	swait.ge [sflag:s25], $0x4800  }
0x84: {  	[sflag:s25] =	ssyncset.done $0x0;
	s31 =	spop (drf)  }
0x85: {  	[sflag:s25] =	ssyncadd.s32 $0xFFFFB800  }
0x86: {  	s31 =	sadd.s32 s8, s31;
	_ =	swait.ge [sflag:s26], $0x4800  }
0x87: {  	s31 =	sshll.u32 s31, $0x4;
	[sflag:s26] =	ssyncset.done $0x0  }
0x88: {  	s1 =	sadd.s32 s2, s31;
	[sflag:s26] =	ssyncadd.s32 $0xFFFFB800  }
0x89: {  	[tilespmem:s21], [sflag:$0x3] =	stream.linear.gather [hbm4b:s1+s4], $0x80, $0x38;
	[tilespmem:$0x1FA00] =	vst v63  }
0x8a: {  	_ =	swait.ge [sflag:s20], $0x80  }
0x8b: {  	s1 =	sadd.s32 $0x1, s30;
	[sflag:s20] =	ssyncset.done $0x0  }
0x8c: {  	s31 =	sadd.s32 s6, s31;
	[sflag:s20] =	ssyncadd.s32 $0xFFFFFF80;
	(drf) =	srem.u32 s1, s7  }
0x8d: {  	[tilespmem:s22], [sflag:$0x3] =	stream.linear.gather [hbm4b:s31+s4], $0x80, $0x38;
	[tilespmem:$0x1FA00] =	vst v63  }
0x8e: {  	_ =	swait.ge [sflag:s20], $0x80  }
0x8f: {  	[sflag:s20] =	ssyncset.done $0x0  }
0x90: {  	[sflag:s20] =	ssyncadd.s32 $0xFFFFFF80  }
0x91: {  	[tilespmem:s23], [sflag:$0x2] =	stream.indirect.gather [hbm4b:s5+s21], $0x90, s21, s21, $0xb8;
	[tilespmem:$0x1FA00] =	vst v63  }
0x92: {  	_ = 	snop  }
0x93: {  	[spmem:s3] =	stream.indirect.scatter.add.f32 [tilespmem:s19], [sflag:$0x1], $0x90, s24, s21, $0xb8;
	[tilespmem:$0x1FA00] =	vst v63  }
0x94: {  	_ =	swait.ge [sflag:s26], $0x4800  }
0x95: {  	[sflag:s26] =	ssyncset.done $0x0;
	s1 =	spop (drf)  }
0x96: {  	[sflag:s26] =	ssyncadd.s32 $0xFFFFB800;
	s1 =	sadd.s32 s8, s1  }
0x97: {  	_ =	swait.ge [sflag:s25], $0x4800;
	s1 =	sshll.u32 s1, $0x4  }
.Ltmp2:
0x98: {  	[sflag:s25] =	ssyncset.done $0x0;
	s1 =	sand.u32 $0x1FFE0, s1;
	(pc) =	sbr.rel @p0 .LBB2_4-.Ltmp2, $4  }
0x99: {  	[sflag:s25] =	ssyncadd.s32 $0xFFFFB800;
	s0 =	sadd.s32 s2, s1;
	s31 =	sadd.s32 s6, s1  }
0x9a: {  	[tilespmem:s4], [sflag:$0x3] =	stream.linear.gather [hbm4b:s0+s4], $0x80, $0x38;
	[tilespmem:$0x1FA00] =	vst v63  }
0x9b: {  	_ =	swait.ge [sflag:s20], $0x80  }
0x9c: {  	s30 =	sadd.s32 $0x2, s30;
	[sflag:s20] =	ssyncset.done $0x0  }
.LBB2_5:
0x9d: {  	[sflag:s20] =	ssyncadd.s32 $0xFFFFFF80  }
0x9e: {  	[tilespmem:s24], [sflag:$0x3] =	stream.linear.gather [hbm4b:s31+s4], $0x80, $0x38;
	[tilespmem:$0x1FA00] =	vst v63  }
0x9f: {  	_ =	swait.ge [sflag:s20], $0x80  }
0xa0: {  	[sflag:s20] =	ssyncset.done $0x0  }
0xa1: {  	[sflag:s20] =	ssyncadd.s32 $0xFFFFFF80  }
0xa2: {  	[tilespmem:s19], [sflag:$0x1] =	stream.indirect.gather [hbm4b:s5+s21], $0x90, s4, s21, $0xb8;
	[tilespmem:$0x1FA00] =	vst v63  }
0xa3: {  	_ = 	snop  }
0xa4: {  	[spmem:s3] =	stream.indirect.scatter.add.f32 [tilespmem:s23], [sflag:$0x2], $0x90, s22, s21, $0xb8;
	[tilespmem:$0x1FA00] =	vst v63  }
0xa5: {  	_ =	swait.ge [sflag:s25], $0x4800  }
0xa6: {  	[sflag:s25] =	ssyncset.done $0x0  }
0xa7: {  	[sflag:s25] =	ssyncadd.s32 $0xFFFFB800  }
0xa8: {  	s0 =	stileid.u32;
	_ =	swait.ge [sflag:s26], $0x4800  }
0xa9: {  	s1 =	sshrl.u32 s9, $0x3;
	s28 =	sadd.s32 $0x1, s28;
	[sflag:s26] =	ssyncset.done $0x0  }
0xaa: {  	s0 =	sshll.u32 s0, $0x6;
	p0 =	sne.s32 s28, s18;
	[sflag:s26] =	ssyncadd.s32 $0xFFFFB800  }
.Ltmp3:
0xab: {  	s0 =	sor.u32 $0x1C03, s0;
	[bflag:$0x0] =	sbarrier.arrive $0xFFFF;
	(pc) =	sbr.rel @p0 .LBB2_1-.Ltmp3, $4  }
0xac: {  	[hbm:s17], [sflag:s0] =	dma.local [spmem:s1], $0x2D00  }
0xad: {  	_ =	swait.ge [sflag:s20], $0x2D00  }
0xae: {  	[sflag:s20] =	ssyncset.done $0x0  }
0xaf: {  	[sflag:s20] =	ssyncadd.s32 $0xFFFFD300  }
0xb0: {  	_ =	sfence.sel $0x180000  }
0xb1: {  	[bflag:$0x0] =	sbarrier.arrive $0xFFFF  }
0xb2: {  	_ =	strace $0x9000004A  }
0xb3: {  	s0 =	stileid.u32;
	[bflag:$0x2] =	sbarrier.arrive $0xFFFF  }
0xb4: {  	p0 =	sne.s32 s0, $0x0;
	s0 =	rddreg [dreg:$0x3]  }
0xb5: {  	s0 =	sadd.s32 @!p0 $0x100000, s0  }
0xb6: {  	[sflag:s0] =	ssyncadd.tile.s32 @!p0 $0x1;
	_ =	shalt  }
.Lfunc_end2:
_tile_overlayer_lowered:
.L_overlay_start_2:
0xb7: {  	(tag) =	ssettag $0x2  }
0xb8: {  	s0 =	rddreg [dreg:$0x0];
	s2 =	stileid.u32  }
0xb9: {  	s1 =	rddreg [dreg:$0x1];
	p0 =	sne.s32 s2, $0x0  }
0xba: {  	s3 =	rddreg [dreg:$0x2];
	[bflag:$0x3] =	sbarrier.arrive $0xFFFF;
	s2 =	simm.s32 @!p0 $0x1C03  }
0xbb: {  	[timem:s3], [sflag:s2] =	dma.local @!p0 [hbm:s0], s1  }
0xbc: {  	s0 =	simm.s32 @!p0 $0x3  }
0xbd: {  	_ =	swait.ge @!p0 [sflag:s0], s1  }
0xbe: {  	s1 =	ssub.s32 @!p0 $0x0, s1;
	[sflag:s0] =	ssyncset.done @!p0 $0x0  }
0xbf: {  	[sflag:s0] =	ssyncadd.s32 @!p0 s1  }
0xc0: {  	[bflag:$0x3] =	sbarrier.arrive $0xFFFF  }
0xc1: {  	_ =	shalt  }

</sc_bundles>
